<compile_context>
chip_gen: v7x
topology: tpu7x:2x2x1
jax: 0.10.2.dev20260603
libtpu: 0.0.44.dev20260713+nightly
codegen_flags: <defaults>
</compile_context>

<pallas_src>
import jax
import jax.numpy as jnp
from jax import lax
from jax.experimental import pallas as pl
from jax.experimental.pallas import tpu as pltpu
from jax.experimental.pallas import tpu_sc as plsc

N = 10000
E = 320000
D = 128
NC = 2
NS = 16
NW = NC * NS
CHUNK = 64
NCHT = 160
EPAD = NW * NCHT * CHUNK
NROW = 10240
ROWS_PT = NROW // NS
IH = NCHT // 2
DW = 16

_MESH = plsc.VectorSubcoreMesh(core_axis_name="c", subcore_axis_name="s")
_SC_PARAMS = pltpu.CompilerParams(use_tc_tiling_on_sc=False)


def _deg_body(dst_hbm, out_hbm, idx_d, ones_v, zbuf, acc):
    c = lax.axis_index("c")
    s = lax.axis_index("s")
    wid = c * NS + s
    pltpu.sync_copy(dst_hbm.at[pl.ds(wid * NCHT, NCHT)], idx_d)

    def fill(i, carry):
        ones_v[i, :] = jnp.ones((DW,), jnp.float32)
        zbuf[i, :] = jnp.zeros((DW,), jnp.float32)
        return carry

    lax.fori_loop(0, ROWS_PT, fill, 0)
    pltpu.sync_copy(zbuf, acc.at[pl.ds(s * ROWS_PT, ROWS_PT)])
    plsc.subcore_barrier()

    def edge(j, carry):
        pltpu.sync_copy(ones_v.at[pl.ds(0, CHUNK)], acc.at[idx_d.at[j]], add=True)
        return carry

    lax.fori_loop(0, NCHT, edge, 0)
    plsc.subcore_barrier()
    pltpu.sync_copy(acc.at[pl.ds(s * ROWS_PT, ROWS_PT)],
                    out_hbm.at[pl.ds(s * ROWS_PT, ROWS_PT), pl.ds(c * DW, DW)])


_deg_call = pl.kernel(
    _deg_body,
    out_type=jax.ShapeDtypeStruct((NROW, D), jnp.float32),
    mesh=_MESH,
    scratch_types=[
        pltpu.VMEM((NCHT, CHUNK), jnp.int32),
        pltpu.VMEM((ROWS_PT, DW), jnp.float32),
        pltpu.VMEM((ROWS_PT, DW), jnp.float32),
        pltpu.VMEM_SHARED((NROW, DW), jnp.float32),
    ],
    compiler_params=_SC_PARAMS,
)


def _scatter_body(g_hbm, src_hbm, dst_hbm, out_hbm, idx_s, idx_d,
                  rb0, rb1, rb2, rb3, acc, sem0, sem1, sem2, sem3):
    c = lax.axis_index("c")
    s = lax.axis_index("s")
    wid = c * NS + s
    rbs = (rb0, rb1, rb2, rb3)
    sems = (sem0, sem1, sem2, sem3)

    def zfill(i, carry):
        for j in range(D // 16):
            rb0[i, pl.ds(j * 16, 16)] = jnp.zeros((16,), jnp.float32)
        return carry

    lax.fori_loop(0, CHUNK, zfill, 0)

    def zcopy(k, carry):
        pltpu.sync_copy(rb0, acc.at[pl.ds(s * ROWS_PT + k * CHUNK, CHUNK)])
        return carry

    lax.fori_loop(0, ROWS_PT // CHUNK, zcopy, 0)
    plsc.subcore_barrier()

    for h in range(NCHT // IH):
        pltpu.sync_copy(src_hbm.at[pl.ds(wid * NCHT + h * IH, IH)], idx_s)
        pltpu.sync_copy(dst_hbm.at[pl.ds(wid * NCHT + h * IH, IH)], idx_d)
        for b in range(3):
            pltpu.async_copy(g_hbm.at[idx_s.at[b]], rbs[b], sems[b])

        def quad(i, carry):
            j = 4 * i
            for b in range(4):
                jj = j + b
                nb = (b + 3) % 4
                pltpu.make_async_copy(g_hbm.at[idx_s.at[jj]], rbs[b], sems[b]).wait()
                pltpu.sync_copy(rbs[b], acc.at[idx_d.at[jj]], add=True)

                @pl.when(jj + 3 < IH)
                def _(jj=jj, nb=nb):
                    pltpu.async_copy(g_hbm.at[idx_s.at[jj + 3]], rbs[nb], sems[nb])
            return carry

        lax.fori_loop(0, IH // 4, quad, 0)
    plsc.subcore_barrier()
    pltpu.sync_copy(acc.at[pl.ds(s * ROWS_PT, ROWS_PT)],
                    out_hbm.at[c, pl.ds(s * ROWS_PT, ROWS_PT)])


_scatter_call = pl.kernel(
    _scatter_body,
    out_type=jax.ShapeDtypeStruct((NC, NROW, D), jnp.float32),
    mesh=_MESH,
    scratch_types=[
        pltpu.VMEM((IH, CHUNK), jnp.int32),
        pltpu.VMEM((IH, CHUNK), jnp.int32),
        pltpu.VMEM((CHUNK, D), jnp.float32),
        pltpu.VMEM((CHUNK, D), jnp.float32),
        pltpu.VMEM((CHUNK, D), jnp.float32),
        pltpu.VMEM((CHUNK, D), jnp.float32),
        pltpu.VMEM_SHARED((NROW, D), jnp.float32),
        pltpu.SemaphoreType.DMA,
        pltpu.SemaphoreType.DMA,
        pltpu.SemaphoreType.DMA,
        pltpu.SemaphoreType.DMA,
    ],
    compiler_params=_SC_PARAMS,
)

BM = 1000


def _mm_body(x_ref, w_ref, o_ref):
    o_ref[...] = jnp.dot(x_ref[...], w_ref[...], preferred_element_type=jnp.float32)


def _mm(x, w):
    return pl.pallas_call(
        _mm_body,
        grid=(N // BM,),
        in_specs=[pl.BlockSpec((BM, D), lambda i: (i, 0)),
                  pl.BlockSpec((D, D), lambda i: (0, 0))],
        out_specs=pl.BlockSpec((BM, D), lambda i: (i, 0)),
        out_shape=jax.ShapeDtypeStruct((N, D), jnp.float32),
    )(x, w)


def _scale_body(degp_ref, h_ref, dinv_ref, g_ref):
    deg = degp_ref[:, 0:1] + degp_ref[:, DW:DW + 1] + 1.0
    dinv = lax.rsqrt(deg)
    dinv_ref[...] = dinv
    g_ref[...] = h_ref[...] * dinv


def _scale(degp, h):
    return pl.pallas_call(
        _scale_body,
        grid=(N // BM,),
        in_specs=[pl.BlockSpec((BM, D), lambda i: (i, 0)),
                  pl.BlockSpec((BM, D), lambda i: (i, 0))],
        out_specs=[pl.BlockSpec((BM, 1), lambda i: (i, 0)),
                   pl.BlockSpec((BM, D), lambda i: (i, 0))],
        out_shape=[jax.ShapeDtypeStruct((N, 1), jnp.float32),
                   jax.ShapeDtypeStruct((N, D), jnp.float32)],
    )(degp, h)


def _mid_body(sp_ref, g_ref, dinv_ref, b_ref, w_ref, o_ref):
    ssum = sp_ref[0] + sp_ref[1]
    dinv = dinv_ref[...]
    x2 = jnp.maximum((ssum + g_ref[...]) * dinv + b_ref[...], 0.0)
    o_ref[...] = jnp.dot(x2, w_ref[...], preferred_element_type=jnp.float32) * dinv


def _mid(sp, g, dinv, b, w):
    return pl.pallas_call(
        _mid_body,
        grid=(N // BM,),
        in_specs=[pl.BlockSpec((NC, BM, D), lambda i: (0, i, 0)),
                  pl.BlockSpec((BM, D), lambda i: (i, 0)),
                  pl.BlockSpec((BM, 1), lambda i: (i, 0)),
                  pl.BlockSpec((1, D), lambda i: (0, 0)),
                  pl.BlockSpec((D, D), lambda i: (0, 0))],
        out_specs=pl.BlockSpec((BM, D), lambda i: (i, 0)),
        out_shape=jax.ShapeDtypeStruct((N, D), jnp.float32),
    )(sp, g, dinv, b, w)


def _fin_body(sp_ref, g_ref, dinv_ref, b_ref, o_ref):
    ssum = sp_ref[0] + sp_ref[1]
    o_ref[...] = jnp.maximum((ssum + g_ref[...]) * dinv_ref[...] + b_ref[...], 0.0)


def _fin(sp, g, dinv, b):
    return pl.pallas_call(
        _fin_body,
        grid=(N // BM,),
        in_specs=[pl.BlockSpec((NC, BM, D), lambda i: (0, i, 0)),
                  pl.BlockSpec((BM, D), lambda i: (i, 0)),
                  pl.BlockSpec((BM, 1), lambda i: (i, 0)),
                  pl.BlockSpec((1, D), lambda i: (0, 0))],
        out_specs=pl.BlockSpec((BM, D), lambda i: (i, 0)),
        out_shape=jax.ShapeDtypeStruct((N, D), jnp.float32),
    )(sp, g, dinv, b)


def kernel(x, edge_index, W1, b1, W2, b2):
    pad_s = jnp.arange(EPAD - E, dtype=jnp.int32) % N
    pad_d = N + (jnp.arange(EPAD - E, dtype=jnp.int32) % (NROW - N))
    src = jnp.concatenate([edge_index[0], pad_s]).reshape(NW * NCHT, CHUNK)
    dst = jnp.concatenate([edge_index[1], pad_d]).reshape(NW * NCHT, CHUNK)
    degp = _deg_call(dst)
    h1 = _mm(x, W1)
    dinv, g1 = _scale(degp, h1)
    s1 = _scatter_call(g1, src, dst)
    g2 = _mid(s1, g1, dinv, b1.reshape(1, D), W2)
    s2 = _scatter_call(g2, src, dst)
    return _fin(s2, g2, dinv, b2.reshape(1, D))

# --- scband reference (transcript-rebuilt; emitter-appended) ---
"""Pipeline reference for scband-gembed-net-42417097015897 (READ-ONLY COPY).

The authoritative reference and input builder live on the scoring server;
editing this copy changes nothing except your own understanding.
"""

import jax, jax.numpy as jnp
import numpy as np

N = 10000
E = 320000
D_IN = 128
D_H = 128


def setup_inputs(seed: int = 0) -> dict:
    key = jax.random.key(seed)
    k1, k2, k3, k4 = jax.random.split(key, 4)
    x = jax.random.normal(k1, (N, D_IN), dtype=jnp.float32)
    edge_index = jax.random.randint(k2, (2, E), 0, N, dtype=jnp.int32)
    W1 = jax.random.normal(k3, (D_IN, D_H), dtype=jnp.float32) * (1.0 / np.sqrt(D_IN))
    b1 = jnp.zeros((D_H,), dtype=jnp.float32)
    W2 = jax.random.normal(k4, (D_H, D_H), dtype=jnp.float32) * (1.0 / np.sqrt(D_H))
    b2 = jnp.zeros((D_H,), dtype=jnp.float32)
    return {"x": x, "edge_index": edge_index, "W1": W1, "b1": b1, "W2": W2, "b2": b2}


def _gcn_conv(x, edge_index, W, b):
    # Faithful GCNConv: linear transform, add self-loops, symmetric normalization,
    # scatter-add aggregation, bias.
    h = x @ W
    src = edge_index[0]
    dst = edge_index[1]
    loop = jnp.arange(N, dtype=src.dtype)
    src = jnp.concatenate([src, loop])
    dst = jnp.concatenate([dst, loop])
    deg = jnp.zeros((N,), dtype=x.dtype).at[dst].add(1.0)
    deg_inv_sqrt = jnp.where(deg > 0, jax.lax.rsqrt(jnp.maximum(deg, 1e-12)), 0.0)
    norm = deg_inv_sqrt[src] * deg_inv_sqrt[dst]
    msg = h[src] * norm[:, None]
    out = jnp.zeros((N, h.shape[1]), dtype=x.dtype).at[dst].add(msg)
    return out + b


def reference(x, edge_index, W1, b1, W2, b2):
    x = jax.nn.relu(_gcn_conv(x, edge_index, W1, b1))
    x = jax.nn.relu(_gcn_conv(x, edge_index, W2, b2))
    return x

if __name__ == "__main__":
    import jax
    _d = setup_inputs()
    print(jax.jit(kernel)(*tuple(_d.values())))

</pallas_src>

<mosaic_0001>
#map = affine_map<(d0, d1) -> (0, 0)>
#map1 = affine_map<(d0, d1) -> (0, 0, 0)>
module attributes {stable_mosaic.version = 14 : i64} {
  func.func @_scatter_body(%arg0: i32, %arg1: i32, %arg2: memref<10000x128xf32, #tpu.memory_space<hbm>>, %arg3: memref<5120x64xi32, #tpu.memory_space<hbm>>, %arg4: memref<5120x64xi32, #tpu.memory_space<hbm>>, %arg5: memref<2x10240x128xf32, #tpu.memory_space<hbm>>, %arg6: memref<80x64xi32, #tpu.memory_space<vmem>>, %arg7: memref<80x64xi32, #tpu.memory_space<vmem>>, %arg8: memref<64x128xf32, #tpu.memory_space<vmem>>, %arg9: memref<64x128xf32, #tpu.memory_space<vmem>>, %arg10: memref<64x128xf32, #tpu.memory_space<vmem>>, %arg11: memref<64x128xf32, #tpu.memory_space<vmem>>, %arg12: memref<10240x128xf32, #tpu.memory_space<vmem_shared>>, %arg13: memref<!tpu.dma_semaphore, #tpu.memory_space<semaphore_mem>>, %arg14: memref<!tpu.dma_semaphore, #tpu.memory_space<semaphore_mem>>, %arg15: memref<!tpu.dma_semaphore, #tpu.memory_space<semaphore_mem>>, %arg16: memref<!tpu.dma_semaphore, #tpu.memory_space<semaphore_mem>>) attributes {dimension_semantics = [#tpu.dimension_semantics<core_parallel>, #tpu.dimension_semantics<subcore_parallel>], iteration_bounds = array<i64: 2, 16>, scalar_prefetch = 0 : i64, scratch_operands = 11 : i64, tpu.core_type = #tpu.core_type<sc_vector_subcore>, window_params = [{transform_indices = #map}, {transform_indices = #map}, {transform_indices = #map}, {transform_indices = #map1}]} {
    %mul3A = arith.constant 16 : i32
    %mul3A_0 = arith.muli %arg0, %mul3A : i32
    %add3A = arith.addi %mul3A_0, %arg1 : i32
    %scan3A = arith.constant 0 : i32
    %scan3A_1 = arith.constant 0 : i32
    %scan3A_2 = arith.constant 64 : i32
    %scan3A_3 = arith.addi %scan3A_1, %scan3A_2 : i32
    %scan3A_4 = arith.constant 1 : i32
    scf.for %scan3A_86 = %scan3A_1 to %scan3A_3 step %scan3A_4  : i32 {
      %broadcast_in_dim3A = arith.constant 0.000000e+00 : f32
      %broadcast_in_dim3A_87 = vector.broadcast %broadcast_in_dim3A : f32 to vector<16xf32>
      %swap3A = arith.index_cast %scan3A_86 : i32 to index
      %swap3A_88 = arith.constant 0 : index
      %swap3A_89 = tpu.vector_load %arg8[%swap3A, %swap3A_88] {strides = array<i32>} : memref<64x128xf32, #tpu.memory_space<vmem>>, vector<1x16xf32>,
      %swap3A_90 = vector.shape_cast %swap3A_89 : vector<1x16xf32> to vector<16xf32>
      %swap3A_91 = vector.shape_cast %broadcast_in_dim3A_87 : vector<16xf32> to vector<1x16xf32>
      tpu.vector_store %arg8[%swap3A, %swap3A_88], %swap3A_91 {strides = array<i32>} : memref<64x128xf32, #tpu.memory_space<vmem>>, vector<1x16xf32>,
      %broadcast_in_dim3A_92 = arith.constant 0.000000e+00 : f32
      %broadcast_in_dim3A_93 = vector.broadcast %broadcast_in_dim3A_92 : f32 to vector<16xf32>
      %swap3A_94 = arith.index_cast %scan3A_86 : i32 to index
      %swap3A_95 = arith.constant 16 : index
      %swap3A_96 = tpu.vector_load %arg8[%swap3A_94, %swap3A_95] {strides = array<i32>} : memref<64x128xf32, #tpu.memory_space<vmem>>, vector<1x16xf32>,
      %swap3A_97 = vector.shape_cast %swap3A_96 : vector<1x16xf32> to vector<16xf32>
      %swap3A_98 = vector.shape_cast %broadcast_in_dim3A_93 : vector<16xf32> to vector<1x16xf32>
      tpu.vector_store %arg8[%swap3A_94, %swap3A_95], %swap3A_98 {strides = array<i32>} : memref<64x128xf32, #tpu.memory_space<vmem>>, vector<1x16xf32>,
      %broadcast_in_dim3A_99 = arith.constant 0.000000e+00 : f32
      %broadcast_in_dim3A_100 = vector.broadcast %broadcast_in_dim3A_99 : f32 to vector<16xf32>
      %swap3A_101 = arith.index_cast %scan3A_86 : i32 to index
      %swap3A_102 = arith.constant 32 : index
      %swap3A_103 = tpu.vector_load %arg8[%swap3A_101, %swap3A_102] {strides = array<i32>} : memref<64x128xf32, #tpu.memory_space<vmem>>, vector<1x16xf32>,
      %swap3A_104 = vector.shape_cast %swap3A_103 : vector<1x16xf32> to vector<16xf32>
      %swap3A_105 = vector.shape_cast %broadcast_in_dim3A_100 : vector<16xf32> to vector<1x16xf32>
      tpu.vector_store %arg8[%swap3A_101, %swap3A_102], %swap3A_105 {strides = array<i32>} : memref<64x128xf32, #tpu.memory_space<vmem>>, vector<1x16xf32>,
      %broadcast_in_dim3A_106 = arith.constant 0.000000e+00 : f32
      %broadcast_in_dim3A_107 = vector.broadcast %broadcast_in_dim3A_106 : f32 to vector<16xf32>
      %swap3A_108 = arith.index_cast %scan3A_86 : i32 to index
      %swap3A_109 = arith.constant 48 : index
      %swap3A_110 = tpu.vector_load %arg8[%swap3A_108, %swap3A_109] {strides = array<i32>} : memref<64x128xf32, #tpu.memory_space<vmem>>, vector<1x16xf32>,
      %swap3A_111 = vector.shape_cast %swap3A_110 : vector<1x16xf32> to vector<16xf32>
      %swap3A_112 = vector.shape_cast %broadcast_in_dim3A_107 : vector<16xf32> to vector<1x16xf32>
      tpu.vector_store %arg8[%swap3A_108, %swap3A_109], %swap3A_112 {strides = array<i32>} : memref<64x128xf32, #tpu.memory_space<vmem>>, vector<1x16xf32>,
      %broadcast_in_dim3A_113 = arith.constant 0.000000e+00 : f32
      %broadcast_in_dim3A_114 = vector.broadcast %broadcast_in_dim3A_113 : f32 to vector<16xf32>
      %swap3A_115 = arith.index_cast %scan3A_86 : i32 to index
      %swap3A_116 = arith.constant 64 : index
      %swap3A_117 = tpu.vector_load %arg8[%swap3A_115, %swap3A_116] {strides = array<i32>} : memref<64x128xf32, #tpu.memory_space<vmem>>, vector<1x16xf32>,
      %swap3A_118 = vector.shape_cast %swap3A_117 : vector<1x16xf32> to vector<16xf32>
      %swap3A_119 = vector.shape_cast %broadcast_in_dim3A_114 : vector<16xf32> to vector<1x16xf32>
      tpu.vector_store %arg8[%swap3A_115, %swap3A_116], %swap3A_119 {strides = array<i32>} : memref<64x128xf32, #tpu.memory_space<vmem>>, vector<1x16xf32>,
      %broadcast_in_dim3A_120 = arith.constant 0.000000e+00 : f32
      %broadcast_in_dim3A_121 = vector.broadcast %broadcast_in_dim3A_120 : f32 to vector<16xf32>
      %swap3A_122 = arith.index_cast %scan3A_86 : i32 to index
      %swap3A_123 = arith.constant 80 : index
      %swap3A_124 = tpu.vector_load %arg8[%swap3A_122, %swap3A_123] {strides = array<i32>} : memref<64x128xf32, #tpu.memory_space<vmem>>, vector<1x16xf32>,
      %swap3A_125 = vector.shape_cast %swap3A_124 : vector<1x16xf32> to vector<16xf32>
      %swap3A_126 = vector.shape_cast %broadcast_in_dim3A_121 : vector<16xf32> to vector<1x16xf32>
      tpu.vector_store %arg8[%swap3A_122, %swap3A_123], %swap3A_126 {strides = array<i32>} : memref<64x128xf32, #tpu.memory_space<vmem>>, vector<1x16xf32>,
      %broadcast_in_dim3A_127 = arith.constant 0.000000e+00 : f32
      %broadcast_in_dim3A_128 = vector.broadcast %broadcast_in_dim3A_127 : f32 to vector<16xf32>
      %swap3A_129 = arith.index_cast %scan3A_86 : i32 to index
      %swap3A_130 = arith.constant 96 : index
      %swap3A_131 = tpu.vector_load %arg8[%swap3A_129, %swap3A_130] {strides = array<i32>} : memref<64x128xf32, #tpu.memory_space<vmem>>, vector<1x16xf32>,
      %swap3A_132 = vector.shape_cast %swap3A_131 : vector<1x16xf32> to vector<16xf32>
      %swap3A_133 = vector.shape_cast %broadcast_in_dim3A_128 : vector<16xf32> to vector<1x16xf32>
      tpu.vector_store %arg8[%swap3A_129, %swap3A_130], %swap3A_133 {strides = array<i32>} : memref<64x128xf32, #tpu.memory_space<vmem>>, vector<1x16xf32>,
      %broadcast_in_dim3A_134 = arith.constant 0.000000e+00 : f32
      %broadcast_in_dim3A_135 = vector.broadcast %broadcast_in_dim3A_134 : f32 to vector<16xf32>
      %swap3A_136 = arith.index_cast %scan3A_86 : i32 to index
      %swap3A_137 = arith.constant 112 : index
      %swap3A_138 = tpu.vector_load %arg8[%swap3A_136, %swap3A_137] {strides = array<i32>} : memref<64x128xf32, #tpu.memory_space<vmem>>, vector<1x16xf32>,
      %swap3A_139 = vector.shape_cast %swap3A_138 : vector<1x16xf32> to vector<16xf32>
      %swap3A_140 = vector.shape_cast %broadcast_in_dim3A_135 : vector<16xf32> to vector<1x16xf32>
      tpu.vector_store %arg8[%swap3A_136, %swap3A_137], %swap3A_140 {strides = array<i32>} : memref<64x128xf32, #tpu.memory_space<vmem>>, vector<1x16xf32>,
    }
    %scan3A_5 = arith.constant 64 : i32
    %scan3A_6 = arith.constant 0 : i32
    %scan3A_7 = arith.constant 0 : i32
    %scan3A_8 = arith.constant 10 : i32
    %scan3A_9 = arith.addi %scan3A_7, %scan3A_8 : i32
    %scan3A_10 = arith.constant 1 : i32
    scf.for %scan3A_86 = %scan3A_7 to %scan3A_9 step %scan3A_10  : i32 {
      %mul3A_87 = arith.constant 640 : i32
      %mul3A_88 = arith.muli %arg1, %mul3A_87 : i32
      %mul3A_89 = arith.constant 64 : i32
      %mul3A_90 = arith.muli %scan3A_86, %mul3A_89 : i32
      %add3A_91 = arith.addi %mul3A_88, %mul3A_90 : i32
      "tpu.region"() ({
        %run_scoped3A = tpu.sem_alloc : memref<!tpu.dma_semaphore, #tpu.memory_space<semaphore_mem>>
        %dma_start3A_92 = arith.constant 0 : i32
        %dma_start3A_93 = tpu.memref_slice %arg12[%add3A_91, %dma_start3A_92] : memref<10240x128xf32, #tpu.memory_space<vmem_shared>> -> memref<64x128xf32, #tpu.memory_space<vmem_shared>>
        %dma_start3A_94 = arith.constant 0 : i32
        %dma_start3A_95 = tpu.memref_slice %arg12[%add3A_91, %dma_start3A_94] : memref<10240x128xf32, #tpu.memory_space<vmem_shared>> -> memref<64x128xf32, #tpu.memory_space<vmem_shared>>
        tpu.enqueue_dma source(%arg8 : memref<64x128xf32, #tpu.memory_space<vmem>>) target(%dma_start3A_95 : memref<64x128xf32, #tpu.memory_space<vmem_shared>>) target_semaphore(%run_scoped3A : memref<!tpu.dma_semaphore, #tpu.memory_space<semaphore_mem>>)
        %dma_wait3A = arith.constant 0 : i32
        %dma_wait3A_96 = tpu.memref_slice %arg12[%add3A_91, %dma_wait3A] : memref<10240x128xf32, #tpu.memory_space<vmem_shared>> -> memref<64x128xf32, #tpu.memory_space<vmem_shared>>
        %dma_wait3A_97 = arith.constant 0 : i32
        %dma_wait3A_98 = tpu.memref_slice %arg12[%add3A_91, %dma_wait3A_97] : memref<10240x128xf32, #tpu.memory_space<vmem_shared>> -> memref<64x128xf32, #tpu.memory_space<vmem_shared>>
        tpu.wait_dma2 semaphore(%run_scoped3A : memref<!tpu.dma_semaphore, #tpu.memory_space<semaphore_mem>>) src(%arg8 : memref<64x128xf32, #tpu.memory_space<vmem>>) dst(%dma_wait3A_98 : memref<64x128xf32, #tpu.memory_space<vmem_shared>>)
        tpu.yield
      }) : () -> ()
    }
    %scan3A_11 = arith.constant 10 : i32
    %barrier3A = arith.constant 0 : index
    tpu.barrier barrier_id(%barrier3A)
    %mul3A_12 = arith.constant 160 : i32
    %mul3A_13 = arith.muli %add3A, %mul3A_12 : i32
    %add3A_14 = arith.constant 0 : i32
    %add3A_15 = arith.addi %mul3A_13, %add3A_14 : i32
    "tpu.region"() ({
      %run_scoped3A = tpu.sem_alloc : memref<!tpu.dma_semaphore, #tpu.memory_space<semaphore_mem>>
      %dma_start3A_86 = arith.constant 0 : i32
      %dma_start3A_87 = tpu.memref_slice %arg3[%add3A_15, %dma_start3A_86] : memref<5120x64xi32, #tpu.memory_space<hbm>> -> memref<80x64xi32, #tpu.memory_space<hbm>>
      %dma_start3A_88 = arith.constant 0 : i32
      %dma_start3A_89 = tpu.memref_slice %arg3[%add3A_15, %dma_start3A_88] : memref<5120x64xi32, #tpu.memory_space<hbm>> -> memref<80x64xi32, #tpu.memory_space<hbm>>
      tpu.enqueue_dma source(%dma_start3A_89 : memref<80x64xi32, #tpu.memory_space<hbm>>) target(%arg6 : memref<80x64xi32, #tpu.memory_space<vmem>>) target_semaphore(%run_scoped3A : memref<!tpu.dma_semaphore, #tpu.memory_space<semaphore_mem>>)
      %dma_wait3A = arith.constant 0 : i32
      %dma_wait3A_90 = tpu.memref_slice %arg3[%add3A_15, %dma_wait3A] : memref<5120x64xi32, #tpu.memory_space<hbm>> -> memref<80x64xi32, #tpu.memory_space<hbm>>
      %dma_wait3A_91 = arith.constant 0 : i32
      %dma_wait3A_92 = tpu.memref_slice %arg3[%add3A_15, %dma_wait3A_91] : memref<5120x64xi32, #tpu.memory_space<hbm>> -> memref<80x64xi32, #tpu.memory_space<hbm>>
      tpu.wait_dma2 semaphore(%run_scoped3A : memref<!tpu.dma_semaphore, #tpu.memory_space<semaphore_mem>>) src(%dma_wait3A_92 : memref<80x64xi32, #tpu.memory_space<hbm>>) dst(%arg6 : memref<80x64xi32, #tpu.memory_space<vmem>>)
      tpu.yield
    }) : () -> ()
    %mul3A_16 = arith.constant 160 : i32
    %mul3A_17 = arith.muli %add3A, %mul3A_16 : i32
    %add3A_18 = arith.constant 0 : i32
    %add3A_19 = arith.addi %mul3A_17, %add3A_18 : i32
    "tpu.region"() ({
      %run_scoped3A = tpu.sem_alloc : memref<!tpu.dma_semaphore, #tpu.memory_space<semaphore_mem>>
      %dma_start3A_86 = arith.constant 0 : i32
      %dma_start3A_87 = tpu.memref_slice %arg4[%add3A_19, %dma_start3A_86] : memref<5120x64xi32, #tpu.memory_space<hbm>> -> memref<80x64xi32, #tpu.memory_space<hbm>>
      %dma_start3A_88 = arith.constant 0 : i32
      %dma_start3A_89 = tpu.memref_slice %arg4[%add3A_19, %dma_start3A_88] : memref<5120x64xi32, #tpu.memory_space<hbm>> -> memref<80x64xi32, #tpu.memory_space<hbm>>
      tpu.enqueue_dma source(%dma_start3A_89 : memref<80x64xi32, #tpu.memory_space<hbm>>) target(%arg7 : memref<80x64xi32, #tpu.memory_space<vmem>>) target_semaphore(%run_scoped3A : memref<!tpu.dma_semaphore, #tpu.memory_space<semaphore_mem>>)
      %dma_wait3A = arith.constant 0 : i32
      %dma_wait3A_90 = tpu.memref_slice %arg4[%add3A_19, %dma_wait3A] : memref<5120x64xi32, #tpu.memory_space<hbm>> -> memref<80x64xi32, #tpu.memory_space<hbm>>
      %dma_wait3A_91 = arith.constant 0 : i32
      %dma_wait3A_92 = tpu.memref_slice %arg4[%add3A_19, %dma_wait3A_91] : memref<5120x64xi32, #tpu.memory_space<hbm>> -> memref<80x64xi32, #tpu.memory_space<hbm>>
      tpu.wait_dma2 semaphore(%run_scoped3A : memref<!tpu.dma_semaphore, #tpu.memory_space<semaphore_mem>>) src(%dma_wait3A_92 : memref<80x64xi32, #tpu.memory_space<hbm>>) dst(%arg7 : memref<80x64xi32, #tpu.memory_space<vmem>>)
      tpu.yield
    }) : () -> ()
    %dma_start3A = arith.constant 0 : i32
    %dma_start3A_20 = arith.constant 0 : i32
    %dma_start3A_21 = tpu.memref_slice %arg6[%dma_start3A, %dma_start3A_20] : memref<80x64xi32, #tpu.memory_space<vmem>> -> memref<1x64xi32, #tpu.memory_space<vmem>>
    %dma_start3A_22 = tpu.memref_squeeze %dma_start3A_21 : memref<1x64xi32, #tpu.memory_space<vmem>> -> memref<64xi32, #tpu.memory_space<vmem>>
    %dma_start3A_23 = arith.constant 0 : i32
    %dma_start3A_24 = arith.constant 0 : i32
    %dma_start3A_25 = tpu.memref_slice %arg2[%dma_start3A_23, %dma_start3A_24] : memref<10000x128xf32, #tpu.memory_space<hbm>> -> memref<10000x128xf32, #tpu.memory_space<hbm>>
    tpu.enqueue_indirect_dma source(%dma_start3A_25 : memref<10000x128xf32, #tpu.memory_space<hbm>>) target(%arg8 : memref<64x128xf32, #tpu.memory_space<vmem>>) offsets(%dma_start3A_22 : memref<64xi32, #tpu.memory_space<vmem>>) semaphore(%arg13 : memref<!tpu.dma_semaphore, #tpu.memory_space<semaphore_mem>>)
    %dma_start3A_26 = arith.constant 1 : i32
    %dma_start3A_27 = arith.constant 0 : i32
    %dma_start3A_28 = tpu.memref_slice %arg6[%dma_start3A_26, %dma_start3A_27] : memref<80x64xi32, #tpu.memory_space<vmem>> -> memref<1x64xi32, #tpu.memory_space<vmem>>
    %dma_start3A_29 = tpu.memref_squeeze %dma_start3A_28 : memref<1x64xi32, #tpu.memory_space<vmem>> -> memref<64xi32, #tpu.memory_space<vmem>>
    %dma_start3A_30 = arith.constant 0 : i32
    %dma_start3A_31 = arith.constant 0 : i32
    %dma_start3A_32 = tpu.memref_slice %arg2[%dma_start3A_30, %dma_start3A_31] : memref<10000x128xf32, #tpu.memory_space<hbm>> -> memref<10000x128xf32, #tpu.memory_space<hbm>>
    tpu.enqueue_indirect_dma source(%dma_start3A_32 : memref<10000x128xf32, #tpu.memory_space<hbm>>) target(%arg9 : memref<64x128xf32, #tpu.memory_space<vmem>>) offsets(%dma_start3A_29 : memref<64xi32, #tpu.memory_space<vmem>>) semaphore(%arg14 : memref<!tpu.dma_semaphore, #tpu.memory_space<semaphore_mem>>)
    %dma_start3A_33 = arith.constant 2 : i32
    %dma_start3A_34 = arith.constant 0 : i32
    %dma_start3A_35 = tpu.memref_slice %arg6[%dma_start3A_33, %dma_start3A_34] : memref<80x64xi32, #tpu.memory_space<vmem>> -> memref<1x64xi32, #tpu.memory_space<vmem>>
    %dma_start3A_36 = tpu.memref_squeeze %dma_start3A_35 : memref<1x64xi32, #tpu.memory_space<vmem>> -> memref<64xi32, #tpu.memory_space<vmem>>
    %dma_start3A_37 = arith.constant 0 : i32
    %dma_start3A_38 = arith.constant 0 : i32
    %dma_start3A_39 = tpu.memref_slice %arg2[%dma_start3A_37, %dma_start3A_38] : memref<10000x128xf32, #tpu.memory_space<hbm>> -> memref<10000x128xf32, #tpu.memory_space<hbm>>
    tpu.enqueue_indirect_dma source(%dma_start3A_39 : memref<10000x128xf32, #tpu.memory_space<hbm>>) target(%arg10 : memref<64x128xf32, #tpu.memory_space<vmem>>) offsets(%dma_start3A_36 : memref<64xi32, #tpu.memory_space<vmem>>) semaphore(%arg15 : memref<!tpu.dma_semaphore, #tpu.memory_space<semaphore_mem>>)
    %scan3A_40 = arith.constant 0 : i32
    %scan3A_41 = arith.constant 0 : i32
    %scan3A_42 = arith.constant 20 : i32
    %scan3A_43 = arith.addi %scan3A_41, %scan3A_42 : i32
    %scan3A_44 = arith.constant 1 : i32
    scf.for %scan3A_86 = %scan3A_41 to %scan3A_43 step %scan3A_44  : i32 {
      %mul3A_87 = arith.constant 4 : i32
      %mul3A_88 = arith.muli %mul3A_87, %scan3A_86 : i32
      %add3A_89 = arith.constant 0 : i32
      %add3A_90 = arith.addi %mul3A_88, %add3A_89 : i32
      %dma_wait3A = arith.constant 0 : i32
      %dma_wait3A_91 = tpu.memref_slice %arg6[%add3A_90, %dma_wait3A] : memref<80x64xi32, #tpu.memory_space<vmem>> -> memref<1x64xi32, #tpu.memory_space<vmem>>
      %dma_wait3A_92 = tpu.memref_squeeze %dma_wait3A_91 : memref<1x64xi32, #tpu.memory_space<vmem>> -> memref<64xi32, #tpu.memory_space<vmem>>
      %dma_wait3A_93 = arith.constant 0 : i32
      %dma_wait3A_94 = arith.constant 0 : i32
      %dma_wait3A_95 = tpu.memref_slice %arg2[%dma_wait3A_93, %dma_wait3A_94] : memref<10000x128xf32, #tpu.memory_space<hbm>> -> memref<10000x128xf32, #tpu.memory_space<hbm>>
      tpu.wait_indirect_dma semaphore(%arg13 : memref<!tpu.dma_semaphore, #tpu.memory_space<semaphore_mem>>) src(%dma_wait3A_95 : memref<10000x128xf32, #tpu.memory_space<hbm>>) dst(%arg8 : memref<64x128xf32, #tpu.memory_space<vmem>>)
      "tpu.region"() ({
        %run_scoped3A = tpu.sem_alloc : memref<!tpu.dma_semaphore, #tpu.memory_space<semaphore_mem>>
        %dma_start3A_145 = arith.constant 0 : i32
        %dma_start3A_146 = tpu.memref_slice %arg7[%add3A_90, %dma_start3A_145] : memref<80x64xi32, #tpu.memory_space<vmem>> -> memref<1x64xi32, #tpu.memory_space<vmem>>
        %dma_start3A_147 = tpu.memref_squeeze %dma_start3A_146 : memref<1x64xi32, #tpu.memory_space<vmem>> -> memref<64xi32, #tpu.memory_space<vmem>>
        %dma_start3A_148 = arith.constant 0 : i32
        %dma_start3A_149 = arith.constant 0 : i32
        %dma_start3A_150 = tpu.memref_slice %arg12[%dma_start3A_148, %dma_start3A_149] : memref<10240x128xf32, #tpu.memory_space<vmem_shared>> -> memref<10240x128xf32, #tpu.memory_space<vmem_shared>>
        tpu.enqueue_indirect_dma source(%arg8 : memref<64x128xf32, #tpu.memory_space<vmem>>) target(%dma_start3A_150 : memref<10240x128xf32, #tpu.memory_space<vmem_shared>>) offsets(%dma_start3A_147 : memref<64xi32, #tpu.memory_space<vmem>>) semaphore(%run_scoped3A : memref<!tpu.dma_semaphore, #tpu.memory_space<semaphore_mem>>) {add = true}
        %dma_wait3A_151 = arith.constant 0 : i32
        %dma_wait3A_152 = tpu.memref_slice %arg7[%add3A_90, %dma_wait3A_151] : memref<80x64xi32, #tpu.memory_space<vmem>> -> memref<1x64xi32, #tpu.memory_space<vmem>>
        %dma_wait3A_153 = tpu.memref_squeeze %dma_wait3A_152 : memref<1x64xi32, #tpu.memory_space<vmem>> -> memref<64xi32, #tpu.memory_space<vmem>>
        %dma_wait3A_154 = arith.constant 0 : i32
        %dma_wait3A_155 = arith.constant 0 : i32
        %dma_wait3A_156 = tpu.memref_slice %arg12[%dma_wait3A_154, %dma_wait3A_155] : memref<10240x128xf32, #tpu.memory_space<vmem_shared>> -> memref<10240x128xf32, #tpu.memory_space<vmem_shared>>
        tpu.wait_indirect_dma semaphore(%run_scoped3A : memref<!tpu.dma_semaphore, #tpu.memory_space<semaphore_mem>>) src(%arg8 : memref<64x128xf32, #tpu.memory_space<vmem>>) dst(%dma_wait3A_156 : memref<10240x128xf32, #tpu.memory_space<vmem_shared>>)
        tpu.yield
      }) : () -> ()
      %add3A_96 = arith.constant 3 : i32
      %add3A_97 = arith.addi %add3A_90, %add3A_96 : i32
      %lt3A = arith.constant 80 : i32
      %lt3A_98 = arith.cmpi slt, %add3A_97, %lt3A : i32
      %convert_element_type3A = arith.extui %lt3A_98 : i1 to i32
      %cond3A = arith.constant 0 : i32
      %cond3A_99 = arith.cmpi ne, %convert_element_type3A, %cond3A : i32
      scf.if %cond3A_99 {
        %add3A_145 = arith.constant 3 : i32
        %add3A_146 = arith.addi %add3A_90, %add3A_145 : i32
        %dma_start3A_147 = arith.constant 0 : i32
        %dma_start3A_148 = tpu.memref_slice %arg6[%add3A_146, %dma_start3A_147] : memref<80x64xi32, #tpu.memory_space<vmem>> -> memref<1x64xi32, #tpu.memory_space<vmem>>
        %dma_start3A_149 = tpu.memref_squeeze %dma_start3A_148 : memref<1x64xi32, #tpu.memory_space<vmem>> -> memref<64xi32, #tpu.memory_space<vmem>>
        %dma_start3A_150 = arith.constant 0 : i32
        %dma_start3A_151 = arith.constant 0 : i32
        %dma_start3A_152 = tpu.memref_slice %arg2[%dma_start3A_150, %dma_start3A_151] : memref<10000x128xf32, #tpu.memory_space<hbm>> -> memref<10000x128xf32, #tpu.memory_space<hbm>>
        tpu.enqueue_indirect_dma source(%dma_start3A_152 : memref<10000x128xf32, #tpu.memory_space<hbm>>) target(%arg11 : memref<64x128xf32, #tpu.memory_space<vmem>>) offsets(%dma_start3A_149 : memref<64xi32, #tpu.memory_space<vmem>>) semaphore(%arg16 : memref<!tpu.dma_semaphore, #tpu.memory_space<semaphore_mem>>)
      } else {
      }
      %add3A_100 = arith.constant 1 : i32
      %add3A_101 = arith.addi %mul3A_88, %add3A_100 : i32
      %dma_wait3A_102 = arith.constant 0 : i32
      %dma_wait3A_103 = tpu.memref_slice %arg6[%add3A_101, %dma_wait3A_102] : memref<80x64xi32, #tpu.memory_space<vmem>> -> memref<1x64xi32, #tpu.memory_space<vmem>>
      %dma_wait3A_104 = tpu.memref_squeeze %dma_wait3A_103 : memref<1x64xi32, #tpu.memory_space<vmem>> -> memref<64xi32, #tpu.memory_space<vmem>>
      %dma_wait3A_105 = arith.constant 0 : i32
      %dma_wait3A_106 = arith.constant 0 : i32
      %dma_wait3A_107 = tpu.memref_slice %arg2[%dma_wait3A_105, %dma_wait3A_106] : memref<10000x128xf32, #tpu.memory_space<hbm>> -> memref<10000x128xf32, #tpu.memory_space<hbm>>
      tpu.wait_indirect_dma semaphore(%arg14 : memref<!tpu.dma_semaphore, #tpu.memory_space<semaphore_mem>>) src(%dma_wait3A_107 : memref<10000x128xf32, #tpu.memory_space<hbm>>) dst(%arg9 : memref<64x128xf32, #tpu.memory_space<vmem>>)
      "tpu.region"() ({
        %run_scoped3A = tpu.sem_alloc : memref<!tpu.dma_semaphore, #tpu.memory_space<semaphore_mem>>
        %dma_start3A_145 = arith.constant 0 : i32
        %dma_start3A_146 = tpu.memref_slice %arg7[%add3A_101, %dma_start3A_145] : memref<80x64xi32, #tpu.memory_space<vmem>> -> memref<1x64xi32, #tpu.memory_space<vmem>>
        %dma_start3A_147 = tpu.memref_squeeze %dma_start3A_146 : memref<1x64xi32, #tpu.memory_space<vmem>> -> memref<64xi32, #tpu.memory_space<vmem>>
        %dma_start3A_148 = arith.constant 0 : i32
        %dma_start3A_149 = arith.constant 0 : i32
        %dma_start3A_150 = tpu.memref_slice %arg12[%dma_start3A_148, %dma_start3A_149] : memref<10240x128xf32, #tpu.memory_space<vmem_shared>> -> memref<10240x128xf32, #tpu.memory_space<vmem_shared>>
        tpu.enqueue_indirect_dma source(%arg9 : memref<64x128xf32, #tpu.memory_space<vmem>>) target(%dma_start3A_150 : memref<10240x128xf32, #tpu.memory_space<vmem_shared>>) offsets(%dma_start3A_147 : memref<64xi32, #tpu.memory_space<vmem>>) semaphore(%run_scoped3A : memref<!tpu.dma_semaphore, #tpu.memory_space<semaphore_mem>>) {add = true}
        %dma_wait3A_151 = arith.constant 0 : i32
        %dma_wait3A_152 = tpu.memref_slice %arg7[%add3A_101, %dma_wait3A_151] : memref<80x64xi32, #tpu.memory_space<vmem>> -> memref<1x64xi32, #tpu.memory_space<vmem>>
        %dma_wait3A_153 = tpu.memref_squeeze %dma_wait3A_152 : memref<1x64xi32, #tpu.memory_space<vmem>> -> memref<64xi32, #tpu.memory_space<vmem>>
        %dma_wait3A_154 = arith.constant 0 : i32
        %dma_wait3A_155 = arith.constant 0 : i32
        %dma_wait3A_156 = tpu.memref_slice %arg12[%dma_wait3A_154, %dma_wait3A_155] : memref<10240x128xf32, #tpu.memory_space<vmem_shared>> -> memref<10240x128xf32, #tpu.memory_space<vmem_shared>>
        tpu.wait_indirect_dma semaphore(%run_scoped3A : memref<!tpu.dma_semaphore, #tpu.memory_space<semaphore_mem>>) src(%arg9 : memref<64x128xf32, #tpu.memory_space<vmem>>) dst(%dma_wait3A_156 : memref<10240x128xf32, #tpu.memory_space<vmem_shared>>)
        tpu.yield
      }) : () -> ()
      %add3A_108 = arith.constant 3 : i32
      %add3A_109 = arith.addi %add3A_101, %add3A_108 : i32
      %lt3A_110 = arith.constant 80 : i32
      %lt3A_111 = arith.cmpi slt, %add3A_109, %lt3A_110 : i32
      %convert_element_type3A_112 = arith.extui %lt3A_111 : i1 to i32
      %cond3A_113 = arith.constant 0 : i32
      %cond3A_114 = arith.cmpi ne, %convert_element_type3A_112, %cond3A_113 : i32
      scf.if %cond3A_114 {
        %add3A_145 = arith.constant 3 : i32
        %add3A_146 = arith.addi %add3A_101, %add3A_145 : i32
        %dma_start3A_147 = arith.constant 0 : i32
        %dma_start3A_148 = tpu.memref_slice %arg6[%add3A_146, %dma_start3A_147] : memref<80x64xi32, #tpu.memory_space<vmem>> -> memref<1x64xi32, #tpu.memory_space<vmem>>
        %dma_start3A_149 = tpu.memref_squeeze %dma_start3A_148 : memref<1x64xi32, #tpu.memory_space<vmem>> -> memref<64xi32, #tpu.memory_space<vmem>>
        %dma_start3A_150 = arith.constant 0 : i32
        %dma_start3A_151 = arith.constant 0 : i32
        %dma_start3A_152 = tpu.memref_slice %arg2[%dma_start3A_150, %dma_start3A_151] : memref<10000x128xf32, #tpu.memory_space<hbm>> -> memref<10000x128xf32, #tpu.memory_space<hbm>>
        tpu.enqueue_indirect_dma source(%dma_start3A_152 : memref<10000x128xf32, #tpu.memory_space<hbm>>) target(%arg8 : memref<64x128xf32, #tpu.memory_space<vmem>>) offsets(%dma_start3A_149 : memref<64xi32, #tpu.memory_space<vmem>>) semaphore(%arg13 : memref<!tpu.dma_semaphore, #tpu.memory_space<semaphore_mem>>)
      } else {
      }
      %add3A_115 = arith.constant 2 : i32
      %add3A_116 = arith.addi %mul3A_88, %add3A_115 : i32
      %dma_wait3A_117 = arith.constant 0 : i32
      %dma_wait3A_118 = tpu.memref_slice %arg6[%add3A_116, %dma_wait3A_117] : memref<80x64xi32, #tpu.memory_space<vmem>> -> memref<1x64xi32, #tpu.memory_space<vmem>>
      %dma_wait3A_119 = tpu.memref_squeeze %dma_wait3A_118 : memref<1x64xi32, #tpu.memory_space<vmem>> -> memref<64xi32, #tpu.memory_space<vmem>>
      %dma_wait3A_120 = arith.constant 0 : i32
      %dma_wait3A_121 = arith.constant 0 : i32
      %dma_wait3A_122 = tpu.memref_slice %arg2[%dma_wait3A_120, %dma_wait3A_121] : memref<10000x128xf32, #tpu.memory_space<hbm>> -> memref<10000x128xf32, #tpu.memory_space<hbm>>
      tpu.wait_indirect_dma semaphore(%arg15 : memref<!tpu.dma_semaphore, #tpu.memory_space<semaphore_mem>>) src(%dma_wait3A_122 : memref<10000x128xf32, #tpu.memory_space<hbm>>) dst(%arg10 : memref<64x128xf32, #tpu.memory_space<vmem>>)
      "tpu.region"() ({
        %run_scoped3A = tpu.sem_alloc : memref<!tpu.dma_semaphore, #tpu.memory_space<semaphore_mem>>
        %dma_start3A_145 = arith.constant 0 : i32
        %dma_start3A_146 = tpu.memref_slice %arg7[%add3A_116, %dma_start3A_145] : memref<80x64xi32, #tpu.memory_space<vmem>> -> memref<1x64xi32, #tpu.memory_space<vmem>>
        %dma_start3A_147 = tpu.memref_squeeze %dma_start3A_146 : memref<1x64xi32, #tpu.memory_space<vmem>> -> memref<64xi32, #tpu.memory_space<vmem>>
        %dma_start3A_148 = arith.constant 0 : i32
        %dma_start3A_149 = arith.constant 0 : i32
        %dma_start3A_150 = tpu.memref_slice %arg12[%dma_start3A_148, %dma_start3A_149] : memref<10240x128xf32, #tpu.memory_space<vmem_shared>> -> memref<10240x128xf32, #tpu.memory_space<vmem_shared>>
        tpu.enqueue_indirect_dma source(%arg10 : memref<64x128xf32, #tpu.memory_space<vmem>>) target(%dma_start3A_150 : memref<10240x128xf32, #tpu.memory_space<vmem_shared>>) offsets(%dma_start3A_147 : memref<64xi32, #tpu.memory_space<vmem>>) semaphore(%run_scoped3A : memref<!tpu.dma_semaphore, #tpu.memory_space<semaphore_mem>>) {add = true}
        %dma_wait3A_151 = arith.constant 0 : i32
        %dma_wait3A_152 = tpu.memref_slice %arg7[%add3A_116, %dma_wait3A_151] : memref<80x64xi32, #tpu.memory_space<vmem>> -> memref<1x64xi32, #tpu.memory_space<vmem>>
        %dma_wait3A_153 = tpu.memref_squeeze %dma_wait3A_152 : memref<1x64xi32, #tpu.memory_space<vmem>> -> memref<64xi32, #tpu.memory_space<vmem>>
        %dma_wait3A_154 = arith.constant 0 : i32
        %dma_wait3A_155 = arith.constant 0 : i32
        %dma_wait3A_156 = tpu.memref_slice %arg12[%dma_wait3A_154, %dma_wait3A_155] : memref<10240x128xf32, #tpu.memory_space<vmem_shared>> -> memref<10240x128xf32, #tpu.memory_space<vmem_shared>>
        tpu.wait_indirect_dma semaphore(%run_scoped3A : memref<!tpu.dma_semaphore, #tpu.memory_space<semaphore_mem>>) src(%arg10 : memref<64x128xf32, #tpu.memory_space<vmem>>) dst(%dma_wait3A_156 : memref<10240x128xf32, #tpu.memory_space<vmem_shared>>)
        tpu.yield
      }) : () -> ()
      %add3A_123 = arith.constant 3 : i32
      %add3A_124 = arith.addi %add3A_116, %add3A_123 : i32
      %lt3A_125 = arith.constant 80 : i32
      %lt3A_126 = arith.cmpi slt, %add3A_124, %lt3A_125 : i32
      %convert_element_type3A_127 = arith.extui %lt3A_126 : i1 to i32
      %cond3A_128 = arith.constant 0 : i32
      %cond3A_129 = arith.cmpi ne, %convert_element_type3A_127, %cond3A_128 : i32
      scf.if %cond3A_129 {
        %add3A_145 = arith.constant 3 : i32
        %add3A_146 = arith.addi %add3A_116, %add3A_145 : i32
        %dma_start3A_147 = arith.constant 0 : i32
        %dma_start3A_148 = tpu.memref_slice %arg6[%add3A_146, %dma_start3A_147] : memref<80x64xi32, #tpu.memory_space<vmem>> -> memref<1x64xi32, #tpu.memory_space<vmem>>
        %dma_start3A_149 = tpu.memref_squeeze %dma_start3A_148 : memref<1x64xi32, #tpu.memory_space<vmem>> -> memref<64xi32, #tpu.memory_space<vmem>>
        %dma_start3A_150 = arith.constant 0 : i32
        %dma_start3A_151 = arith.constant 0 : i32
        %dma_start3A_152 = tpu.memref_slice %arg2[%dma_start3A_150, %dma_start3A_151] : memref<10000x128xf32, #tpu.memory_space<hbm>> -> memref<10000x128xf32, #tpu.memory_space<hbm>>
        tpu.enqueue_indirect_dma source(%dma_start3A_152 : memref<10000x128xf32, #tpu.memory_space<hbm>>) target(%arg9 : memref<64x128xf32, #tpu.memory_space<vmem>>) offsets(%dma_start3A_149 : memref<64xi32, #tpu.memory_space<vmem>>) semaphore(%arg14 : memref<!tpu.dma_semaphore, #tpu.memory_space<semaphore_mem>>)
      } else {
      }
      %add3A_130 = arith.constant 3 : i32
      %add3A_131 = arith.addi %mul3A_88, %add3A_130 : i32
      %dma_wait3A_132 = arith.constant 0 : i32
      %dma_wait3A_133 = tpu.memref_slice %arg6[%add3A_131, %dma_wait3A_132] : memref<80x64xi32, #tpu.memory_space<vmem>> -> memref<1x64xi32, #tpu.memory_space<vmem>>
      %dma_wait3A_134 = tpu.memref_squeeze %dma_wait3A_133 : memref<1x64xi32, #tpu.memory_space<vmem>> -> memref<64xi32, #tpu.memory_space<vmem>>
      %dma_wait3A_135 = arith.constant 0 : i32
      %dma_wait3A_136 = arith.constant 0 : i32
      %dma_wait3A_137 = tpu.memref_slice %arg2[%dma_wait3A_135, %dma_wait3A_136] : memref<10000x128xf32, #tpu.memory_space<hbm>> -> memref<10000x128xf32, #tpu.memory_space<hbm>>
      tpu.wait_indirect_dma semaphore(%arg16 : memref<!tpu.dma_semaphore, #tpu.memory_space<semaphore_mem>>) src(%dma_wait3A_137 : memref<10000x128xf32, #tpu.memory_space<hbm>>) dst(%arg11 : memref<64x128xf32, #tpu.memory_space<vmem>>)
      "tpu.region"() ({
        %run_scoped3A = tpu.sem_alloc : memref<!tpu.dma_semaphore, #tpu.memory_space<semaphore_mem>>
        %dma_start3A_145 = arith.constant 0 : i32
        %dma_start3A_146 = tpu.memref_slice %arg7[%add3A_131, %dma_start3A_145] : memref<80x64xi32, #tpu.memory_space<vmem>> -> memref<1x64xi32, #tpu.memory_space<vmem>>
        %dma_start3A_147 = tpu.memref_squeeze %dma_start3A_146 : memref<1x64xi32, #tpu.memory_space<vmem>> -> memref<64xi32, #tpu.memory_space<vmem>>
        %dma_start3A_148 = arith.constant 0 : i32
        %dma_start3A_149 = arith.constant 0 : i32
        %dma_start3A_150 = tpu.memref_slice %arg12[%dma_start3A_148, %dma_start3A_149] : memref<10240x128xf32, #tpu.memory_space<vmem_shared>> -> memref<10240x128xf32, #tpu.memory_space<vmem_shared>>
        tpu.enqueue_indirect_dma source(%arg11 : memref<64x128xf32, #tpu.memory_space<vmem>>) target(%dma_start3A_150 : memref<10240x128xf32, #tpu.memory_space<vmem_shared>>) offsets(%dma_start3A_147 : memref<64xi32, #tpu.memory_space<vmem>>) semaphore(%run_scoped3A : memref<!tpu.dma_semaphore, #tpu.memory_space<semaphore_mem>>) {add = true}
        %dma_wait3A_151 = arith.constant 0 : i32
        %dma_wait3A_152 = tpu.memref_slice %arg7[%add3A_131, %dma_wait3A_151] : memref<80x64xi32, #tpu.memory_space<vmem>> -> memref<1x64xi32, #tpu.memory_space<vmem>>
        %dma_wait3A_153 = tpu.memref_squeeze %dma_wait3A_152 : memref<1x64xi32, #tpu.memory_space<vmem>> -> memref<64xi32, #tpu.memory_space<vmem>>
        %dma_wait3A_154 = arith.constant 0 : i32
        %dma_wait3A_155 = arith.constant 0 : i32
        %dma_wait3A_156 = tpu.memref_slice %arg12[%dma_wait3A_154, %dma_wait3A_155] : memref<10240x128xf32, #tpu.memory_space<vmem_shared>> -> memref<10240x128xf32, #tpu.memory_space<vmem_shared>>
        tpu.wait_indirect_dma semaphore(%run_scoped3A : memref<!tpu.dma_semaphore, #tpu.memory_space<semaphore_mem>>) src(%arg11 : memref<64x128xf32, #tpu.memory_space<vmem>>) dst(%dma_wait3A_156 : memref<10240x128xf32, #tpu.memory_space<vmem_shared>>)
        tpu.yield
      }) : () -> ()
      %add3A_138 = arith.constant 3 : i32
      %add3A_139 = arith.addi %add3A_131, %add3A_138 : i32
      %lt3A_140 = arith.constant 80 : i32
      %lt3A_141 = arith.cmpi slt, %add3A_139, %lt3A_140 : i32
      %convert_element_type3A_142 = arith.extui %lt3A_141 : i1 to i32
      %cond3A_143 = arith.constant 0 : i32
      %cond3A_144 = arith.cmpi ne, %convert_element_type3A_142, %cond3A_143 : i32
      scf.if %cond3A_144 {
        %add3A_145 = arith.constant 3 : i32
        %add3A_146 = arith.addi %add3A_131, %add3A_145 : i32
        %dma_start3A_147 = arith.constant 0 : i32
        %dma_start3A_148 = tpu.memref_slice %arg6[%add3A_146, %dma_start3A_147] : memref<80x64xi32, #tpu.memory_space<vmem>> -> memref<1x64xi32, #tpu.memory_space<vmem>>
        %dma_start3A_149 = tpu.memref_squeeze %dma_start3A_148 : memref<1x64xi32, #tpu.memory_space<vmem>> -> memref<64xi32, #tpu.memory_space<vmem>>
        %dma_start3A_150 = arith.constant 0 : i32
        %dma_start3A_151 = arith.constant 0 : i32
        %dma_start3A_152 = tpu.memref_slice %arg2[%dma_start3A_150, %dma_start3A_151] : memref<10000x128xf32, #tpu.memory_space<hbm>> -> memref<10000x128xf32, #tpu.memory_space<hbm>>
        tpu.enqueue_indirect_dma source(%dma_start3A_152 : memref<10000x128xf32, #tpu.memory_space<hbm>>) target(%arg10 : memref<64x128xf32, #tpu.memory_space<vmem>>) offsets(%dma_start3A_149 : memref<64xi32, #tpu.memory_space<vmem>>) semaphore(%arg15 : memref<!tpu.dma_semaphore, #tpu.memory_space<semaphore_mem>>)
      } else {
      }
    }
    %scan3A_45 = arith.constant 20 : i32
    %mul3A_46 = arith.constant 160 : i32
    %mul3A_47 = arith.muli %add3A, %mul3A_46 : i32
    %add3A_48 = arith.constant 80 : i32
    %add3A_49 = arith.addi %mul3A_47, %add3A_48 : i32
    "tpu.region"() ({
      %run_scoped3A = tpu.sem_alloc : memref<!tpu.dma_semaphore, #tpu.memory_space<semaphore_mem>>
      %dma_start3A_86 = arith.constant 0 : i32
      %dma_start3A_87 = tpu.memref_slice %arg3[%add3A_49, %dma_start3A_86] : memref<5120x64xi32, #tpu.memory_space<hbm>> -> memref<80x64xi32, #tpu.memory_space<hbm>>
      %dma_start3A_88 = arith.constant 0 : i32
      %dma_start3A_89 = tpu.memref_slice %arg3[%add3A_49, %dma_start3A_88] : memref<5120x64xi32, #tpu.memory_space<hbm>> -> memref<80x64xi32, #tpu.memory_space<hbm>>
      tpu.enqueue_dma source(%dma_start3A_89 : memref<80x64xi32, #tpu.memory_space<hbm>>) target(%arg6 : memref<80x64xi32, #tpu.memory_space<vmem>>) target_semaphore(%run_scoped3A : memref<!tpu.dma_semaphore, #tpu.memory_space<semaphore_mem>>)
      %dma_wait3A = arith.constant 0 : i32
      %dma_wait3A_90 = tpu.memref_slice %arg3[%add3A_49, %dma_wait3A] : memref<5120x64xi32, #tpu.memory_space<hbm>> -> memref<80x64xi32, #tpu.memory_space<hbm>>
      %dma_wait3A_91 = arith.constant 0 : i32
      %dma_wait3A_92 = tpu.memref_slice %arg3[%add3A_49, %dma_wait3A_91] : memref<5120x64xi32, #tpu.memory_space<hbm>> -> memref<80x64xi32, #tpu.memory_space<hbm>>
      tpu.wait_dma2 semaphore(%run_scoped3A : memref<!tpu.dma_semaphore, #tpu.memory_space<semaphore_mem>>) src(%dma_wait3A_92 : memref<80x64xi32, #tpu.memory_space<hbm>>) dst(%arg6 : memref<80x64xi32, #tpu.memory_space<vmem>>)
      tpu.yield
    }) : () -> ()
    %mul3A_50 = arith.constant 160 : i32
    %mul3A_51 = arith.muli %add3A, %mul3A_50 : i32
    %add3A_52 = arith.constant 80 : i32
    %add3A_53 = arith.addi %mul3A_51, %add3A_52 : i32
    "tpu.region"() ({
      %run_scoped3A = tpu.sem_alloc : memref<!tpu.dma_semaphore, #tpu.memory_space<semaphore_mem>>
      %dma_start3A_86 = arith.constant 0 : i32
      %dma_start3A_87 = tpu.memref_slice %arg4[%add3A_53, %dma_start3A_86] : memref<5120x64xi32, #tpu.memory_space<hbm>> -> memref<80x64xi32, #tpu.memory_space<hbm>>
      %dma_start3A_88 = arith.constant 0 : i32
      %dma_start3A_89 = tpu.memref_slice %arg4[%add3A_53, %dma_start3A_88] : memref<5120x64xi32, #tpu.memory_space<hbm>> -> memref<80x64xi32, #tpu.memory_space<hbm>>
      tpu.enqueue_dma source(%dma_start3A_89 : memref<80x64xi32, #tpu.memory_space<hbm>>) target(%arg7 : memref<80x64xi32, #tpu.memory_space<vmem>>) target_semaphore(%run_scoped3A : memref<!tpu.dma_semaphore, #tpu.memory_space<semaphore_mem>>)
      %dma_wait3A = arith.constant 0 : i32
      %dma_wait3A_90 = tpu.memref_slice %arg4[%add3A_53, %dma_wait3A] : memref<5120x64xi32, #tpu.memory_space<hbm>> -> memref<80x64xi32, #tpu.memory_space<hbm>>
      %dma_wait3A_91 = arith.constant 0 : i32
      %dma_wait3A_92 = tpu.memref_slice %arg4[%add3A_53, %dma_wait3A_91] : memref<5120x64xi32, #tpu.memory_space<hbm>> -> memref<80x64xi32, #tpu.memory_space<hbm>>
      tpu.wait_dma2 semaphore(%run_scoped3A : memref<!tpu.dma_semaphore, #tpu.memory_space<semaphore_mem>>) src(%dma_wait3A_92 : memref<80x64xi32, #tpu.memory_space<hbm>>) dst(%arg7 : memref<80x64xi32, #tpu.memory_space<vmem>>)
      tpu.yield
    }) : () -> ()
    %dma_start3A_54 = arith.constant 0 : i32
    %dma_start3A_55 = arith.constant 0 : i32
    %dma_start3A_56 = tpu.memref_slice %arg6[%dma_start3A_54, %dma_start3A_55] : memref<80x64xi32, #tpu.memory_space<vmem>> -> memref<1x64xi32, #tpu.memory_space<vmem>>
    %dma_start3A_57 = tpu.memref_squeeze %dma_start3A_56 : memref<1x64xi32, #tpu.memory_space<vmem>> -> memref<64xi32, #tpu.memory_space<vmem>>
    %dma_start3A_58 = arith.constant 0 : i32
    %dma_start3A_59 = arith.constant 0 : i32
    %dma_start3A_60 = tpu.memref_slice %arg2[%dma_start3A_58, %dma_start3A_59] : memref<10000x128xf32, #tpu.memory_space<hbm>> -> memref<10000x128xf32, #tpu.memory_space<hbm>>
    tpu.enqueue_indirect_dma source(%dma_start3A_60 : memref<10000x128xf32, #tpu.memory_space<hbm>>) target(%arg8 : memref<64x128xf32, #tpu.memory_space<vmem>>) offsets(%dma_start3A_57 : memref<64xi32, #tpu.memory_space<vmem>>) semaphore(%arg13 : memref<!tpu.dma_semaphore, #tpu.memory_space<semaphore_mem>>)
    %dma_start3A_61 = arith.constant 1 : i32
    %dma_start3A_62 = arith.constant 0 : i32
    %dma_start3A_63 = tpu.memref_slice %arg6[%dma_start3A_61, %dma_start3A_62] : memref<80x64xi32, #tpu.memory_space<vmem>> -> memref<1x64xi32, #tpu.memory_space<vmem>>
    %dma_start3A_64 = tpu.memref_squeeze %dma_start3A_63 : memref<1x64xi32, #tpu.memory_space<vmem>> -> memref<64xi32, #tpu.memory_space<vmem>>
    %dma_start3A_65 = arith.constant 0 : i32
    %dma_start3A_66 = arith.constant 0 : i32
    %dma_start3A_67 = tpu.memref_slice %arg2[%dma_start3A_65, %dma_start3A_66] : memref<10000x128xf32, #tpu.memory_space<hbm>> -> memref<10000x128xf32, #tpu.memory_space<hbm>>
    tpu.enqueue_indirect_dma source(%dma_start3A_67 : memref<10000x128xf32, #tpu.memory_space<hbm>>) target(%arg9 : memref<64x128xf32, #tpu.memory_space<vmem>>) offsets(%dma_start3A_64 : memref<64xi32, #tpu.memory_space<vmem>>) semaphore(%arg14 : memref<!tpu.dma_semaphore, #tpu.memory_space<semaphore_mem>>)
    %dma_start3A_68 = arith.constant 2 : i32
    %dma_start3A_69 = arith.constant 0 : i32
    %dma_start3A_70 = tpu.memref_slice %arg6[%dma_start3A_68, %dma_start3A_69] : memref<80x64xi32, #tpu.memory_space<vmem>> -> memref<1x64xi32, #tpu.memory_space<vmem>>
    %dma_start3A_71 = tpu.memref_squeeze %dma_start3A_70 : memref<1x64xi32, #tpu.memory_space<vmem>> -> memref<64xi32, #tpu.memory_space<vmem>>
    %dma_start3A_72 = arith.constant 0 : i32
    %dma_start3A_73 = arith.constant 0 : i32
    %dma_start3A_74 = tpu.memref_slice %arg2[%dma_start3A_72, %dma_start3A_73] : memref<10000x128xf32, #tpu.memory_space<hbm>> -> memref<10000x128xf32, #tpu.memory_space<hbm>>
    tpu.enqueue_indirect_dma source(%dma_start3A_74 : memref<10000x128xf32, #tpu.memory_space<hbm>>) target(%arg10 : memref<64x128xf32, #tpu.memory_space<vmem>>) offsets(%dma_start3A_71 : memref<64xi32, #tpu.memory_space<vmem>>) semaphore(%arg15 : memref<!tpu.dma_semaphore, #tpu.memory_space<semaphore_mem>>)
    %scan3A_75 = arith.constant 0 : i32
    %scan3A_76 = arith.constant 0 : i32
    %scan3A_77 = arith.constant 20 : i32
    %scan3A_78 = arith.addi %scan3A_76, %scan3A_77 : i32
    %scan3A_79 = arith.constant 1 : i32
    scf.for %scan3A_86 = %scan3A_76 to %scan3A_78 step %scan3A_79  : i32 {
      %mul3A_87 = arith.constant 4 : i32
      %mul3A_88 = arith.muli %mul3A_87, %scan3A_86 : i32
      %add3A_89 = arith.constant 0 : i32
      %add3A_90 = arith.addi %mul3A_88, %add3A_89 : i32
      %dma_wait3A = arith.constant 0 : i32
      %dma_wait3A_91 = tpu.memref_slice %arg6[%add3A_90, %dma_wait3A] : memref<80x64xi32, #tpu.memory_space<vmem>> -> memref<1x64xi32, #tpu.memory_space<vmem>>
      %dma_wait3A_92 = tpu.memref_squeeze %dma_wait3A_91 : memref<1x64xi32, #tpu.memory_space<vmem>> -> memref<64xi32, #tpu.memory_space<vmem>>
      %dma_wait3A_93 = arith.constant 0 : i32
      %dma_wait3A_94 = arith.constant 0 : i32
      %dma_wait3A_95 = tpu.memref_slice %arg2[%dma_wait3A_93, %dma_wait3A_94] : memref<10000x128xf32, #tpu.memory_space<hbm>> -> memref<10000x128xf32, #tpu.memory_space<hbm>>
      tpu.wait_indirect_dma semaphore(%arg13 : memref<!tpu.dma_semaphore, #tpu.memory_space<semaphore_mem>>) src(%dma_wait3A_95 : memref<10000x128xf32, #tpu.memory_space<hbm>>) dst(%arg8 : memref<64x128xf32, #tpu.memory_space<vmem>>)
      "tpu.region"() ({
        %run_scoped3A = tpu.sem_alloc : memref<!tpu.dma_semaphore, #tpu.memory_space<semaphore_mem>>
        %dma_start3A_145 = arith.constant 0 : i32
        %dma_start3A_146 = tpu.memref_slice %arg7[%add3A_90, %dma_start3A_145] : memref<80x64xi32, #tpu.memory_space<vmem>> -> memref<1x64xi32, #tpu.memory_space<vmem>>
        %dma_start3A_147 = tpu.memref_squeeze %dma_start3A_146 : memref<1x64xi32, #tpu.memory_space<vmem>> -> memref<64xi32, #tpu.memory_space<vmem>>
        %dma_start3A_148 = arith.constant 0 : i32
        %dma_start3A_149 = arith.constant 0 : i32
        %dma_start3A_150 = tpu.memref_slice %arg12[%dma_start3A_148, %dma_start3A_149] : memref<10240x128xf32, #tpu.memory_space<vmem_shared>> -> memref<10240x128xf32, #tpu.memory_space<vmem_shared>>
        tpu.enqueue_indirect_dma source(%arg8 : memref<64x128xf32, #tpu.memory_space<vmem>>) target(%dma_start3A_150 : memref<10240x128xf32, #tpu.memory_space<vmem_shared>>) offsets(%dma_start3A_147 : memref<64xi32, #tpu.memory_space<vmem>>) semaphore(%run_scoped3A : memref<!tpu.dma_semaphore, #tpu.memory_space<semaphore_mem>>) {add = true}
        %dma_wait3A_151 = arith.constant 0 : i32
        %dma_wait3A_152 = tpu.memref_slice %arg7[%add3A_90, %dma_wait3A_151] : memref<80x64xi32, #tpu.memory_space<vmem>> -> memref<1x64xi32, #tpu.memory_space<vmem>>
        %dma_wait3A_153 = tpu.memref_squeeze %dma_wait3A_152 : memref<1x64xi32, #tpu.memory_space<vmem>> -> memref<64xi32, #tpu.memory_space<vmem>>
        %dma_wait3A_154 = arith.constant 0 : i32
        %dma_wait3A_155 = arith.constant 0 : i32
        %dma_wait3A_156 = tpu.memref_slice %arg12[%dma_wait3A_154, %dma_wait3A_155] : memref<10240x128xf32, #tpu.memory_space<vmem_shared>> -> memref<10240x128xf32, #tpu.memory_space<vmem_shared>>
        tpu.wait_indirect_dma semaphore(%run_scoped3A : memref<!tpu.dma_semaphore, #tpu.memory_space<semaphore_mem>>) src(%arg8 : memref<64x128xf32, #tpu.memory_space<vmem>>) dst(%dma_wait3A_156 : memref<10240x128xf32, #tpu.memory_space<vmem_shared>>)
        tpu.yield
      }) : () -> ()
      %add3A_96 = arith.constant 3 : i32
      %add3A_97 = arith.addi %add3A_90, %add3A_96 : i32
      %lt3A = arith.constant 80 : i32
      %lt3A_98 = arith.cmpi slt, %add3A_97, %lt3A : i32
      %convert_element_type3A = arith.extui %lt3A_98 : i1 to i32
      %cond3A = arith.constant 0 : i32
      %cond3A_99 = arith.cmpi ne, %convert_element_type3A, %cond3A : i32
      scf.if %cond3A_99 {
        %add3A_145 = arith.constant 3 : i32
        %add3A_146 = arith.addi %add3A_90, %add3A_145 : i32
        %dma_start3A_147 = arith.constant 0 : i32
        %dma_start3A_148 = tpu.memref_slice %arg6[%add3A_146, %dma_start3A_147] : memref<80x64xi32, #tpu.memory_space<vmem>> -> memref<1x64xi32, #tpu.memory_space<vmem>>
        %dma_start3A_149 = tpu.memref_squeeze %dma_start3A_148 : memref<1x64xi32, #tpu.memory_space<vmem>> -> memref<64xi32, #tpu.memory_space<vmem>>
        %dma_start3A_150 = arith.constant 0 : i32
        %dma_start3A_151 = arith.constant 0 : i32
        %dma_start3A_152 = tpu.memref_slice %arg2[%dma_start3A_150, %dma_start3A_151] : memref<10000x128xf32, #tpu.memory_space<hbm>> -> memref<10000x128xf32, #tpu.memory_space<hbm>>
        tpu.enqueue_indirect_dma source(%dma_start3A_152 : memref<10000x128xf32, #tpu.memory_space<hbm>>) target(%arg11 : memref<64x128xf32, #tpu.memory_space<vmem>>) offsets(%dma_start3A_149 : memref<64xi32, #tpu.memory_space<vmem>>) semaphore(%arg16 : memref<!tpu.dma_semaphore, #tpu.memory_space<semaphore_mem>>)
      } else {
      }
      %add3A_100 = arith.constant 1 : i32
      %add3A_101 = arith.addi %mul3A_88, %add3A_100 : i32
      %dma_wait3A_102 = arith.constant 0 : i32
      %dma_wait3A_103 = tpu.memref_slice %arg6[%add3A_101, %dma_wait3A_102] : memref<80x64xi32, #tpu.memory_space<vmem>> -> memref<1x64xi32, #tpu.memory_space<vmem>>
      %dma_wait3A_104 = tpu.memref_squeeze %dma_wait3A_103 : memref<1x64xi32, #tpu.memory_space<vmem>> -> memref<64xi32, #tpu.memory_space<vmem>>
      %dma_wait3A_105 = arith.constant 0 : i32
      %dma_wait3A_106 = arith.constant 0 : i32
      %dma_wait3A_107 = tpu.memref_slice %arg2[%dma_wait3A_105, %dma_wait3A_106] : memref<10000x128xf32, #tpu.memory_space<hbm>> -> memref<10000x128xf32, #tpu.memory_space<hbm>>
      tpu.wait_indirect_dma semaphore(%arg14 : memref<!tpu.dma_semaphore, #tpu.memory_space<semaphore_mem>>) src(%dma_wait3A_107 : memref<10000x128xf32, #tpu.memory_space<hbm>>) dst(%arg9 : memref<64x128xf32, #tpu.memory_space<vmem>>)
      "tpu.region"() ({
        %run_scoped3A = tpu.sem_alloc : memref<!tpu.dma_semaphore, #tpu.memory_space<semaphore_mem>>
        %dma_start3A_145 = arith.constant 0 : i32
        %dma_start3A_146 = tpu.memref_slice %arg7[%add3A_101, %dma_start3A_145] : memref<80x64xi32, #tpu.memory_space<vmem>> -> memref<1x64xi32, #tpu.memory_space<vmem>>
        %dma_start3A_147 = tpu.memref_squeeze %dma_start3A_146 : memref<1x64xi32, #tpu.memory_space<vmem>> -> memref<64xi32, #tpu.memory_space<vmem>>
        %dma_start3A_148 = arith.constant 0 : i32
        %dma_start3A_149 = arith.constant 0 : i32
        %dma_start3A_150 = tpu.memref_slice %arg12[%dma_start3A_148, %dma_start3A_149] : memref<10240x128xf32, #tpu.memory_space<vmem_shared>> -> memref<10240x128xf32, #tpu.memory_space<vmem_shared>>
        tpu.enqueue_indirect_dma source(%arg9 : memref<64x128xf32, #tpu.memory_space<vmem>>) target(%dma_start3A_150 : memref<10240x128xf32, #tpu.memory_space<vmem_shared>>) offsets(%dma_start3A_147 : memref<64xi32, #tpu.memory_space<vmem>>) semaphore(%run_scoped3A : memref<!tpu.dma_semaphore, #tpu.memory_space<semaphore_mem>>) {add = true}
        %dma_wait3A_151 = arith.constant 0 : i32
        %dma_wait3A_152 = tpu.memref_slice %arg7[%add3A_101, %dma_wait3A_151] : memref<80x64xi32, #tpu.memory_space<vmem>> -> memref<1x64xi32, #tpu.memory_space<vmem>>
        %dma_wait3A_153 = tpu.memref_squeeze %dma_wait3A_152 : memref<1x64xi32, #tpu.memory_space<vmem>> -> memref<64xi32, #tpu.memory_space<vmem>>
        %dma_wait3A_154 = arith.constant 0 : i32
        %dma_wait3A_155 = arith.constant 0 : i32
        %dma_wait3A_156 = tpu.memref_slice %arg12[%dma_wait3A_154, %dma_wait3A_155] : memref<10240x128xf32, #tpu.memory_space<vmem_shared>> -> memref<10240x128xf32, #tpu.memory_space<vmem_shared>>
        tpu.wait_indirect_dma semaphore(%run_scoped3A : memref<!tpu.dma_semaphore, #tpu.memory_space<semaphore_mem>>) src(%arg9 : memref<64x128xf32, #tpu.memory_space<vmem>>) dst(%dma_wait3A_156 : memref<10240x128xf32, #tpu.memory_space<vmem_shared>>)
        tpu.yield
      }) : () -> ()
      %add3A_108 = arith.constant 3 : i32
      %add3A_109 = arith.addi %add3A_101, %add3A_108 : i32
      %lt3A_110 = arith.constant 80 : i32
      %lt3A_111 = arith.cmpi slt, %add3A_109, %lt3A_110 : i32
      %convert_element_type3A_112 = arith.extui %lt3A_111 : i1 to i32
      %cond3A_113 = arith.constant 0 : i32
      %cond3A_114 = arith.cmpi ne, %convert_element_type3A_112, %cond3A_113 : i32
      scf.if %cond3A_114 {
        %add3A_145 = arith.constant 3 : i32
        %add3A_146 = arith.addi %add3A_101, %add3A_145 : i32
        %dma_start3A_147 = arith.constant 0 : i32
        %dma_start3A_148 = tpu.memref_slice %arg6[%add3A_146, %dma_start3A_147] : memref<80x64xi32, #tpu.memory_space<vmem>> -> memref<1x64xi32, #tpu.memory_space<vmem>>
        %dma_start3A_149 = tpu.memref_squeeze %dma_start3A_148 : memref<1x64xi32, #tpu.memory_space<vmem>> -> memref<64xi32, #tpu.memory_space<vmem>>
        %dma_start3A_150 = arith.constant 0 : i32
        %dma_start3A_151 = arith.constant 0 : i32
        %dma_start3A_152 = tpu.memref_slice %arg2[%dma_start3A_150, %dma_start3A_151] : memref<10000x128xf32, #tpu.memory_space<hbm>> -> memref<10000x128xf32, #tpu.memory_space<hbm>>
        tpu.enqueue_indirect_dma source(%dma_start3A_152 : memref<10000x128xf32, #tpu.memory_space<hbm>>) target(%arg8 : memref<64x128xf32, #tpu.memory_space<vmem>>) offsets(%dma_start3A_149 : memref<64xi32, #tpu.memory_space<vmem>>) semaphore(%arg13 : memref<!tpu.dma_semaphore, #tpu.memory_space<semaphore_mem>>)
      } else {
      }
      %add3A_115 = arith.constant 2 : i32
      %add3A_116 = arith.addi %mul3A_88, %add3A_115 : i32
      %dma_wait3A_117 = arith.constant 0 : i32
      %dma_wait3A_118 = tpu.memref_slice %arg6[%add3A_116, %dma_wait3A_117] : memref<80x64xi32, #tpu.memory_space<vmem>> -> memref<1x64xi32, #tpu.memory_space<vmem>>
      %dma_wait3A_119 = tpu.memref_squeeze %dma_wait3A_118 : memref<1x64xi32, #tpu.memory_space<vmem>> -> memref<64xi32, #tpu.memory_space<vmem>>
      %dma_wait3A_120 = arith.constant 0 : i32
      %dma_wait3A_121 = arith.constant 0 : i32
      %dma_wait3A_122 = tpu.memref_slice %arg2[%dma_wait3A_120, %dma_wait3A_121] : memref<10000x128xf32, #tpu.memory_space<hbm>> -> memref<10000x128xf32, #tpu.memory_space<hbm>>
      tpu.wait_indirect_dma semaphore(%arg15 : memref<!tpu.dma_semaphore, #tpu.memory_space<semaphore_mem>>) src(%dma_wait3A_122 : memref<10000x128xf32, #tpu.memory_space<hbm>>) dst(%arg10 : memref<64x128xf32, #tpu.memory_space<vmem>>)
      "tpu.region"() ({
        %run_scoped3A = tpu.sem_alloc : memref<!tpu.dma_semaphore, #tpu.memory_space<semaphore_mem>>
        %dma_start3A_145 = arith.constant 0 : i32
        %dma_start3A_146 = tpu.memref_slice %arg7[%add3A_116, %dma_start3A_145] : memref<80x64xi32, #tpu.memory_space<vmem>> -> memref<1x64xi32, #tpu.memory_space<vmem>>
        %dma_start3A_147 = tpu.memref_squeeze %dma_start3A_146 : memref<1x64xi32, #tpu.memory_space<vmem>> -> memref<64xi32, #tpu.memory_space<vmem>>
        %dma_start3A_148 = arith.constant 0 : i32
        %dma_start3A_149 = arith.constant 0 : i32
        %dma_start3A_150 = tpu.memref_slice %arg12[%dma_start3A_148, %dma_start3A_149] : memref<10240x128xf32, #tpu.memory_space<vmem_shared>> -> memref<10240x128xf32, #tpu.memory_space<vmem_shared>>
        tpu.enqueue_indirect_dma source(%arg10 : memref<64x128xf32, #tpu.memory_space<vmem>>) target(%dma_start3A_150 : memref<10240x128xf32, #tpu.memory_space<vmem_shared>>) offsets(%dma_start3A_147 : memref<64xi32, #tpu.memory_space<vmem>>) semaphore(%run_scoped3A : memref<!tpu.dma_semaphore, #tpu.memory_space<semaphore_mem>>) {add = true}
        %dma_wait3A_151 = arith.constant 0 : i32
        %dma_wait3A_152 = tpu.memref_slice %arg7[%add3A_116, %dma_wait3A_151] : memref<80x64xi32, #tpu.memory_space<vmem>> -> memref<1x64xi32, #tpu.memory_space<vmem>>
        %dma_wait3A_153 = tpu.memref_squeeze %dma_wait3A_152 : memref<1x64xi32, #tpu.memory_space<vmem>> -> memref<64xi32, #tpu.memory_space<vmem>>
        %dma_wait3A_154 = arith.constant 0 : i32
        %dma_wait3A_155 = arith.constant 0 : i32
        %dma_wait3A_156 = tpu.memref_slice %arg12[%dma_wait3A_154, %dma_wait3A_155] : memref<10240x128xf32, #tpu.memory_space<vmem_shared>> -> memref<10240x128xf32, #tpu.memory_space<vmem_shared>>
        tpu.wait_indirect_dma semaphore(%run_scoped3A : memref<!tpu.dma_semaphore, #tpu.memory_space<semaphore_mem>>) src(%arg10 : memref<64x128xf32, #tpu.memory_space<vmem>>) dst(%dma_wait3A_156 : memref<10240x128xf32, #tpu.memory_space<vmem_shared>>)
        tpu.yield
      }) : () -> ()
      %add3A_123 = arith.constant 3 : i32
      %add3A_124 = arith.addi %add3A_116, %add3A_123 : i32
      %lt3A_125 = arith.constant 80 : i32
      %lt3A_126 = arith.cmpi slt, %add3A_124, %lt3A_125 : i32
      %convert_element_type3A_127 = arith.extui %lt3A_126 : i1 to i32
      %cond3A_128 = arith.constant 0 : i32
      %cond3A_129 = arith.cmpi ne, %convert_element_type3A_127, %cond3A_128 : i32
      scf.if %cond3A_129 {
        %add3A_145 = arith.constant 3 : i32
        %add3A_146 = arith.addi %add3A_116, %add3A_145 : i32
        %dma_start3A_147 = arith.constant 0 : i32
        %dma_start3A_148 = tpu.memref_slice %arg6[%add3A_146, %dma_start3A_147] : memref<80x64xi32, #tpu.memory_space<vmem>> -> memref<1x64xi32, #tpu.memory_space<vmem>>
        %dma_start3A_149 = tpu.memref_squeeze %dma_start3A_148 : memref<1x64xi32, #tpu.memory_space<vmem>> -> memref<64xi32, #tpu.memory_space<vmem>>
        %dma_start3A_150 = arith.constant 0 : i32
        %dma_start3A_151 = arith.constant 0 : i32
        %dma_start3A_152 = tpu.memref_slice %arg2[%dma_start3A_150, %dma_start3A_151] : memref<10000x128xf32, #tpu.memory_space<hbm>> -> memref<10000x128xf32, #tpu.memory_space<hbm>>
        tpu.enqueue_indirect_dma source(%dma_start3A_152 : memref<10000x128xf32, #tpu.memory_space<hbm>>) target(%arg9 : memref<64x128xf32, #tpu.memory_space<vmem>>) offsets(%dma_start3A_149 : memref<64xi32, #tpu.memory_space<vmem>>) semaphore(%arg14 : memref<!tpu.dma_semaphore, #tpu.memory_space<semaphore_mem>>)
      } else {
      }
      %add3A_130 = arith.constant 3 : i32
      %add3A_131 = arith.addi %mul3A_88, %add3A_130 : i32
      %dma_wait3A_132 = arith.constant 0 : i32
      %dma_wait3A_133 = tpu.memref_slice %arg6[%add3A_131, %dma_wait3A_132] : memref<80x64xi32, #tpu.memory_space<vmem>> -> memref<1x64xi32, #tpu.memory_space<vmem>>
      %dma_wait3A_134 = tpu.memref_squeeze %dma_wait3A_133 : memref<1x64xi32, #tpu.memory_space<vmem>> -> memref<64xi32, #tpu.memory_space<vmem>>
      %dma_wait3A_135 = arith.constant 0 : i32
      %dma_wait3A_136 = arith.constant 0 : i32
      %dma_wait3A_137 = tpu.memref_slice %arg2[%dma_wait3A_135, %dma_wait3A_136] : memref<10000x128xf32, #tpu.memory_space<hbm>> -> memref<10000x128xf32, #tpu.memory_space<hbm>>
      tpu.wait_indirect_dma semaphore(%arg16 : memref<!tpu.dma_semaphore, #tpu.memory_space<semaphore_mem>>) src(%dma_wait3A_137 : memref<10000x128xf32, #tpu.memory_space<hbm>>) dst(%arg11 : memref<64x128xf32, #tpu.memory_space<vmem>>)
      "tpu.region"() ({
        %run_scoped3A = tpu.sem_alloc : memref<!tpu.dma_semaphore, #tpu.memory_space<semaphore_mem>>
        %dma_start3A_145 = arith.constant 0 : i32
        %dma_start3A_146 = tpu.memref_slice %arg7[%add3A_131, %dma_start3A_145] : memref<80x64xi32, #tpu.memory_space<vmem>> -> memref<1x64xi32, #tpu.memory_space<vmem>>
        %dma_start3A_147 = tpu.memref_squeeze %dma_start3A_146 : memref<1x64xi32, #tpu.memory_space<vmem>> -> memref<64xi32, #tpu.memory_space<vmem>>
        %dma_start3A_148 = arith.constant 0 : i32
        %dma_start3A_149 = arith.constant 0 : i32
        %dma_start3A_150 = tpu.memref_slice %arg12[%dma_start3A_148, %dma_start3A_149] : memref<10240x128xf32, #tpu.memory_space<vmem_shared>> -> memref<10240x128xf32, #tpu.memory_space<vmem_shared>>
        tpu.enqueue_indirect_dma source(%arg11 : memref<64x128xf32, #tpu.memory_space<vmem>>) target(%dma_start3A_150 : memref<10240x128xf32, #tpu.memory_space<vmem_shared>>) offsets(%dma_start3A_147 : memref<64xi32, #tpu.memory_space<vmem>>) semaphore(%run_scoped3A : memref<!tpu.dma_semaphore, #tpu.memory_space<semaphore_mem>>) {add = true}
        %dma_wait3A_151 = arith.constant 0 : i32
        %dma_wait3A_152 = tpu.memref_slice %arg7[%add3A_131, %dma_wait3A_151] : memref<80x64xi32, #tpu.memory_space<vmem>> -> memref<1x64xi32, #tpu.memory_space<vmem>>
        %dma_wait3A_153 = tpu.memref_squeeze %dma_wait3A_152 : memref<1x64xi32, #tpu.memory_space<vmem>> -> memref<64xi32, #tpu.memory_space<vmem>>
        %dma_wait3A_154 = arith.constant 0 : i32
        %dma_wait3A_155 = arith.constant 0 : i32
        %dma_wait3A_156 = tpu.memref_slice %arg12[%dma_wait3A_154, %dma_wait3A_155] : memref<10240x128xf32, #tpu.memory_space<vmem_shared>> -> memref<10240x128xf32, #tpu.memory_space<vmem_shared>>
        tpu.wait_indirect_dma semaphore(%run_scoped3A : memref<!tpu.dma_semaphore, #tpu.memory_space<semaphore_mem>>) src(%arg11 : memref<64x128xf32, #tpu.memory_space<vmem>>) dst(%dma_wait3A_156 : memref<10240x128xf32, #tpu.memory_space<vmem_shared>>)
        tpu.yield
      }) : () -> ()
      %add3A_138 = arith.constant 3 : i32
      %add3A_139 = arith.addi %add3A_131, %add3A_138 : i32
      %lt3A_140 = arith.constant 80 : i32
      %lt3A_141 = arith.cmpi slt, %add3A_139, %lt3A_140 : i32
      %convert_element_type3A_142 = arith.extui %lt3A_141 : i1 to i32
      %cond3A_143 = arith.constant 0 : i32
      %cond3A_144 = arith.cmpi ne, %convert_element_type3A_142, %cond3A_143 : i32
      scf.if %cond3A_144 {
        %add3A_145 = arith.constant 3 : i32
        %add3A_146 = arith.addi %add3A_131, %add3A_145 : i32
        %dma_start3A_147 = arith.constant 0 : i32
        %dma_start3A_148 = tpu.memref_slice %arg6[%add3A_146, %dma_start3A_147] : memref<80x64xi32, #tpu.memory_space<vmem>> -> memref<1x64xi32, #tpu.memory_space<vmem>>
        %dma_start3A_149 = tpu.memref_squeeze %dma_start3A_148 : memref<1x64xi32, #tpu.memory_space<vmem>> -> memref<64xi32, #tpu.memory_space<vmem>>
        %dma_start3A_150 = arith.constant 0 : i32
        %dma_start3A_151 = arith.constant 0 : i32
        %dma_start3A_152 = tpu.memref_slice %arg2[%dma_start3A_150, %dma_start3A_151] : memref<10000x128xf32, #tpu.memory_space<hbm>> -> memref<10000x128xf32, #tpu.memory_space<hbm>>
        tpu.enqueue_indirect_dma source(%dma_start3A_152 : memref<10000x128xf32, #tpu.memory_space<hbm>>) target(%arg10 : memref<64x128xf32, #tpu.memory_space<vmem>>) offsets(%dma_start3A_149 : memref<64xi32, #tpu.memory_space<vmem>>) semaphore(%arg15 : memref<!tpu.dma_semaphore, #tpu.memory_space<semaphore_mem>>)
      } else {
      }
    }
    %scan3A_80 = arith.constant 20 : i32
    %barrier3A_81 = arith.constant 0 : index
    tpu.barrier barrier_id(%barrier3A_81)
    %mul3A_82 = arith.constant 640 : i32
    %mul3A_83 = arith.muli %arg1, %mul3A_82 : i32
    %mul3A_84 = arith.constant 640 : i32
    %mul3A_85 = arith.muli %arg1, %mul3A_84 : i32
    "tpu.region"() ({
      %run_scoped3A = tpu.sem_alloc : memref<!tpu.dma_semaphore, #tpu.memory_space<semaphore_mem>>
      %dma_start3A_86 = arith.constant 0 : i32
      %dma_start3A_87 = tpu.memref_slice %arg5[%arg0, %mul3A_85, %dma_start3A_86] : memref<2x10240x128xf32, #tpu.memory_space<hbm>> -> memref<1x640x128xf32, #tpu.memory_space<hbm>>
      %dma_start3A_88 = tpu.memref_squeeze %dma_start3A_87 : memref<1x640x128xf32, #tpu.memory_space<hbm>> -> memref<640x128xf32, #tpu.memory_space<hbm>>
      %dma_start3A_89 = arith.constant 0 : i32
      %dma_start3A_90 = tpu.memref_slice %arg12[%mul3A_83, %dma_start3A_89] : memref<10240x128xf32, #tpu.memory_space<vmem_shared>> -> memref<640x128xf32, #tpu.memory_space<vmem_shared>>
      tpu.enqueue_dma source(%dma_start3A_90 : memref<640x128xf32, #tpu.memory_space<vmem_shared>>) target(%dma_start3A_88 : memref<640x128xf32, #tpu.memory_space<hbm>>) target_semaphore(%run_scoped3A : memref<!tpu.dma_semaphore, #tpu.memory_space<semaphore_mem>>)
      %dma_wait3A = arith.constant 0 : i32
      %dma_wait3A_91 = tpu.memref_slice %arg5[%arg0, %mul3A_85, %dma_wait3A] : memref<2x10240x128xf32, #tpu.memory_space<hbm>> -> memref<1x640x128xf32, #tpu.memory_space<hbm>>
      %dma_wait3A_92 = tpu.memref_squeeze %dma_wait3A_91 : memref<1x640x128xf32, #tpu.memory_space<hbm>> -> memref<640x128xf32, #tpu.memory_space<hbm>>
      %dma_wait3A_93 = arith.constant 0 : i32
      %dma_wait3A_94 = tpu.memref_slice %arg12[%mul3A_83, %dma_wait3A_93] : memref<10240x128xf32, #tpu.memory_space<vmem_shared>> -> memref<640x128xf32, #tpu.memory_space<vmem_shared>>
      tpu.wait_dma2 semaphore(%run_scoped3A : memref<!tpu.dma_semaphore, #tpu.memory_space<semaphore_mem>>) src(%dma_wait3A_94 : memref<640x128xf32, #tpu.memory_space<vmem_shared>>) dst(%dma_wait3A_92 : memref<640x128xf32, #tpu.memory_space<hbm>>)
      tpu.yield
    }) : () -> ()
    return
  }
}

#map = affine_map<(d0, d1) -> (0, 0)>
module attributes {stable_mosaic.version = 14 : i64} {
  func.func @_deg_body(%arg0: i32, %arg1: i32, %arg2: memref<5120x64xi32, #tpu.memory_space<hbm>>, %arg3: memref<10240x128xf32, #tpu.memory_space<hbm>>, %arg4: memref<160x64xi32, #tpu.memory_space<vmem>>, %arg5: memref<640x16xf32, #tpu.memory_space<vmem>>, %arg6: memref<640x16xf32, #tpu.memory_space<vmem>>, %arg7: memref<10240x16xf32, #tpu.memory_space<vmem_shared>>) attributes {dimension_semantics = [#tpu.dimension_semantics<core_parallel>, #tpu.dimension_semantics<subcore_parallel>], iteration_bounds = array<i64: 2, 16>, scalar_prefetch = 0 : i64, scratch_operands = 4 : i64, tpu.core_type = #tpu.core_type<sc_vector_subcore>, window_params = [{transform_indices = #map}, {transform_indices = #map}]} {
    %mul3A = arith.constant 16 : i32
    %mul3A_0 = arith.muli %arg0, %mul3A : i32
    %add3A = arith.addi %mul3A_0, %arg1 : i32
    %mul3A_1 = arith.constant 160 : i32
    %mul3A_2 = arith.muli %add3A, %mul3A_1 : i32
    "tpu.region"() ({
      %run_scoped3A = tpu.sem_alloc : memref<!tpu.dma_semaphore, #tpu.memory_space<semaphore_mem>>
      %dma_start3A = arith.constant 0 : i32
      %dma_start3A_23 = tpu.memref_slice %arg2[%mul3A_2, %dma_start3A] : memref<5120x64xi32, #tpu.memory_space<hbm>> -> memref<160x64xi32, #tpu.memory_space<hbm>>
      %dma_start3A_24 = arith.constant 0 : i32
      %dma_start3A_25 = tpu.memref_slice %arg2[%mul3A_2, %dma_start3A_24] : memref<5120x64xi32, #tpu.memory_space<hbm>> -> memref<160x64xi32, #tpu.memory_space<hbm>>
      tpu.enqueue_dma source(%dma_start3A_25 : memref<160x64xi32, #tpu.memory_space<hbm>>) target(%arg4 : memref<160x64xi32, #tpu.memory_space<vmem>>) target_semaphore(%run_scoped3A : memref<!tpu.dma_semaphore, #tpu.memory_space<semaphore_mem>>)
      %dma_wait3A = arith.constant 0 : i32
      %dma_wait3A_26 = tpu.memref_slice %arg2[%mul3A_2, %dma_wait3A] : memref<5120x64xi32, #tpu.memory_space<hbm>> -> memref<160x64xi32, #tpu.memory_space<hbm>>
      %dma_wait3A_27 = arith.constant 0 : i32
      %dma_wait3A_28 = tpu.memref_slice %arg2[%mul3A_2, %dma_wait3A_27] : memref<5120x64xi32, #tpu.memory_space<hbm>> -> memref<160x64xi32, #tpu.memory_space<hbm>>
      tpu.wait_dma2 semaphore(%run_scoped3A : memref<!tpu.dma_semaphore, #tpu.memory_space<semaphore_mem>>) src(%dma_wait3A_28 : memref<160x64xi32, #tpu.memory_space<hbm>>) dst(%arg4 : memref<160x64xi32, #tpu.memory_space<vmem>>)
      tpu.yield
    }) : () -> ()
    %scan3A = arith.constant 0 : i32
    %scan3A_3 = arith.constant 0 : i32
    %scan3A_4 = arith.constant 640 : i32
    %scan3A_5 = arith.addi %scan3A_3, %scan3A_4 : i32
    %scan3A_6 = arith.constant 1 : i32
    scf.for %scan3A_23 = %scan3A_3 to %scan3A_5 step %scan3A_6  : i32 {
      %broadcast_in_dim3A = arith.constant 1.000000e+00 : f32
      %broadcast_in_dim3A_24 = vector.broadcast %broadcast_in_dim3A : f32 to vector<16xf32>
      %swap3A = arith.index_cast %scan3A_23 : i32 to index
      %swap3A_25 = arith.constant 0 : index
      %swap3A_26 = tpu.vector_load %arg5[%swap3A, %swap3A_25] {strides = array<i32>} : memref<640x16xf32, #tpu.memory_space<vmem>>, vector<1x16xf32>,
      %swap3A_27 = vector.shape_cast %swap3A_26 : vector<1x16xf32> to vector<16xf32>
      %swap3A_28 = vector.shape_cast %broadcast_in_dim3A_24 : vector<16xf32> to vector<1x16xf32>
      tpu.vector_store %arg5[%swap3A, %swap3A_25], %swap3A_28 {strides = array<i32>} : memref<640x16xf32, #tpu.memory_space<vmem>>, vector<1x16xf32>,
      %broadcast_in_dim3A_29 = arith.constant 0.000000e+00 : f32
      %broadcast_in_dim3A_30 = vector.broadcast %broadcast_in_dim3A_29 : f32 to vector<16xf32>
      %swap3A_31 = arith.index_cast %scan3A_23 : i32 to index
      %swap3A_32 = arith.constant 0 : index
      %swap3A_33 = tpu.vector_load %arg6[%swap3A_31, %swap3A_32] {strides = array<i32>} : memref<640x16xf32, #tpu.memory_space<vmem>>, vector<1x16xf32>,
      %swap3A_34 = vector.shape_cast %swap3A_33 : vector<1x16xf32> to vector<16xf32>
      %swap3A_35 = vector.shape_cast %broadcast_in_dim3A_30 : vector<16xf32> to vector<1x16xf32>
      tpu.vector_store %arg6[%swap3A_31, %swap3A_32], %swap3A_35 {strides = array<i32>} : memref<640x16xf32, #tpu.memory_space<vmem>>, vector<1x16xf32>,
    }
    %scan3A_7 = arith.constant 640 : i32
    %mul3A_8 = arith.constant 640 : i32
    %mul3A_9 = arith.muli %arg1, %mul3A_8 : i32
    "tpu.region"() ({
      %run_scoped3A = tpu.sem_alloc : memref<!tpu.dma_semaphore, #tpu.memory_space<semaphore_mem>>
      %dma_start3A = arith.constant 0 : i32
      %dma_start3A_23 = tpu.memref_slice %arg7[%mul3A_9, %dma_start3A] : memref<10240x16xf32, #tpu.memory_space<vmem_shared>> -> memref<640x16xf32, #tpu.memory_space<vmem_shared>>
      %dma_start3A_24 = arith.constant 0 : i32
      %dma_start3A_25 = tpu.memref_slice %arg7[%mul3A_9, %dma_start3A_24] : memref<10240x16xf32, #tpu.memory_space<vmem_shared>> -> memref<640x16xf32, #tpu.memory_space<vmem_shared>>
      tpu.enqueue_dma source(%arg6 : memref<640x16xf32, #tpu.memory_space<vmem>>) target(%dma_start3A_25 : memref<640x16xf32, #tpu.memory_space<vmem_shared>>) target_semaphore(%run_scoped3A : memref<!tpu.dma_semaphore, #tpu.memory_space<semaphore_mem>>)
      %dma_wait3A = arith.constant 0 : i32
      %dma_wait3A_26 = tpu.memref_slice %arg7[%mul3A_9, %dma_wait3A] : memref<10240x16xf32, #tpu.memory_space<vmem_shared>> -> memref<640x16xf32, #tpu.memory_space<vmem_shared>>
      %dma_wait3A_27 = arith.constant 0 : i32
      %dma_wait3A_28 = tpu.memref_slice %arg7[%mul3A_9, %dma_wait3A_27] : memref<10240x16xf32, #tpu.memory_space<vmem_shared>> -> memref<640x16xf32, #tpu.memory_space<vmem_shared>>
      tpu.wait_dma2 semaphore(%run_scoped3A : memref<!tpu.dma_semaphore, #tpu.memory_space<semaphore_mem>>) src(%arg6 : memref<640x16xf32, #tpu.memory_space<vmem>>) dst(%dma_wait3A_28 : memref<640x16xf32, #tpu.memory_space<vmem_shared>>)
      tpu.yield
    }) : () -> ()
    %barrier3A = arith.constant 0 : index
    tpu.barrier barrier_id(%barrier3A)
    %scan3A_10 = arith.constant 0 : i32
    %scan3A_11 = arith.constant 0 : i32
    %scan3A_12 = arith.constant 160 : i32
    %scan3A_13 = arith.addi %scan3A_11, %scan3A_12 : i32
    %scan3A_14 = arith.constant 1 : i32
    scf.for %scan3A_23 = %scan3A_11 to %scan3A_13 step %scan3A_14  : i32 {
      "tpu.region"() ({
        %run_scoped3A = tpu.sem_alloc : memref<!tpu.dma_semaphore, #tpu.memory_space<semaphore_mem>>
        %dma_start3A = arith.constant 0 : i32
        %dma_start3A_24 = arith.constant 0 : i32
        %dma_start3A_25 = tpu.memref_slice %arg5[%dma_start3A, %dma_start3A_24] : memref<640x16xf32, #tpu.memory_space<vmem>> -> memref<64x16xf32, #tpu.memory_space<vmem>>
        %dma_start3A_26 = arith.constant 0 : i32
        %dma_start3A_27 = tpu.memref_slice %arg4[%scan3A_23, %dma_start3A_26] : memref<160x64xi32, #tpu.memory_space<vmem>> -> memref<1x64xi32, #tpu.memory_space<vmem>>
        %dma_start3A_28 = tpu.memref_squeeze %dma_start3A_27 : memref<1x64xi32, #tpu.memory_space<vmem>> -> memref<64xi32, #tpu.memory_space<vmem>>
        %dma_start3A_29 = arith.constant 0 : i32
        %dma_start3A_30 = arith.constant 0 : i32
        %dma_start3A_31 = tpu.memref_slice %arg7[%dma_start3A_29, %dma_start3A_30] : memref<10240x16xf32, #tpu.memory_space<vmem_shared>> -> memref<10240x16xf32, #tpu.memory_space<vmem_shared>>
        tpu.enqueue_indirect_dma source(%dma_start3A_25 : memref<64x16xf32, #tpu.memory_space<vmem>>) target(%dma_start3A_31 : memref<10240x16xf32, #tpu.memory_space<vmem_shared>>) offsets(%dma_start3A_28 : memref<64xi32, #tpu.memory_space<vmem>>) semaphore(%run_scoped3A : memref<!tpu.dma_semaphore, #tpu.memory_space<semaphore_mem>>) {add = true}
        %dma_wait3A = arith.constant 0 : i32
        %dma_wait3A_32 = arith.constant 0 : i32
        %dma_wait3A_33 = tpu.memref_slice %arg5[%dma_wait3A, %dma_wait3A_32] : memref<640x16xf32, #tpu.memory_space<vmem>> -> memref<64x16xf32, #tpu.memory_space<vmem>>
        %dma_wait3A_34 = arith.constant 0 : i32
        %dma_wait3A_35 = tpu.memref_slice %arg4[%scan3A_23, %dma_wait3A_34] : memref<160x64xi32, #tpu.memory_space<vmem>> -> memref<1x64xi32, #tpu.memory_space<vmem>>
        %dma_wait3A_36 = tpu.memref_squeeze %dma_wait3A_35 : memref<1x64xi32, #tpu.memory_space<vmem>> -> memref<64xi32, #tpu.memory_space<vmem>>
        %dma_wait3A_37 = arith.constant 0 : i32
        %dma_wait3A_38 = arith.constant 0 : i32
        %dma_wait3A_39 = tpu.memref_slice %arg7[%dma_wait3A_37, %dma_wait3A_38] : memref<10240x16xf32, #tpu.memory_space<vmem_shared>> -> memref<10240x16xf32, #tpu.memory_space<vmem_shared>>
        tpu.wait_indirect_dma semaphore(%run_scoped3A : memref<!tpu.dma_semaphore, #tpu.memory_space<semaphore_mem>>) src(%dma_wait3A_33 : memref<64x16xf32, #tpu.memory_space<vmem>>) dst(%dma_wait3A_39 : memref<10240x16xf32, #tpu.memory_space<vmem_shared>>)
        tpu.yield
      }) : () -> ()
    }
    %scan3A_15 = arith.constant 160 : i32
    %barrier3A_16 = arith.constant 0 : index
    tpu.barrier barrier_id(%barrier3A_16)
    %mul3A_17 = arith.constant 640 : i32
    %mul3A_18 = arith.muli %arg1, %mul3A_17 : i32
    %mul3A_19 = arith.constant 640 : i32
    %mul3A_20 = arith.muli %arg1, %mul3A_19 : i32
    %mul3A_21 = arith.constant 16 : i32
    %mul3A_22 = arith.muli %arg0, %mul3A_21 : i32
    "tpu.region"() ({
      %run_scoped3A = tpu.sem_alloc : memref<!tpu.dma_semaphore, #tpu.memory_space<semaphore_mem>>
      %dma_start3A = tpu.memref_slice %arg3[%mul3A_20, %mul3A_22] : memref<10240x128xf32, #tpu.memory_space<hbm>> -> memref<640x16xf32, #tpu.memory_space<hbm>>
      %dma_start3A_23 = arith.constant 0 : i32
      %dma_start3A_24 = tpu.memref_slice %arg7[%mul3A_18, %dma_start3A_23] : memref<10240x16xf32, #tpu.memory_space<vmem_shared>> -> memref<640x16xf32, #tpu.memory_space<vmem_shared>>
      tpu.enqueue_dma source(%dma_start3A_24 : memref<640x16xf32, #tpu.memory_space<vmem_shared>>) target(%dma_start3A : memref<640x16xf32, #tpu.memory_space<hbm>>) target_semaphore(%run_scoped3A : memref<!tpu.dma_semaphore, #tpu.memory_space<semaphore_mem>>)
      %dma_wait3A = tpu.memref_slice %arg3[%mul3A_20, %mul3A_22] : memref<10240x128xf32, #tpu.memory_space<hbm>> -> memref<640x16xf32, #tpu.memory_space<hbm>>
      %dma_wait3A_25 = arith.constant 0 : i32
      %dma_wait3A_26 = tpu.memref_slice %arg7[%mul3A_18, %dma_wait3A_25] : memref<10240x16xf32, #tpu.memory_space<vmem_shared>> -> memref<640x16xf32, #tpu.memory_space<vmem_shared>>
      tpu.wait_dma2 semaphore(%run_scoped3A : memref<!tpu.dma_semaphore, #tpu.memory_space<semaphore_mem>>) src(%dma_wait3A_26 : memref<640x16xf32, #tpu.memory_space<vmem_shared>>) dst(%dma_wait3A : memref<640x16xf32, #tpu.memory_space<hbm>>)
      tpu.yield
    }) : () -> ()
    return
  }
}

#map = affine_map<(d0, d1) -> (0, 0)>
#map1 = affine_map<(d0, d1) -> (0, 0, 0)>
module attributes {stable_mosaic.version = 14 : i64} {
  func.func @_scatter_body(%arg0: i32, %arg1: i32, %arg2: memref<10000x128xf32, #tpu.memory_space<hbm>>, %arg3: memref<5120x64xi32, #tpu.memory_space<hbm>>, %arg4: memref<5120x64xi32, #tpu.memory_space<hbm>>, %arg5: memref<2x10240x128xf32, #tpu.memory_space<hbm>>, %arg6: memref<80x64xi32, #tpu.memory_space<vmem>>, %arg7: memref<80x64xi32, #tpu.memory_space<vmem>>, %arg8: memref<64x128xf32, #tpu.memory_space<vmem>>, %arg9: memref<64x128xf32, #tpu.memory_space<vmem>>, %arg10: memref<64x128xf32, #tpu.memory_space<vmem>>, %arg11: memref<64x128xf32, #tpu.memory_space<vmem>>, %arg12: memref<10240x128xf32, #tpu.memory_space<vmem_shared>>, %arg13: memref<!tpu.dma_semaphore, #tpu.memory_space<semaphore_mem>>, %arg14: memref<!tpu.dma_semaphore, #tpu.memory_space<semaphore_mem>>, %arg15: memref<!tpu.dma_semaphore, #tpu.memory_space<semaphore_mem>>, %arg16: memref<!tpu.dma_semaphore, #tpu.memory_space<semaphore_mem>>) attributes {dimension_semantics = [#tpu.dimension_semantics<core_parallel>, #tpu.dimension_semantics<subcore_parallel>], iteration_bounds = array<i64: 2, 16>, scalar_prefetch = 0 : i64, scratch_operands = 11 : i64, tpu.core_type = #tpu.core_type<sc_vector_subcore>, window_params = [{transform_indices = #map}, {transform_indices = #map}, {transform_indices = #map}, {transform_indices = #map1}]} {
    %mul3A = arith.constant 16 : i32
    %mul3A_0 = arith.muli %arg0, %mul3A : i32
    %add3A = arith.addi %mul3A_0, %arg1 : i32
    %scan3A = arith.constant 0 : i32
    %scan3A_1 = arith.constant 0 : i32
    %scan3A_2 = arith.constant 64 : i32
    %scan3A_3 = arith.addi %scan3A_1, %scan3A_2 : i32
    %scan3A_4 = arith.constant 1 : i32
    scf.for %scan3A_86 = %scan3A_1 to %scan3A_3 step %scan3A_4  : i32 {
      %broadcast_in_dim3A = arith.constant 0.000000e+00 : f32
      %broadcast_in_dim3A_87 = vector.broadcast %broadcast_in_dim3A : f32 to vector<16xf32>
      %swap3A = arith.index_cast %scan3A_86 : i32 to index
      %swap3A_88 = arith.constant 0 : index
      %swap3A_89 = tpu.vector_load %arg8[%swap3A, %swap3A_88] {strides = array<i32>} : memref<64x128xf32, #tpu.memory_space<vmem>>, vector<1x16xf32>,
      %swap3A_90 = vector.shape_cast %swap3A_89 : vector<1x16xf32> to vector<16xf32>
      %swap3A_91 = vector.shape_cast %broadcast_in_dim3A_87 : vector<16xf32> to vector<1x16xf32>
      tpu.vector_store %arg8[%swap3A, %swap3A_88], %swap3A_91 {strides = array<i32>} : memref<64x128xf32, #tpu.memory_space<vmem>>, vector<1x16xf32>,
      %broadcast_in_dim3A_92 = arith.constant 0.000000e+00 : f32
      %broadcast_in_dim3A_93 = vector.broadcast %broadcast_in_dim3A_92 : f32 to vector<16xf32>
      %swap3A_94 = arith.index_cast %scan3A_86 : i32 to index
      %swap3A_95 = arith.constant 16 : index
      %swap3A_96 = tpu.vector_load %arg8[%swap3A_94, %swap3A_95] {strides = array<i32>} : memref<64x128xf32, #tpu.memory_space<vmem>>, vector<1x16xf32>,
      %swap3A_97 = vector.shape_cast %swap3A_96 : vector<1x16xf32> to vector<16xf32>
      %swap3A_98 = vector.shape_cast %broadcast_in_dim3A_93 : vector<16xf32> to vector<1x16xf32>
      tpu.vector_store %arg8[%swap3A_94, %swap3A_95], %swap3A_98 {strides = array<i32>} : memref<64x128xf32, #tpu.memory_space<vmem>>, vector<1x16xf32>,
      %broadcast_in_dim3A_99 = arith.constant 0.000000e+00 : f32
      %broadcast_in_dim3A_100 = vector.broadcast %broadcast_in_dim3A_99 : f32 to vector<16xf32>
      %swap3A_101 = arith.index_cast %scan3A_86 : i32 to index
      %swap3A_102 = arith.constant 32 : index
      %swap3A_103 = tpu.vector_load %arg8[%swap3A_101, %swap3A_102] {strides = array<i32>} : memref<64x128xf32, #tpu.memory_space<vmem>>, vector<1x16xf32>,
      %swap3A_104 = vector.shape_cast %swap3A_103 : vector<1x16xf32> to vector<16xf32>
      %swap3A_105 = vector.shape_cast %broadcast_in_dim3A_100 : vector<16xf32> to vector<1x16xf32>
      tpu.vector_store %arg8[%swap3A_101, %swap3A_102], %swap3A_105 {strides = array<i32>} : memref<64x128xf32, #tpu.memory_space<vmem>>, vector<1x16xf32>,
      %broadcast_in_dim3A_106 = arith.constant 0.000000e+00 : f32
      %broadcast_in_dim3A_107 = vector.broadcast %broadcast_in_dim3A_106 : f32 to vector<16xf32>
      %swap3A_108 = arith.index_cast %scan3A_86 : i32 to index
      %swap3A_109 = arith.constant 48 : index
      %swap3A_110 = tpu.vector_load %arg8[%swap3A_108, %swap3A_109] {strides = array<i32>} : memref<64x128xf32, #tpu.memory_space<vmem>>, vector<1x16xf32>,
      %swap3A_111 = vector.shape_cast %swap3A_110 : vector<1x16xf32> to vector<16xf32>
      %swap3A_112 = vector.shape_cast %broadcast_in_dim3A_107 : vector<16xf32> to vector<1x16xf32>
      tpu.vector_store %arg8[%swap3A_108, %swap3A_109], %swap3A_112 {strides = array<i32>} : memref<64x128xf32, #tpu.memory_space<vmem>>, vector<1x16xf32>,
      %broadcast_in_dim3A_113 = arith.constant 0.000000e+00 : f32
      %broadcast_in_dim3A_114 = vector.broadcast %broadcast_in_dim3A_113 : f32 to vector<16xf32>
      %swap3A_115 = arith.index_cast %scan3A_86 : i32 to index
      %swap3A_116 = arith.constant 64 : index
      %swap3A_117 = tpu.vector_load %arg8[%swap3A_115, %swap3A_116] {strides = array<i32>} : memref<64x128xf32, #tpu.memory_space<vmem>>, vector<1x16xf32>,
      %swap3A_118 = vector.shape_cast %swap3A_117 : vector<1x16xf32> to vector<16xf32>
      %swap3A_119 = vector.shape_cast %broadcast_in_dim3A_114 : vector<16xf32> to vector<1x16xf32>
      tpu.vector_store %arg8[%swap3A_115, %swap3A_116], %swap3A_119 {strides = array<i32>} : memref<64x128xf32, #tpu.memory_space<vmem>>, vector<1x16xf32>,
      %broadcast_in_dim3A_120 = arith.constant 0.000000e+00 : f32
      %broadcast_in_dim3A_121 = vector.broadcast %broadcast_in_dim3A_120 : f32 to vector<16xf32>
      %swap3A_122 = arith.index_cast %scan3A_86 : i32 to index
      %swap3A_123 = arith.constant 80 : index
      %swap3A_124 = tpu.vector_load %arg8[%swap3A_122, %swap3A_123] {strides = array<i32>} : memref<64x128xf32, #tpu.memory_space<vmem>>, vector<1x16xf32>,
      %swap3A_125 = vector.shape_cast %swap3A_124 : vector<1x16xf32> to vector<16xf32>
      %swap3A_126 = vector.shape_cast %broadcast_in_dim3A_121 : vector<16xf32> to vector<1x16xf32>
      tpu.vector_store %arg8[%swap3A_122, %swap3A_123], %swap3A_126 {strides = array<i32>} : memref<64x128xf32, #tpu.memory_space<vmem>>, vector<1x16xf32>,
      %broadcast_in_dim3A_127 = arith.constant 0.000000e+00 : f32
      %broadcast_in_dim3A_128 = vector.broadcast %broadcast_in_dim3A_127 : f32 to vector<16xf32>
      %swap3A_129 = arith.index_cast %scan3A_86 : i32 to index
      %swap3A_130 = arith.constant 96 : index
      %swap3A_131 = tpu.vector_load %arg8[%swap3A_129, %swap3A_130] {strides = array<i32>} : memref<64x128xf32, #tpu.memory_space<vmem>>, vector<1x16xf32>,
      %swap3A_132 = vector.shape_cast %swap3A_131 : vector<1x16xf32> to vector<16xf32>
      %swap3A_133 = vector.shape_cast %broadcast_in_dim3A_128 : vector<16xf32> to vector<1x16xf32>
      tpu.vector_store %arg8[%swap3A_129, %swap3A_130], %swap3A_133 {strides = array<i32>} : memref<64x128xf32, #tpu.memory_space<vmem>>, vector<1x16xf32>,
      %broadcast_in_dim3A_134 = arith.constant 0.000000e+00 : f32
      %broadcast_in_dim3A_135 = vector.broadcast %broadcast_in_dim3A_134 : f32 to vector<16xf32>
      %swap3A_136 = arith.index_cast %scan3A_86 : i32 to index
      %swap3A_137 = arith.constant 112 : index
      %swap3A_138 = tpu.vector_load %arg8[%swap3A_136, %swap3A_137] {strides = array<i32>} : memref<64x128xf32, #tpu.memory_space<vmem>>, vector<1x16xf32>,
      %swap3A_139 = vector.shape_cast %swap3A_138 : vector<1x16xf32> to vector<16xf32>
      %swap3A_140 = vector.shape_cast %broadcast_in_dim3A_135 : vector<16xf32> to vector<1x16xf32>
      tpu.vector_store %arg8[%swap3A_136, %swap3A_137], %swap3A_140 {strides = array<i32>} : memref<64x128xf32, #tpu.memory_space<vmem>>, vector<1x16xf32>,
    }
    %scan3A_5 = arith.constant 64 : i32
    %scan3A_6 = arith.constant 0 : i32
    %scan3A_7 = arith.constant 0 : i32
    %scan3A_8 = arith.constant 10 : i32
    %scan3A_9 = arith.addi %scan3A_7, %scan3A_8 : i32
    %scan3A_10 = arith.constant 1 : i32
    scf.for %scan3A_86 = %scan3A_7 to %scan3A_9 step %scan3A_10  : i32 {
      %mul3A_87 = arith.constant 640 : i32
      %mul3A_88 = arith.muli %arg1, %mul3A_87 : i32
      %mul3A_89 = arith.constant 64 : i32
      %mul3A_90 = arith.muli %scan3A_86, %mul3A_89 : i32
      %add3A_91 = arith.addi %mul3A_88, %mul3A_90 : i32
      "tpu.region"() ({
        %run_scoped3A = tpu.sem_alloc : memref<!tpu.dma_semaphore, #tpu.memory_space<semaphore_mem>>
        %dma_start3A_92 = arith.constant 0 : i32
        %dma_start3A_93 = tpu.memref_slice %arg12[%add3A_91, %dma_start3A_92] : memref<10240x128xf32, #tpu.memory_space<vmem_shared>> -> memref<64x128xf32, #tpu.memory_space<vmem_shared>>
        %dma_start3A_94 = arith.constant 0 : i32
        %dma_start3A_95 = tpu.memref_slice %arg12[%add3A_91, %dma_start3A_94] : memref<10240x128xf32, #tpu.memory_space<vmem_shared>> -> memref<64x128xf32, #tpu.memory_space<vmem_shared>>
        tpu.enqueue_dma source(%arg8 : memref<64x128xf32, #tpu.memory_space<vmem>>) target(%dma_start3A_95 : memref<64x128xf32, #tpu.memory_space<vmem_shared>>) target_semaphore(%run_scoped3A : memref<!tpu.dma_semaphore, #tpu.memory_space<semaphore_mem>>)
        %dma_wait3A = arith.constant 0 : i32
        %dma_wait3A_96 = tpu.memref_slice %arg12[%add3A_91, %dma_wait3A] : memref<10240x128xf32, #tpu.memory_space<vmem_shared>> -> memref<64x128xf32, #tpu.memory_space<vmem_shared>>
        %dma_wait3A_97 = arith.constant 0 : i32
        %dma_wait3A_98 = tpu.memref_slice %arg12[%add3A_91, %dma_wait3A_97] : memref<10240x128xf32, #tpu.memory_space<vmem_shared>> -> memref<64x128xf32, #tpu.memory_space<vmem_shared>>
        tpu.wait_dma2 semaphore(%run_scoped3A : memref<!tpu.dma_semaphore, #tpu.memory_space<semaphore_mem>>) src(%arg8 : memref<64x128xf32, #tpu.memory_space<vmem>>) dst(%dma_wait3A_98 : memref<64x128xf32, #tpu.memory_space<vmem_shared>>)
        tpu.yield
      }) : () -> ()
    }
    %scan3A_11 = arith.constant 10 : i32
    %barrier3A = arith.constant 0 : index
    tpu.barrier barrier_id(%barrier3A)
    %mul3A_12 = arith.constant 160 : i32
    %mul3A_13 = arith.muli %add3A, %mul3A_12 : i32
    %add3A_14 = arith.constant 0 : i32
    %add3A_15 = arith.addi %mul3A_13, %add3A_14 : i32
    "tpu.region"() ({
      %run_scoped3A = tpu.sem_alloc : memref<!tpu.dma_semaphore, #tpu.memory_space<semaphore_mem>>
      %dma_start3A_86 = arith.constant 0 : i32
      %dma_start3A_87 = tpu.memref_slice %arg3[%add3A_15, %dma_start3A_86] : memref<5120x64xi32, #tpu.memory_space<hbm>> -> memref<80x64xi32, #tpu.memory_space<hbm>>
      %dma_start3A_88 = arith.constant 0 : i32
      %dma_start3A_89 = tpu.memref_slice %arg3[%add3A_15, %dma_start3A_88] : memref<5120x64xi32, #tpu.memory_space<hbm>> -> memref<80x64xi32, #tpu.memory_space<hbm>>
      tpu.enqueue_dma source(%dma_start3A_89 : memref<80x64xi32, #tpu.memory_space<hbm>>) target(%arg6 : memref<80x64xi32, #tpu.memory_space<vmem>>) target_semaphore(%run_scoped3A : memref<!tpu.dma_semaphore, #tpu.memory_space<semaphore_mem>>)
      %dma_wait3A = arith.constant 0 : i32
      %dma_wait3A_90 = tpu.memref_slice %arg3[%add3A_15, %dma_wait3A] : memref<5120x64xi32, #tpu.memory_space<hbm>> -> memref<80x64xi32, #tpu.memory_space<hbm>>
      %dma_wait3A_91 = arith.constant 0 : i32
      %dma_wait3A_92 = tpu.memref_slice %arg3[%add3A_15, %dma_wait3A_91] : memref<5120x64xi32, #tpu.memory_space<hbm>> -> memref<80x64xi32, #tpu.memory_space<hbm>>
      tpu.wait_dma2 semaphore(%run_scoped3A : memref<!tpu.dma_semaphore, #tpu.memory_space<semaphore_mem>>) src(%dma_wait3A_92 : memref<80x64xi32, #tpu.memory_space<hbm>>) dst(%arg6 : memref<80x64xi32, #tpu.memory_space<vmem>>)
      tpu.yield
    }) : () -> ()
    %mul3A_16 = arith.constant 160 : i32
    %mul3A_17 = arith.muli %add3A, %mul3A_16 : i32
    %add3A_18 = arith.constant 0 : i32
    %add3A_19 = arith.addi %mul3A_17, %add3A_18 : i32
    "tpu.region"() ({
      %run_scoped3A = tpu.sem_alloc : memref<!tpu.dma_semaphore, #tpu.memory_space<semaphore_mem>>
      %dma_start3A_86 = arith.constant 0 : i32
      %dma_start3A_87 = tpu.memref_slice %arg4[%add3A_19, %dma_start3A_86] : memref<5120x64xi32, #tpu.memory_space<hbm>> -> memref<80x64xi32, #tpu.memory_space<hbm>>
      %dma_start3A_88 = arith.constant 0 : i32
      %dma_start3A_89 = tpu.memref_slice %arg4[%add3A_19, %dma_start3A_88] : memref<5120x64xi32, #tpu.memory_space<hbm>> -> memref<80x64xi32, #tpu.memory_space<hbm>>
      tpu.enqueue_dma source(%dma_start3A_89 : memref<80x64xi32, #tpu.memory_space<hbm>>) target(%arg7 : memref<80x64xi32, #tpu.memory_space<vmem>>) target_semaphore(%run_scoped3A : memref<!tpu.dma_semaphore, #tpu.memory_space<semaphore_mem>>)
      %dma_wait3A = arith.constant 0 : i32
      %dma_wait3A_90 = tpu.memref_slice %arg4[%add3A_19, %dma_wait3A] : memref<5120x64xi32, #tpu.memory_space<hbm>> -> memref<80x64xi32, #tpu.memory_space<hbm>>
      %dma_wait3A_91 = arith.constant 0 : i32
      %dma_wait3A_92 = tpu.memref_slice %arg4[%add3A_19, %dma_wait3A_91] : memref<5120x64xi32, #tpu.memory_space<hbm>> -> memref<80x64xi32, #tpu.memory_space<hbm>>
      tpu.wait_dma2 semaphore(%run_scoped3A : memref<!tpu.dma_semaphore, #tpu.memory_space<semaphore_mem>>) src(%dma_wait3A_92 : memref<80x64xi32, #tpu.memory_space<hbm>>) dst(%arg7 : memref<80x64xi32, #tpu.memory_space<vmem>>)
      tpu.yield
    }) : () -> ()
    %dma_start3A = arith.constant 0 : i32
    %dma_start3A_20 = arith.constant 0 : i32
    %dma_start3A_21 = tpu.memref_slice %arg6[%dma_start3A, %dma_start3A_20] : memref<80x64xi32, #tpu.memory_space<vmem>> -> memref<1x64xi32, #tpu.memory_space<vmem>>
    %dma_start3A_22 = tpu.memref_squeeze %dma_start3A_21 : memref<1x64xi32, #tpu.memory_space<vmem>> -> memref<64xi32, #tpu.memory_space<vmem>>
    %dma_start3A_23 = arith.constant 0 : i32
    %dma_start3A_24 = arith.constant 0 : i32
    %dma_start3A_25 = tpu.memref_slice %arg2[%dma_start3A_23, %dma_start3A_24] : memref<10000x128xf32, #tpu.memory_space<hbm>> -> memref<10000x128xf32, #tpu.memory_space<hbm>>
    tpu.enqueue_indirect_dma source(%dma_start3A_25 : memref<10000x128xf32, #tpu.memory_space<hbm>>) target(%arg8 : memref<64x128xf32, #tpu.memory_space<vmem>>) offsets(%dma_start3A_22 : memref<64xi32, #tpu.memory_space<vmem>>) semaphore(%arg13 : memref<!tpu.dma_semaphore, #tpu.memory_space<semaphore_mem>>)
    %dma_start3A_26 = arith.constant 1 : i32
    %dma_start3A_27 = arith.constant 0 : i32
    %dma_start3A_28 = tpu.memref_slice %arg6[%dma_start3A_26, %dma_start3A_27] : memref<80x64xi32, #tpu.memory_space<vmem>> -> memref<1x64xi32, #tpu.memory_space<vmem>>
    %dma_start3A_29 = tpu.memref_squeeze %dma_start3A_28 : memref<1x64xi32, #tpu.memory_space<vmem>> -> memref<64xi32, #tpu.memory_space<vmem>>
    %dma_start3A_30 = arith.constant 0 : i32
    %dma_start3A_31 = arith.constant 0 : i32
    %dma_start3A_32 = tpu.memref_slice %arg2[%dma_start3A_30, %dma_start3A_31] : memref<10000x128xf32, #tpu.memory_space<hbm>> -> memref<10000x128xf32, #tpu.memory_space<hbm>>
    tpu.enqueue_indirect_dma source(%dma_start3A_32 : memref<10000x128xf32, #tpu.memory_space<hbm>>) target(%arg9 : memref<64x128xf32, #tpu.memory_space<vmem>>) offsets(%dma_start3A_29 : memref<64xi32, #tpu.memory_space<vmem>>) semaphore(%arg14 : memref<!tpu.dma_semaphore, #tpu.memory_space<semaphore_mem>>)
    %dma_start3A_33 = arith.constant 2 : i32
    %dma_start3A_34 = arith.constant 0 : i32
    %dma_start3A_35 = tpu.memref_slice %arg6[%dma_start3A_33, %dma_start3A_34] : memref<80x64xi32, #tpu.memory_space<vmem>> -> memref<1x64xi32, #tpu.memory_space<vmem>>
    %dma_start3A_36 = tpu.memref_squeeze %dma_start3A_35 : memref<1x64xi32, #tpu.memory_space<vmem>> -> memref<64xi32, #tpu.memory_space<vmem>>
    %dma_start3A_37 = arith.constant 0 : i32
    %dma_start3A_38 = arith.constant 0 : i32
    %dma_start3A_39 = tpu.memref_slice %arg2[%dma_start3A_37, %dma_start3A_38] : memref<10000x128xf32, #tpu.memory_space<hbm>> -> memref<10000x128xf32, #tpu.memory_space<hbm>>
    tpu.enqueue_indirect_dma source(%dma_start3A_39 : memref<10000x128xf32, #tpu.memory_space<hbm>>) target(%arg10 : memref<64x128xf32, #tpu.memory_space<vmem>>) offsets(%dma_start3A_36 : memref<64xi32, #tpu.memory_space<vmem>>) semaphore(%arg15 : memref<!tpu.dma_semaphore, #tpu.memory_space<semaphore_mem>>)
    %scan3A_40 = arith.constant 0 : i32
    %scan3A_41 = arith.constant 0 : i32
    %scan3A_42 = arith.constant 20 : i32
    %scan3A_43 = arith.addi %scan3A_41, %scan3A_42 : i32
    %scan3A_44 = arith.constant 1 : i32
    scf.for %scan3A_86 = %scan3A_41 to %scan3A_43 step %scan3A_44  : i32 {
      %mul3A_87 = arith.constant 4 : i32
      %mul3A_88 = arith.muli %mul3A_87, %scan3A_86 : i32
      %add3A_89 = arith.constant 0 : i32
      %add3A_90 = arith.addi %mul3A_88, %add3A_89 : i32
      %dma_wait3A = arith.constant 0 : i32
      %dma_wait3A_91 = tpu.memref_slice %arg6[%add3A_90, %dma_wait3A] : memref<80x64xi32, #tpu.memory_space<vmem>> -> memref<1x64xi32, #tpu.memory_space<vmem>>
      %dma_wait3A_92 = tpu.memref_squeeze %dma_wait3A_91 : memref<1x64xi32, #tpu.memory_space<vmem>> -> memref<64xi32, #tpu.memory_space<vmem>>
      %dma_wait3A_93 = arith.constant 0 : i32
      %dma_wait3A_94 = arith.constant 0 : i32
      %dma_wait3A_95 = tpu.memref_slice %arg2[%dma_wait3A_93, %dma_wait3A_94] : memref<10000x128xf32, #tpu.memory_space<hbm>> -> memref<10000x128xf32, #tpu.memory_space<hbm>>
      tpu.wait_indirect_dma semaphore(%arg13 : memref<!tpu.dma_semaphore, #tpu.memory_space<semaphore_mem>>) src(%dma_wait3A_95 : memref<10000x128xf32, #tpu.memory_space<hbm>>) dst(%arg8 : memref<64x128xf32, #tpu.memory_space<vmem>>)
      "tpu.region"() ({
        %run_scoped3A = tpu.sem_alloc : memref<!tpu.dma_semaphore, #tpu.memory_space<semaphore_mem>>
        %dma_start3A_145 = arith.constant 0 : i32
        %dma_start3A_146 = tpu.memref_slice %arg7[%add3A_90, %dma_start3A_145] : memref<80x64xi32, #tpu.memory_space<vmem>> -> memref<1x64xi32, #tpu.memory_space<vmem>>
        %dma_start3A_147 = tpu.memref_squeeze %dma_start3A_146 : memref<1x64xi32, #tpu.memory_space<vmem>> -> memref<64xi32, #tpu.memory_space<vmem>>
        %dma_start3A_148 = arith.constant 0 : i32
        %dma_start3A_149 = arith.constant 0 : i32
        %dma_start3A_150 = tpu.memref_slice %arg12[%dma_start3A_148, %dma_start3A_149] : memref<10240x128xf32, #tpu.memory_space<vmem_shared>> -> memref<10240x128xf32, #tpu.memory_space<vmem_shared>>
        tpu.enqueue_indirect_dma source(%arg8 : memref<64x128xf32, #tpu.memory_space<vmem>>) target(%dma_start3A_150 : memref<10240x128xf32, #tpu.memory_space<vmem_shared>>) offsets(%dma_start3A_147 : memref<64xi32, #tpu.memory_space<vmem>>) semaphore(%run_scoped3A : memref<!tpu.dma_semaphore, #tpu.memory_space<semaphore_mem>>) {add = true}
        %dma_wait3A_151 = arith.constant 0 : i32
        %dma_wait3A_152 = tpu.memref_slice %arg7[%add3A_90, %dma_wait3A_151] : memref<80x64xi32, #tpu.memory_space<vmem>> -> memref<1x64xi32, #tpu.memory_space<vmem>>
        %dma_wait3A_153 = tpu.memref_squeeze %dma_wait3A_152 : memref<1x64xi32, #tpu.memory_space<vmem>> -> memref<64xi32, #tpu.memory_space<vmem>>
        %dma_wait3A_154 = arith.constant 0 : i32
        %dma_wait3A_155 = arith.constant 0 : i32
        %dma_wait3A_156 = tpu.memref_slice %arg12[%dma_wait3A_154, %dma_wait3A_155] : memref<10240x128xf32, #tpu.memory_space<vmem_shared>> -> memref<10240x128xf32, #tpu.memory_space<vmem_shared>>
        tpu.wait_indirect_dma semaphore(%run_scoped3A : memref<!tpu.dma_semaphore, #tpu.memory_space<semaphore_mem>>) src(%arg8 : memref<64x128xf32, #tpu.memory_space<vmem>>) dst(%dma_wait3A_156 : memref<10240x128xf32, #tpu.memory_space<vmem_shared>>)
        tpu.yield
      }) : () -> ()
      %add3A_96 = arith.constant 3 : i32
      %add3A_97 = arith.addi %add3A_90, %add3A_96 : i32
      %lt3A = arith.constant 80 : i32
      %lt3A_98 = arith.cmpi slt, %add3A_97, %lt3A : i32
      %convert_element_type3A = arith.extui %lt3A_98 : i1 to i32
      %cond3A = arith.constant 0 : i32
      %cond3A_99 = arith.cmpi ne, %convert_element_type3A, %cond3A : i32
      scf.if %cond3A_99 {
        %add3A_145 = arith.constant 3 : i32
        %add3A_146 = arith.addi %add3A_90, %add3A_145 : i32
        %dma_start3A_147 = arith.constant 0 : i32
        %dma_start3A_148 = tpu.memref_slice %arg6[%add3A_146, %dma_start3A_147] : memref<80x64xi32, #tpu.memory_space<vmem>> -> memref<1x64xi32, #tpu.memory_space<vmem>>
        %dma_start3A_149 = tpu.memref_squeeze %dma_start3A_148 : memref<1x64xi32, #tpu.memory_space<vmem>> -> memref<64xi32, #tpu.memory_space<vmem>>
        %dma_start3A_150 = arith.constant 0 : i32
        %dma_start3A_151 = arith.constant 0 : i32
        %dma_start3A_152 = tpu.memref_slice %arg2[%dma_start3A_150, %dma_start3A_151] : memref<10000x128xf32, #tpu.memory_space<hbm>> -> memref<10000x128xf32, #tpu.memory_space<hbm>>
        tpu.enqueue_indirect_dma source(%dma_start3A_152 : memref<10000x128xf32, #tpu.memory_space<hbm>>) target(%arg11 : memref<64x128xf32, #tpu.memory_space<vmem>>) offsets(%dma_start3A_149 : memref<64xi32, #tpu.memory_space<vmem>>) semaphore(%arg16 : memref<!tpu.dma_semaphore, #tpu.memory_space<semaphore_mem>>)
      } else {
      }
      %add3A_100 = arith.constant 1 : i32
      %add3A_101 = arith.addi %mul3A_88, %add3A_100 : i32
      %dma_wait3A_102 = arith.constant 0 : i32
      %dma_wait3A_103 = tpu.memref_slice %arg6[%add3A_101, %dma_wait3A_102] : memref<80x64xi32, #tpu.memory_space<vmem>> -> memref<1x64xi32, #tpu.memory_space<vmem>>
      %dma_wait3A_104 = tpu.memref_squeeze %dma_wait3A_103 : memref<1x64xi32, #tpu.memory_space<vmem>> -> memref<64xi32, #tpu.memory_space<vmem>>
      %dma_wait3A_105 = arith.constant 0 : i32
      %dma_wait3A_106 = arith.constant 0 : i32
      %dma_wait3A_107 = tpu.memref_slice %arg2[%dma_wait3A_105, %dma_wait3A_106] : memref<10000x128xf32, #tpu.memory_space<hbm>> -> memref<10000x128xf32, #tpu.memory_space<hbm>>
      tpu.wait_indirect_dma semaphore(%arg14 : memref<!tpu.dma_semaphore, #tpu.memory_space<semaphore_mem>>) src(%dma_wait3A_107 : memref<10000x128xf32, #tpu.memory_space<hbm>>) dst(%arg9 : memref<64x128xf32, #tpu.memory_space<vmem>>)
      "tpu.region"() ({
        %run_scoped3A = tpu.sem_alloc : memref<!tpu.dma_semaphore, #tpu.memory_space<semaphore_mem>>
        %dma_start3A_145 = arith.constant 0 : i32
        %dma_start3A_146 = tpu.memref_slice %arg7[%add3A_101, %dma_start3A_145] : memref<80x64xi32, #tpu.memory_space<vmem>> -> memref<1x64xi32, #tpu.memory_space<vmem>>
        %dma_start3A_147 = tpu.memref_squeeze %dma_start3A_146 : memref<1x64xi32, #tpu.memory_space<vmem>> -> memref<64xi32, #tpu.memory_space<vmem>>
        %dma_start3A_148 = arith.constant 0 : i32
        %dma_start3A_149 = arith.constant 0 : i32
        %dma_start3A_150 = tpu.memref_slice %arg12[%dma_start3A_148, %dma_start3A_149] : memref<10240x128xf32, #tpu.memory_space<vmem_shared>> -> memref<10240x128xf32, #tpu.memory_space<vmem_shared>>
        tpu.enqueue_indirect_dma source(%arg9 : memref<64x128xf32, #tpu.memory_space<vmem>>) target(%dma_start3A_150 : memref<10240x128xf32, #tpu.memory_space<vmem_shared>>) offsets(%dma_start3A_147 : memref<64xi32, #tpu.memory_space<vmem>>) semaphore(%run_scoped3A : memref<!tpu.dma_semaphore, #tpu.memory_space<semaphore_mem>>) {add = true}
        %dma_wait3A_151 = arith.constant 0 : i32
        %dma_wait3A_152 = tpu.memref_slice %arg7[%add3A_101, %dma_wait3A_151] : memref<80x64xi32, #tpu.memory_space<vmem>> -> memref<1x64xi32, #tpu.memory_space<vmem>>
        %dma_wait3A_153 = tpu.memref_squeeze %dma_wait3A_152 : memref<1x64xi32, #tpu.memory_space<vmem>> -> memref<64xi32, #tpu.memory_space<vmem>>
        %dma_wait3A_154 = arith.constant 0 : i32
        %dma_wait3A_155 = arith.constant 0 : i32
        %dma_wait3A_156 = tpu.memref_slice %arg12[%dma_wait3A_154, %dma_wait3A_155] : memref<10240x128xf32, #tpu.memory_space<vmem_shared>> -> memref<10240x128xf32, #tpu.memory_space<vmem_shared>>
        tpu.wait_indirect_dma semaphore(%run_scoped3A : memref<!tpu.dma_semaphore, #tpu.memory_space<semaphore_mem>>) src(%arg9 : memref<64x128xf32, #tpu.memory_space<vmem>>) dst(%dma_wait3A_156 : memref<10240x128xf32, #tpu.memory_space<vmem_shared>>)
        tpu.yield
      }) : () -> ()
      %add3A_108 = arith.constant 3 : i32
      %add3A_109 = arith.addi %add3A_101, %add3A_108 : i32
      %lt3A_110 = arith.constant 80 : i32
      %lt3A_111 = arith.cmpi slt, %add3A_109, %lt3A_110 : i32
      %convert_element_type3A_112 = arith.extui %lt3A_111 : i1 to i32
      %cond3A_113 = arith.constant 0 : i32
      %cond3A_114 = arith.cmpi ne, %convert_element_type3A_112, %cond3A_113 : i32
      scf.if %cond3A_114 {
        %add3A_145 = arith.constant 3 : i32
        %add3A_146 = arith.addi %add3A_101, %add3A_145 : i32
        %dma_start3A_147 = arith.constant 0 : i32
        %dma_start3A_148 = tpu.memref_slice %arg6[%add3A_146, %dma_start3A_147] : memref<80x64xi32, #tpu.memory_space<vmem>> -> memref<1x64xi32, #tpu.memory_space<vmem>>
        %dma_start3A_149 = tpu.memref_squeeze %dma_start3A_148 : memref<1x64xi32, #tpu.memory_space<vmem>> -> memref<64xi32, #tpu.memory_space<vmem>>
        %dma_start3A_150 = arith.constant 0 : i32
        %dma_start3A_151 = arith.constant 0 : i32
        %dma_start3A_152 = tpu.memref_slice %arg2[%dma_start3A_150, %dma_start3A_151] : memref<10000x128xf32, #tpu.memory_space<hbm>> -> memref<10000x128xf32, #tpu.memory_space<hbm>>
        tpu.enqueue_indirect_dma source(%dma_start3A_152 : memref<10000x128xf32, #tpu.memory_space<hbm>>) target(%arg8 : memref<64x128xf32, #tpu.memory_space<vmem>>) offsets(%dma_start3A_149 : memref<64xi32, #tpu.memory_space<vmem>>) semaphore(%arg13 : memref<!tpu.dma_semaphore, #tpu.memory_space<semaphore_mem>>)
      } else {
      }
      %add3A_115 = arith.constant 2 : i32
      %add3A_116 = arith.addi %mul3A_88, %add3A_115 : i32
      %dma_wait3A_117 = arith.constant 0 : i32
      %dma_wait3A_118 = tpu.memref_slice %arg6[%add3A_116, %dma_wait3A_117] : memref<80x64xi32, #tpu.memory_space<vmem>> -> memref<1x64xi32, #tpu.memory_space<vmem>>
      %dma_wait3A_119 = tpu.memref_squeeze %dma_wait3A_118 : memref<1x64xi32, #tpu.memory_space<vmem>> -> memref<64xi32, #tpu.memory_space<vmem>>
      %dma_wait3A_120 = arith.constant 0 : i32
      %dma_wait3A_121 = arith.constant 0 : i32
      %dma_wait3A_122 = tpu.memref_slice %arg2[%dma_wait3A_120, %dma_wait3A_121] : memref<10000x128xf32, #tpu.memory_space<hbm>> -> memref<10000x128xf32, #tpu.memory_space<hbm>>
      tpu.wait_indirect_dma semaphore(%arg15 : memref<!tpu.dma_semaphore, #tpu.memory_space<semaphore_mem>>) src(%dma_wait3A_122 : memref<10000x128xf32, #tpu.memory_space<hbm>>) dst(%arg10 : memref<64x128xf32, #tpu.memory_space<vmem>>)
      "tpu.region"() ({
        %run_scoped3A = tpu.sem_alloc : memref<!tpu.dma_semaphore, #tpu.memory_space<semaphore_mem>>
        %dma_start3A_145 = arith.constant 0 : i32
        %dma_start3A_146 = tpu.memref_slice %arg7[%add3A_116, %dma_start3A_145] : memref<80x64xi32, #tpu.memory_space<vmem>> -> memref<1x64xi32, #tpu.memory_space<vmem>>
        %dma_start3A_147 = tpu.memref_squeeze %dma_start3A_146 : memref<1x64xi32, #tpu.memory_space<vmem>> -> memref<64xi32, #tpu.memory_space<vmem>>
        %dma_start3A_148 = arith.constant 0 : i32
        %dma_start3A_149 = arith.constant 0 : i32
        %dma_start3A_150 = tpu.memref_slice %arg12[%dma_start3A_148, %dma_start3A_149] : memref<10240x128xf32, #tpu.memory_space<vmem_shared>> -> memref<10240x128xf32, #tpu.memory_space<vmem_shared>>
        tpu.enqueue_indirect_dma source(%arg10 : memref<64x128xf32, #tpu.memory_space<vmem>>) target(%dma_start3A_150 : memref<10240x128xf32, #tpu.memory_space<vmem_shared>>) offsets(%dma_start3A_147 : memref<64xi32, #tpu.memory_space<vmem>>) semaphore(%run_scoped3A : memref<!tpu.dma_semaphore, #tpu.memory_space<semaphore_mem>>) {add = true}
        %dma_wait3A_151 = arith.constant 0 : i32
        %dma_wait3A_152 = tpu.memref_slice %arg7[%add3A_116, %dma_wait3A_151] : memref<80x64xi32, #tpu.memory_space<vmem>> -> memref<1x64xi32, #tpu.memory_space<vmem>>
        %dma_wait3A_153 = tpu.memref_squeeze %dma_wait3A_152 : memref<1x64xi32, #tpu.memory_space<vmem>> -> memref<64xi32, #tpu.memory_space<vmem>>
        %dma_wait3A_154 = arith.constant 0 : i32
        %dma_wait3A_155 = arith.constant 0 : i32
        %dma_wait3A_156 = tpu.memref_slice %arg12[%dma_wait3A_154, %dma_wait3A_155] : memref<10240x128xf32, #tpu.memory_space<vmem_shared>> -> memref<10240x128xf32, #tpu.memory_space<vmem_shared>>
        tpu.wait_indirect_dma semaphore(%run_scoped3A : memref<!tpu.dma_semaphore, #tpu.memory_space<semaphore_mem>>) src(%arg10 : memref<64x128xf32, #tpu.memory_space<vmem>>) dst(%dma_wait3A_156 : memref<10240x128xf32, #tpu.memory_space<vmem_shared>>)
        tpu.yield
      }) : () -> ()
      %add3A_123 = arith.constant 3 : i32
      %add3A_124 = arith.addi %add3A_116, %add3A_123 : i32
      %lt3A_125 = arith.constant 80 : i32
      %lt3A_126 = arith.cmpi slt, %add3A_124, %lt3A_125 : i32
      %convert_element_type3A_127 = arith.extui %lt3A_126 : i1 to i32
      %cond3A_128 = arith.constant 0 : i32
      %cond3A_129 = arith.cmpi ne, %convert_element_type3A_127, %cond3A_128 : i32
      scf.if %cond3A_129 {
        %add3A_145 = arith.constant 3 : i32
        %add3A_146 = arith.addi %add3A_116, %add3A_145 : i32
        %dma_start3A_147 = arith.constant 0 : i32
        %dma_start3A_148 = tpu.memref_slice %arg6[%add3A_146, %dma_start3A_147] : memref<80x64xi32, #tpu.memory_space<vmem>> -> memref<1x64xi32, #tpu.memory_space<vmem>>
        %dma_start3A_149 = tpu.memref_squeeze %dma_start3A_148 : memref<1x64xi32, #tpu.memory_space<vmem>> -> memref<64xi32, #tpu.memory_space<vmem>>
        %dma_start3A_150 = arith.constant 0 : i32
        %dma_start3A_151 = arith.constant 0 : i32
        %dma_start3A_152 = tpu.memref_slice %arg2[%dma_start3A_150, %dma_start3A_151] : memref<10000x128xf32, #tpu.memory_space<hbm>> -> memref<10000x128xf32, #tpu.memory_space<hbm>>
        tpu.enqueue_indirect_dma source(%dma_start3A_152 : memref<10000x128xf32, #tpu.memory_space<hbm>>) target(%arg9 : memref<64x128xf32, #tpu.memory_space<vmem>>) offsets(%dma_start3A_149 : memref<64xi32, #tpu.memory_space<vmem>>) semaphore(%arg14 : memref<!tpu.dma_semaphore, #tpu.memory_space<semaphore_mem>>)
      } else {
      }
      %add3A_130 = arith.constant 3 : i32
      %add3A_131 = arith.addi %mul3A_88, %add3A_130 : i32
      %dma_wait3A_132 = arith.constant 0 : i32
      %dma_wait3A_133 = tpu.memref_slice %arg6[%add3A_131, %dma_wait3A_132] : memref<80x64xi32, #tpu.memory_space<vmem>> -> memref<1x64xi32, #tpu.memory_space<vmem>>
      %dma_wait3A_134 = tpu.memref_squeeze %dma_wait3A_133 : memref<1x64xi32, #tpu.memory_space<vmem>> -> memref<64xi32, #tpu.memory_space<vmem>>
      %dma_wait3A_135 = arith.constant 0 : i32
      %dma_wait3A_136 = arith.constant 0 : i32
      %dma_wait3A_137 = tpu.memref_slice %arg2[%dma_wait3A_135, %dma_wait3A_136] : memref<10000x128xf32, #tpu.memory_space<hbm>> -> memref<10000x128xf32, #tpu.memory_space<hbm>>
      tpu.wait_indirect_dma semaphore(%arg16 : memref<!tpu.dma_semaphore, #tpu.memory_space<semaphore_mem>>) src(%dma_wait3A_137 : memref<10000x128xf32, #tpu.memory_space<hbm>>) dst(%arg11 : memref<64x128xf32, #tpu.memory_space<vmem>>)
      "tpu.region"() ({
        %run_scoped3A = tpu.sem_alloc : memref<!tpu.dma_semaphore, #tpu.memory_space<semaphore_mem>>
        %dma_start3A_145 = arith.constant 0 : i32
        %dma_start3A_146 = tpu.memref_slice %arg7[%add3A_131, %dma_start3A_145] : memref<80x64xi32, #tpu.memory_space<vmem>> -> memref<1x64xi32, #tpu.memory_space<vmem>>
        %dma_start3A_147 = tpu.memref_squeeze %dma_start3A_146 : memref<1x64xi32, #tpu.memory_space<vmem>> -> memref<64xi32, #tpu.memory_space<vmem>>
        %dma_start3A_148 = arith.constant 0 : i32
        %dma_start3A_149 = arith.constant 0 : i32
        %dma_start3A_150 = tpu.memref_slice %arg12[%dma_start3A_148, %dma_start3A_149] : memref<10240x128xf32, #tpu.memory_space<vmem_shared>> -> memref<10240x128xf32, #tpu.memory_space<vmem_shared>>
        tpu.enqueue_indirect_dma source(%arg11 : memref<64x128xf32, #tpu.memory_space<vmem>>) target(%dma_start3A_150 : memref<10240x128xf32, #tpu.memory_space<vmem_shared>>) offsets(%dma_start3A_147 : memref<64xi32, #tpu.memory_space<vmem>>) semaphore(%run_scoped3A : memref<!tpu.dma_semaphore, #tpu.memory_space<semaphore_mem>>) {add = true}
        %dma_wait3A_151 = arith.constant 0 : i32
        %dma_wait3A_152 = tpu.memref_slice %arg7[%add3A_131, %dma_wait3A_151] : memref<80x64xi32, #tpu.memory_space<vmem>> -> memref<1x64xi32, #tpu.memory_space<vmem>>
        %dma_wait3A_153 = tpu.memref_squeeze %dma_wait3A_152 : memref<1x64xi32, #tpu.memory_space<vmem>> -> memref<64xi32, #tpu.memory_space<vmem>>
        %dma_wait3A_154 = arith.constant 0 : i32
        %dma_wait3A_155 = arith.constant 0 : i32
        %dma_wait3A_156 = tpu.memref_slice %arg12[%dma_wait3A_154, %dma_wait3A_155] : memref<10240x128xf32, #tpu.memory_space<vmem_shared>> -> memref<10240x128xf32, #tpu.memory_space<vmem_shared>>
        tpu.wait_indirect_dma semaphore(%run_scoped3A : memref<!tpu.dma_semaphore, #tpu.memory_space<semaphore_mem>>) src(%arg11 : memref<64x128xf32, #tpu.memory_space<vmem>>) dst(%dma_wait3A_156 : memref<10240x128xf32, #tpu.memory_space<vmem_shared>>)
        tpu.yield
      }) : () -> ()
      %add3A_138 = arith.constant 3 : i32
      %add3A_139 = arith.addi %add3A_131, %add3A_138 : i32
      %lt3A_140 = arith.constant 80 : i32
      %lt3A_141 = arith.cmpi slt, %add3A_139, %lt3A_140 : i32
      %convert_element_type3A_142 = arith.extui %lt3A_141 : i1 to i32
      %cond3A_143 = arith.constant 0 : i32
      %cond3A_144 = arith.cmpi ne, %convert_element_type3A_142, %cond3A_143 : i32
      scf.if %cond3A_144 {
        %add3A_145 = arith.constant 3 : i32
        %add3A_146 = arith.addi %add3A_131, %add3A_145 : i32
        %dma_start3A_147 = arith.constant 0 : i32
        %dma_start3A_148 = tpu.memref_slice %arg6[%add3A_146, %dma_start3A_147] : memref<80x64xi32, #tpu.memory_space<vmem>> -> memref<1x64xi32, #tpu.memory_space<vmem>>
        %dma_start3A_149 = tpu.memref_squeeze %dma_start3A_148 : memref<1x64xi32, #tpu.memory_space<vmem>> -> memref<64xi32, #tpu.memory_space<vmem>>
        %dma_start3A_150 = arith.constant 0 : i32
        %dma_start3A_151 = arith.constant 0 : i32
        %dma_start3A_152 = tpu.memref_slice %arg2[%dma_start3A_150, %dma_start3A_151] : memref<10000x128xf32, #tpu.memory_space<hbm>> -> memref<10000x128xf32, #tpu.memory_space<hbm>>
        tpu.enqueue_indirect_dma source(%dma_start3A_152 : memref<10000x128xf32, #tpu.memory_space<hbm>>) target(%arg10 : memref<64x128xf32, #tpu.memory_space<vmem>>) offsets(%dma_start3A_149 : memref<64xi32, #tpu.memory_space<vmem>>) semaphore(%arg15 : memref<!tpu.dma_semaphore, #tpu.memory_space<semaphore_mem>>)
      } else {
      }
    }
    %scan3A_45 = arith.constant 20 : i32
    %mul3A_46 = arith.constant 160 : i32
    %mul3A_47 = arith.muli %add3A, %mul3A_46 : i32
    %add3A_48 = arith.constant 80 : i32
    %add3A_49 = arith.addi %mul3A_47, %add3A_48 : i32
    "tpu.region"() ({
      %run_scoped3A = tpu.sem_alloc : memref<!tpu.dma_semaphore, #tpu.memory_space<semaphore_mem>>
      %dma_start3A_86 = arith.constant 0 : i32
      %dma_start3A_87 = tpu.memref_slice %arg3[%add3A_49, %dma_start3A_86] : memref<5120x64xi32, #tpu.memory_space<hbm>> -> memref<80x64xi32, #tpu.memory_space<hbm>>
      %dma_start3A_88 = arith.constant 0 : i32
      %dma_start3A_89 = tpu.memref_slice %arg3[%add3A_49, %dma_start3A_88] : memref<5120x64xi32, #tpu.memory_space<hbm>> -> memref<80x64xi32, #tpu.memory_space<hbm>>
      tpu.enqueue_dma source(%dma_start3A_89 : memref<80x64xi32, #tpu.memory_space<hbm>>) target(%arg6 : memref<80x64xi32, #tpu.memory_space<vmem>>) target_semaphore(%run_scoped3A : memref<!tpu.dma_semaphore, #tpu.memory_space<semaphore_mem>>)
      %dma_wait3A = arith.constant 0 : i32
      %dma_wait3A_90 = tpu.memref_slice %arg3[%add3A_49, %dma_wait3A] : memref<5120x64xi32, #tpu.memory_space<hbm>> -> memref<80x64xi32, #tpu.memory_space<hbm>>
      %dma_wait3A_91 = arith.constant 0 : i32
      %dma_wait3A_92 = tpu.memref_slice %arg3[%add3A_49, %dma_wait3A_91] : memref<5120x64xi32, #tpu.memory_space<hbm>> -> memref<80x64xi32, #tpu.memory_space<hbm>>
      tpu.wait_dma2 semaphore(%run_scoped3A : memref<!tpu.dma_semaphore, #tpu.memory_space<semaphore_mem>>) src(%dma_wait3A_92 : memref<80x64xi32, #tpu.memory_space<hbm>>) dst(%arg6 : memref<80x64xi32, #tpu.memory_space<vmem>>)
      tpu.yield
    }) : () -> ()
    %mul3A_50 = arith.constant 160 : i32
    %mul3A_51 = arith.muli %add3A, %mul3A_50 : i32
    %add3A_52 = arith.constant 80 : i32
    %add3A_53 = arith.addi %mul3A_51, %add3A_52 : i32
    "tpu.region"() ({
      %run_scoped3A = tpu.sem_alloc : memref<!tpu.dma_semaphore, #tpu.memory_space<semaphore_mem>>
      %dma_start3A_86 = arith.constant 0 : i32
      %dma_start3A_87 = tpu.memref_slice %arg4[%add3A_53, %dma_start3A_86] : memref<5120x64xi32, #tpu.memory_space<hbm>> -> memref<80x64xi32, #tpu.memory_space<hbm>>
      %dma_start3A_88 = arith.constant 0 : i32
      %dma_start3A_89 = tpu.memref_slice %arg4[%add3A_53, %dma_start3A_88] : memref<5120x64xi32, #tpu.memory_space<hbm>> -> memref<80x64xi32, #tpu.memory_space<hbm>>
      tpu.enqueue_dma source(%dma_start3A_89 : memref<80x64xi32, #tpu.memory_space<hbm>>) target(%arg7 : memref<80x64xi32, #tpu.memory_space<vmem>>) target_semaphore(%run_scoped3A : memref<!tpu.dma_semaphore, #tpu.memory_space<semaphore_mem>>)
      %dma_wait3A = arith.constant 0 : i32
      %dma_wait3A_90 = tpu.memref_slice %arg4[%add3A_53, %dma_wait3A] : memref<5120x64xi32, #tpu.memory_space<hbm>> -> memref<80x64xi32, #tpu.memory_space<hbm>>
      %dma_wait3A_91 = arith.constant 0 : i32
      %dma_wait3A_92 = tpu.memref_slice %arg4[%add3A_53, %dma_wait3A_91] : memref<5120x64xi32, #tpu.memory_space<hbm>> -> memref<80x64xi32, #tpu.memory_space<hbm>>
      tpu.wait_dma2 semaphore(%run_scoped3A : memref<!tpu.dma_semaphore, #tpu.memory_space<semaphore_mem>>) src(%dma_wait3A_92 : memref<80x64xi32, #tpu.memory_space<hbm>>) dst(%arg7 : memref<80x64xi32, #tpu.memory_space<vmem>>)
      tpu.yield
    }) : () -> ()
    %dma_start3A_54 = arith.constant 0 : i32
    %dma_start3A_55 = arith.constant 0 : i32
    %dma_start3A_56 = tpu.memref_slice %arg6[%dma_start3A_54, %dma_start3A_55] : memref<80x64xi32, #tpu.memory_space<vmem>> -> memref<1x64xi32, #tpu.memory_space<vmem>>
    %dma_start3A_57 = tpu.memref_squeeze %dma_start3A_56 : memref<1x64xi32, #tpu.memory_space<vmem>> -> memref<64xi32, #tpu.memory_space<vmem>>
    %dma_start3A_58 = arith.constant 0 : i32
    %dma_start3A_59 = arith.constant 0 : i32
    %dma_start3A_60 = tpu.memref_slice %arg2[%dma_start3A_58, %dma_start3A_59] : memref<10000x128xf32, #tpu.memory_space<hbm>> -> memref<10000x128xf32, #tpu.memory_space<hbm>>
    tpu.enqueue_indirect_dma source(%dma_start3A_60 : memref<10000x128xf32, #tpu.memory_space<hbm>>) target(%arg8 : memref<64x128xf32, #tpu.memory_space<vmem>>) offsets(%dma_start3A_57 : memref<64xi32, #tpu.memory_space<vmem>>) semaphore(%arg13 : memref<!tpu.dma_semaphore, #tpu.memory_space<semaphore_mem>>)
    %dma_start3A_61 = arith.constant 1 : i32
    %dma_start3A_62 = arith.constant 0 : i32
    %dma_start3A_63 = tpu.memref_slice %arg6[%dma_start3A_61, %dma_start3A_62] : memref<80x64xi32, #tpu.memory_space<vmem>> -> memref<1x64xi32, #tpu.memory_space<vmem>>
    %dma_start3A_64 = tpu.memref_squeeze %dma_start3A_63 : memref<1x64xi32, #tpu.memory_space<vmem>> -> memref<64xi32, #tpu.memory_space<vmem>>
    %dma_start3A_65 = arith.constant 0 : i32
    %dma_start3A_66 = arith.constant 0 : i32
    %dma_start3A_67 = tpu.memref_slice %arg2[%dma_start3A_65, %dma_start3A_66] : memref<10000x128xf32, #tpu.memory_space<hbm>> -> memref<10000x128xf32, #tpu.memory_space<hbm>>
    tpu.enqueue_indirect_dma source(%dma_start3A_67 : memref<10000x128xf32, #tpu.memory_space<hbm>>) target(%arg9 : memref<64x128xf32, #tpu.memory_space<vmem>>) offsets(%dma_start3A_64 : memref<64xi32, #tpu.memory_space<vmem>>) semaphore(%arg14 : memref<!tpu.dma_semaphore, #tpu.memory_space<semaphore_mem>>)
    %dma_start3A_68 = arith.constant 2 : i32
    %dma_start3A_69 = arith.constant 0 : i32
    %dma_start3A_70 = tpu.memref_slice %arg6[%dma_start3A_68, %dma_start3A_69] : memref<80x64xi32, #tpu.memory_space<vmem>> -> memref<1x64xi32, #tpu.memory_space<vmem>>
    %dma_start3A_71 = tpu.memref_squeeze %dma_start3A_70 : memref<1x64xi32, #tpu.memory_space<vmem>> -> memref<64xi32, #tpu.memory_space<vmem>>
    %dma_start3A_72 = arith.constant 0 : i32
    %dma_start3A_73 = arith.constant 0 : i32
    %dma_start3A_74 = tpu.memref_slice %arg2[%dma_start3A_72, %dma_start3A_73] : memref<10000x128xf32, #tpu.memory_space<hbm>> -> memref<10000x128xf32, #tpu.memory_space<hbm>>
    tpu.enqueue_indirect_dma source(%dma_start3A_74 : memref<10000x128xf32, #tpu.memory_space<hbm>>) target(%arg10 : memref<64x128xf32, #tpu.memory_space<vmem>>) offsets(%dma_start3A_71 : memref<64xi32, #tpu.memory_space<vmem>>) semaphore(%arg15 : memref<!tpu.dma_semaphore, #tpu.memory_space<semaphore_mem>>)
    %scan3A_75 = arith.constant 0 : i32
    %scan3A_76 = arith.constant 0 : i32
    %scan3A_77 = arith.constant 20 : i32
    %scan3A_78 = arith.addi %scan3A_76, %scan3A_77 : i32
    %scan3A_79 = arith.constant 1 : i32
    scf.for %scan3A_86 = %scan3A_76 to %scan3A_78 step %scan3A_79  : i32 {
      %mul3A_87 = arith.constant 4 : i32
      %mul3A_88 = arith.muli %mul3A_87, %scan3A_86 : i32
      %add3A_89 = arith.constant 0 : i32
      %add3A_90 = arith.addi %mul3A_88, %add3A_89 : i32
      %dma_wait3A = arith.constant 0 : i32
      %dma_wait3A_91 = tpu.memref_slice %arg6[%add3A_90, %dma_wait3A] : memref<80x64xi32, #tpu.memory_space<vmem>> -> memref<1x64xi32, #tpu.memory_space<vmem>>
      %dma_wait3A_92 = tpu.memref_squeeze %dma_wait3A_91 : memref<1x64xi32, #tpu.memory_space<vmem>> -> memref<64xi32, #tpu.memory_space<vmem>>
      %dma_wait3A_93 = arith.constant 0 : i32
      %dma_wait3A_94 = arith.constant 0 : i32
      %dma_wait3A_95 = tpu.memref_slice %arg2[%dma_wait3A_93, %dma_wait3A_94] : memref<10000x128xf32, #tpu.memory_space<hbm>> -> memref<10000x128xf32, #tpu.memory_space<hbm>>
      tpu.wait_indirect_dma semaphore(%arg13 : memref<!tpu.dma_semaphore, #tpu.memory_space<semaphore_mem>>) src(%dma_wait3A_95 : memref<10000x128xf32, #tpu.memory_space<hbm>>) dst(%arg8 : memref<64x128xf32, #tpu.memory_space<vmem>>)
      "tpu.region"() ({
        %run_scoped3A = tpu.sem_alloc : memref<!tpu.dma_semaphore, #tpu.memory_space<semaphore_mem>>
        %dma_start3A_145 = arith.constant 0 : i32
        %dma_start3A_146 = tpu.memref_slice %arg7[%add3A_90, %dma_start3A_145] : memref<80x64xi32, #tpu.memory_space<vmem>> -> memref<1x64xi32, #tpu.memory_space<vmem>>
        %dma_start3A_147 = tpu.memref_squeeze %dma_start3A_146 : memref<1x64xi32, #tpu.memory_space<vmem>> -> memref<64xi32, #tpu.memory_space<vmem>>
        %dma_start3A_148 = arith.constant 0 : i32
        %dma_start3A_149 = arith.constant 0 : i32
        %dma_start3A_150 = tpu.memref_slice %arg12[%dma_start3A_148, %dma_start3A_149] : memref<10240x128xf32, #tpu.memory_space<vmem_shared>> -> memref<10240x128xf32, #tpu.memory_space<vmem_shared>>
        tpu.enqueue_indirect_dma source(%arg8 : memref<64x128xf32, #tpu.memory_space<vmem>>) target(%dma_start3A_150 : memref<10240x128xf32, #tpu.memory_space<vmem_shared>>) offsets(%dma_start3A_147 : memref<64xi32, #tpu.memory_space<vmem>>) semaphore(%run_scoped3A : memref<!tpu.dma_semaphore, #tpu.memory_space<semaphore_mem>>) {add = true}
        %dma_wait3A_151 = arith.constant 0 : i32
        %dma_wait3A_152 = tpu.memref_slice %arg7[%add3A_90, %dma_wait3A_151] : memref<80x64xi32, #tpu.memory_space<vmem>> -> memref<1x64xi32, #tpu.memory_space<vmem>>
        %dma_wait3A_153 = tpu.memref_squeeze %dma_wait3A_152 : memref<1x64xi32, #tpu.memory_space<vmem>> -> memref<64xi32, #tpu.memory_space<vmem>>
        %dma_wait3A_154 = arith.constant 0 : i32
        %dma_wait3A_155 = arith.constant 0 : i32
        %dma_wait3A_156 = tpu.memref_slice %arg12[%dma_wait3A_154, %dma_wait3A_155] : memref<10240x128xf32, #tpu.memory_space<vmem_shared>> -> memref<10240x128xf32, #tpu.memory_space<vmem_shared>>
        tpu.wait_indirect_dma semaphore(%run_scoped3A : memref<!tpu.dma_semaphore, #tpu.memory_space<semaphore_mem>>) src(%arg8 : memref<64x128xf32, #tpu.memory_space<vmem>>) dst(%dma_wait3A_156 : memref<10240x128xf32, #tpu.memory_space<vmem_shared>>)
        tpu.yield
      }) : () -> ()
      %add3A_96 = arith.constant 3 : i32
      %add3A_97 = arith.addi %add3A_90, %add3A_96 : i32
      %lt3A = arith.constant 80 : i32
      %lt3A_98 = arith.cmpi slt, %add3A_97, %lt3A : i32
      %convert_element_type3A = arith.extui %lt3A_98 : i1 to i32
      %cond3A = arith.constant 0 : i32
      %cond3A_99 = arith.cmpi ne, %convert_element_type3A, %cond3A : i32
      scf.if %cond3A_99 {
        %add3A_145 = arith.constant 3 : i32
        %add3A_146 = arith.addi %add3A_90, %add3A_145 : i32
        %dma_start3A_147 = arith.constant 0 : i32
        %dma_start3A_148 = tpu.memref_slice %arg6[%add3A_146, %dma_start3A_147] : memref<80x64xi32, #tpu.memory_space<vmem>> -> memref<1x64xi32, #tpu.memory_space<vmem>>
        %dma_start3A_149 = tpu.memref_squeeze %dma_start3A_148 : memref<1x64xi32, #tpu.memory_space<vmem>> -> memref<64xi32, #tpu.memory_space<vmem>>
        %dma_start3A_150 = arith.constant 0 : i32
        %dma_start3A_151 = arith.constant 0 : i32
        %dma_start3A_152 = tpu.memref_slice %arg2[%dma_start3A_150, %dma_start3A_151] : memref<10000x128xf32, #tpu.memory_space<hbm>> -> memref<10000x128xf32, #tpu.memory_space<hbm>>
        tpu.enqueue_indirect_dma source(%dma_start3A_152 : memref<10000x128xf32, #tpu.memory_space<hbm>>) target(%arg11 : memref<64x128xf32, #tpu.memory_space<vmem>>) offsets(%dma_start3A_149 : memref<64xi32, #tpu.memory_space<vmem>>) semaphore(%arg16 : memref<!tpu.dma_semaphore, #tpu.memory_space<semaphore_mem>>)
      } else {
      }
      %add3A_100 = arith.constant 1 : i32
      %add3A_101 = arith.addi %mul3A_88, %add3A_100 : i32
      %dma_wait3A_102 = arith.constant 0 : i32
      %dma_wait3A_103 = tpu.memref_slice %arg6[%add3A_101, %dma_wait3A_102] : memref<80x64xi32, #tpu.memory_space<vmem>> -> memref<1x64xi32, #tpu.memory_space<vmem>>
      %dma_wait3A_104 = tpu.memref_squeeze %dma_wait3A_103 : memref<1x64xi32, #tpu.memory_space<vmem>> -> memref<64xi32, #tpu.memory_space<vmem>>
      %dma_wait3A_105 = arith.constant 0 : i32
      %dma_wait3A_106 = arith.constant 0 : i32
      %dma_wait3A_107 = tpu.memref_slice %arg2[%dma_wait3A_105, %dma_wait3A_106] : memref<10000x128xf32, #tpu.memory_space<hbm>> -> memref<10000x128xf32, #tpu.memory_space<hbm>>
      tpu.wait_indirect_dma semaphore(%arg14 : memref<!tpu.dma_semaphore, #tpu.memory_space<semaphore_mem>>) src(%dma_wait3A_107 : memref<10000x128xf32, #tpu.memory_space<hbm>>) dst(%arg9 : memref<64x128xf32, #tpu.memory_space<vmem>>)
      "tpu.region"() ({
        %run_scoped3A = tpu.sem_alloc : memref<!tpu.dma_semaphore, #tpu.memory_space<semaphore_mem>>
        %dma_start3A_145 = arith.constant 0 : i32
        %dma_start3A_146 = tpu.memref_slice %arg7[%add3A_101, %dma_start3A_145] : memref<80x64xi32, #tpu.memory_space<vmem>> -> memref<1x64xi32, #tpu.memory_space<vmem>>
        %dma_start3A_147 = tpu.memref_squeeze %dma_start3A_146 : memref<1x64xi32, #tpu.memory_space<vmem>> -> memref<64xi32, #tpu.memory_space<vmem>>
        %dma_start3A_148 = arith.constant 0 : i32
        %dma_start3A_149 = arith.constant 0 : i32
        %dma_start3A_150 = tpu.memref_slice %arg12[%dma_start3A_148, %dma_start3A_149] : memref<10240x128xf32, #tpu.memory_space<vmem_shared>> -> memref<10240x128xf32, #tpu.memory_space<vmem_shared>>
        tpu.enqueue_indirect_dma source(%arg9 : memref<64x128xf32, #tpu.memory_space<vmem>>) target(%dma_start3A_150 : memref<10240x128xf32, #tpu.memory_space<vmem_shared>>) offsets(%dma_start3A_147 : memref<64xi32, #tpu.memory_space<vmem>>) semaphore(%run_scoped3A : memref<!tpu.dma_semaphore, #tpu.memory_space<semaphore_mem>>) {add = true}
        %dma_wait3A_151 = arith.constant 0 : i32
        %dma_wait3A_152 = tpu.memref_slice %arg7[%add3A_101, %dma_wait3A_151] : memref<80x64xi32, #tpu.memory_space<vmem>> -> memref<1x64xi32, #tpu.memory_space<vmem>>
        %dma_wait3A_153 = tpu.memref_squeeze %dma_wait3A_152 : memref<1x64xi32, #tpu.memory_space<vmem>> -> memref<64xi32, #tpu.memory_space<vmem>>
        %dma_wait3A_154 = arith.constant 0 : i32
        %dma_wait3A_155 = arith.constant 0 : i32
        %dma_wait3A_156 = tpu.memref_slice %arg12[%dma_wait3A_154, %dma_wait3A_155] : memref<10240x128xf32, #tpu.memory_space<vmem_shared>> -> memref<10240x128xf32, #tpu.memory_space<vmem_shared>>
        tpu.wait_indirect_dma semaphore(%run_scoped3A : memref<!tpu.dma_semaphore, #tpu.memory_space<semaphore_mem>>) src(%arg9 : memref<64x128xf32, #tpu.memory_space<vmem>>) dst(%dma_wait3A_156 : memref<10240x128xf32, #tpu.memory_space<vmem_shared>>)
        tpu.yield
      }) : () -> ()
      %add3A_108 = arith.constant 3 : i32
      %add3A_109 = arith.addi %add3A_101, %add3A_108 : i32
      %lt3A_110 = arith.constant 80 : i32
      %lt3A_111 = arith.cmpi slt, %add3A_109, %lt3A_110 : i32
      %convert_element_type3A_112 = arith.extui %lt3A_111 : i1 to i32
      %cond3A_113 = arith.constant 0 : i32
      %cond3A_114 = arith.cmpi ne, %convert_element_type3A_112, %cond3A_113 : i32
      scf.if %cond3A_114 {
        %add3A_145 = arith.constant 3 : i32
        %add3A_146 = arith.addi %add3A_101, %add3A_145 : i32
        %dma_start3A_147 = arith.constant 0 : i32
        %dma_start3A_148 = tpu.memref_slice %arg6[%add3A_146, %dma_start3A_147] : memref<80x64xi32, #tpu.memory_space<vmem>> -> memref<1x64xi32, #tpu.memory_space<vmem>>
        %dma_start3A_149 = tpu.memref_squeeze %dma_start3A_148 : memref<1x64xi32, #tpu.memory_space<vmem>> -> memref<64xi32, #tpu.memory_space<vmem>>
        %dma_start3A_150 = arith.constant 0 : i32
        %dma_start3A_151 = arith.constant 0 : i32
        %dma_start3A_152 = tpu.memref_slice %arg2[%dma_start3A_150, %dma_start3A_151] : memref<10000x128xf32, #tpu.memory_space<hbm>> -> memref<10000x128xf32, #tpu.memory_space<hbm>>
        tpu.enqueue_indirect_dma source(%dma_start3A_152 : memref<10000x128xf32, #tpu.memory_space<hbm>>) target(%arg8 : memref<64x128xf32, #tpu.memory_space<vmem>>) offsets(%dma_start3A_149 : memref<64xi32, #tpu.memory_space<vmem>>) semaphore(%arg13 : memref<!tpu.dma_semaphore, #tpu.memory_space<semaphore_mem>>)
      } else {
      }
      %add3A_115 = arith.constant 2 : i32
      %add3A_116 = arith.addi %mul3A_88, %add3A_115 : i32
      %dma_wait3A_117 = arith.constant 0 : i32
      %dma_wait3A_118 = tpu.memref_slice %arg6[%add3A_116, %dma_wait3A_117] : memref<80x64xi32, #tpu.memory_space<vmem>> -> memref<1x64xi32, #tpu.memory_space<vmem>>
      %dma_wait3A_119 = tpu.memref_squeeze %dma_wait3A_118 : memref<1x64xi32, #tpu.memory_space<vmem>> -> memref<64xi32, #tpu.memory_space<vmem>>
      %dma_wait3A_120 = arith.constant 0 : i32
      %dma_wait3A_121 = arith.constant 0 : i32
      %dma_wait3A_122 = tpu.memref_slice %arg2[%dma_wait3A_120, %dma_wait3A_121] : memref<10000x128xf32, #tpu.memory_space<hbm>> -> memref<10000x128xf32, #tpu.memory_space<hbm>>
      tpu.wait_indirect_dma semaphore(%arg15 : memref<!tpu.dma_semaphore, #tpu.memory_space<semaphore_mem>>) src(%dma_wait3A_122 : memref<10000x128xf32, #tpu.memory_space<hbm>>) dst(%arg10 : memref<64x128xf32, #tpu.memory_space<vmem>>)
      "tpu.region"() ({
        %run_scoped3A = tpu.sem_alloc : memref<!tpu.dma_semaphore, #tpu.memory_space<semaphore_mem>>
        %dma_start3A_145 = arith.constant 0 : i32
        %dma_start3A_146 = tpu.memref_slice %arg7[%add3A_116, %dma_start3A_145] : memref<80x64xi32, #tpu.memory_space<vmem>> -> memref<1x64xi32, #tpu.memory_space<vmem>>
        %dma_start3A_147 = tpu.memref_squeeze %dma_start3A_146 : memref<1x64xi32, #tpu.memory_space<vmem>> -> memref<64xi32, #tpu.memory_space<vmem>>
        %dma_start3A_148 = arith.constant 0 : i32
        %dma_start3A_149 = arith.constant 0 : i32
        %dma_start3A_150 = tpu.memref_slice %arg12[%dma_start3A_148, %dma_start3A_149] : memref<10240x128xf32, #tpu.memory_space<vmem_shared>> -> memref<10240x128xf32, #tpu.memory_space<vmem_shared>>
        tpu.enqueue_indirect_dma source(%arg10 : memref<64x128xf32, #tpu.memory_space<vmem>>) target(%dma_start3A_150 : memref<10240x128xf32, #tpu.memory_space<vmem_shared>>) offsets(%dma_start3A_147 : memref<64xi32, #tpu.memory_space<vmem>>) semaphore(%run_scoped3A : memref<!tpu.dma_semaphore, #tpu.memory_space<semaphore_mem>>) {add = true}
        %dma_wait3A_151 = arith.constant 0 : i32
        %dma_wait3A_152 = tpu.memref_slice %arg7[%add3A_116, %dma_wait3A_151] : memref<80x64xi32, #tpu.memory_space<vmem>> -> memref<1x64xi32, #tpu.memory_space<vmem>>
        %dma_wait3A_153 = tpu.memref_squeeze %dma_wait3A_152 : memref<1x64xi32, #tpu.memory_space<vmem>> -> memref<64xi32, #tpu.memory_space<vmem>>
        %dma_wait3A_154 = arith.constant 0 : i32
        %dma_wait3A_155 = arith.constant 0 : i32
        %dma_wait3A_156 = tpu.memref_slice %arg12[%dma_wait3A_154, %dma_wait3A_155] : memref<10240x128xf32, #tpu.memory_space<vmem_shared>> -> memref<10240x128xf32, #tpu.memory_space<vmem_shared>>
        tpu.wait_indirect_dma semaphore(%run_scoped3A : memref<!tpu.dma_semaphore, #tpu.memory_space<semaphore_mem>>) src(%arg10 : memref<64x128xf32, #tpu.memory_space<vmem>>) dst(%dma_wait3A_156 : memref<10240x128xf32, #tpu.memory_space<vmem_shared>>)
        tpu.yield
      }) : () -> ()
      %add3A_123 = arith.constant 3 : i32
      %add3A_124 = arith.addi %add3A_116, %add3A_123 : i32
      %lt3A_125 = arith.constant 80 : i32
      %lt3A_126 = arith.cmpi slt, %add3A_124, %lt3A_125 : i32
      %convert_element_type3A_127 = arith.extui %lt3A_126 : i1 to i32
      %cond3A_128 = arith.constant 0 : i32
      %cond3A_129 = arith.cmpi ne, %convert_element_type3A_127, %cond3A_128 : i32
      scf.if %cond3A_129 {
        %add3A_145 = arith.constant 3 : i32
        %add3A_146 = arith.addi %add3A_116, %add3A_145 : i32
        %dma_start3A_147 = arith.constant 0 : i32
        %dma_start3A_148 = tpu.memref_slice %arg6[%add3A_146, %dma_start3A_147] : memref<80x64xi32, #tpu.memory_space<vmem>> -> memref<1x64xi32, #tpu.memory_space<vmem>>
        %dma_start3A_149 = tpu.memref_squeeze %dma_start3A_148 : memref<1x64xi32, #tpu.memory_space<vmem>> -> memref<64xi32, #tpu.memory_space<vmem>>
        %dma_start3A_150 = arith.constant 0 : i32
        %dma_start3A_151 = arith.constant 0 : i32
        %dma_start3A_152 = tpu.memref_slice %arg2[%dma_start3A_150, %dma_start3A_151] : memref<10000x128xf32, #tpu.memory_space<hbm>> -> memref<10000x128xf32, #tpu.memory_space<hbm>>
        tpu.enqueue_indirect_dma source(%dma_start3A_152 : memref<10000x128xf32, #tpu.memory_space<hbm>>) target(%arg9 : memref<64x128xf32, #tpu.memory_space<vmem>>) offsets(%dma_start3A_149 : memref<64xi32, #tpu.memory_space<vmem>>) semaphore(%arg14 : memref<!tpu.dma_semaphore, #tpu.memory_space<semaphore_mem>>)
      } else {
      }
      %add3A_130 = arith.constant 3 : i32
      %add3A_131 = arith.addi %mul3A_88, %add3A_130 : i32
      %dma_wait3A_132 = arith.constant 0 : i32
      %dma_wait3A_133 = tpu.memref_slice %arg6[%add3A_131, %dma_wait3A_132] : memref<80x64xi32, #tpu.memory_space<vmem>> -> memref<1x64xi32, #tpu.memory_space<vmem>>
      %dma_wait3A_134 = tpu.memref_squeeze %dma_wait3A_133 : memref<1x64xi32, #tpu.memory_space<vmem>> -> memref<64xi32, #tpu.memory_space<vmem>>
      %dma_wait3A_135 = arith.constant 0 : i32
      %dma_wait3A_136 = arith.constant 0 : i32
      %dma_wait3A_137 = tpu.memref_slice %arg2[%dma_wait3A_135, %dma_wait3A_136] : memref<10000x128xf32, #tpu.memory_space<hbm>> -> memref<10000x128xf32, #tpu.memory_space<hbm>>
      tpu.wait_indirect_dma semaphore(%arg16 : memref<!tpu.dma_semaphore, #tpu.memory_space<semaphore_mem>>) src(%dma_wait3A_137 : memref<10000x128xf32, #tpu.memory_space<hbm>>) dst(%arg11 : memref<64x128xf32, #tpu.memory_space<vmem>>)
      "tpu.region"() ({
        %run_scoped3A = tpu.sem_alloc : memref<!tpu.dma_semaphore, #tpu.memory_space<semaphore_mem>>
        %dma_start3A_145 = arith.constant 0 : i32
        %dma_start3A_146 = tpu.memref_slice %arg7[%add3A_131, %dma_start3A_145] : memref<80x64xi32, #tpu.memory_space<vmem>> -> memref<1x64xi32, #tpu.memory_space<vmem>>
        %dma_start3A_147 = tpu.memref_squeeze %dma_start3A_146 : memref<1x64xi32, #tpu.memory_space<vmem>> -> memref<64xi32, #tpu.memory_space<vmem>>
        %dma_start3A_148 = arith.constant 0 : i32
        %dma_start3A_149 = arith.constant 0 : i32
        %dma_start3A_150 = tpu.memref_slice %arg12[%dma_start3A_148, %dma_start3A_149] : memref<10240x128xf32, #tpu.memory_space<vmem_shared>> -> memref<10240x128xf32, #tpu.memory_space<vmem_shared>>
        tpu.enqueue_indirect_dma source(%arg11 : memref<64x128xf32, #tpu.memory_space<vmem>>) target(%dma_start3A_150 : memref<10240x128xf32, #tpu.memory_space<vmem_shared>>) offsets(%dma_start3A_147 : memref<64xi32, #tpu.memory_space<vmem>>) semaphore(%run_scoped3A : memref<!tpu.dma_semaphore, #tpu.memory_space<semaphore_mem>>) {add = true}
        %dma_wait3A_151 = arith.constant 0 : i32
        %dma_wait3A_152 = tpu.memref_slice %arg7[%add3A_131, %dma_wait3A_151] : memref<80x64xi32, #tpu.memory_space<vmem>> -> memref<1x64xi32, #tpu.memory_space<vmem>>
        %dma_wait3A_153 = tpu.memref_squeeze %dma_wait3A_152 : memref<1x64xi32, #tpu.memory_space<vmem>> -> memref<64xi32, #tpu.memory_space<vmem>>
        %dma_wait3A_154 = arith.constant 0 : i32
        %dma_wait3A_155 = arith.constant 0 : i32
        %dma_wait3A_156 = tpu.memref_slice %arg12[%dma_wait3A_154, %dma_wait3A_155] : memref<10240x128xf32, #tpu.memory_space<vmem_shared>> -> memref<10240x128xf32, #tpu.memory_space<vmem_shared>>
        tpu.wait_indirect_dma semaphore(%run_scoped3A : memref<!tpu.dma_semaphore, #tpu.memory_space<semaphore_mem>>) src(%arg11 : memref<64x128xf32, #tpu.memory_space<vmem>>) dst(%dma_wait3A_156 : memref<10240x128xf32, #tpu.memory_space<vmem_shared>>)
        tpu.yield
      }) : () -> ()
      %add3A_138 = arith.constant 3 : i32
      %add3A_139 = arith.addi %add3A_131, %add3A_138 : i32
      %lt3A_140 = arith.constant 80 : i32
      %lt3A_141 = arith.cmpi slt, %add3A_139, %lt3A_140 : i32
      %convert_element_type3A_142 = arith.extui %lt3A_141 : i1 to i32
      %cond3A_143 = arith.constant 0 : i32
      %cond3A_144 = arith.cmpi ne, %convert_element_type3A_142, %cond3A_143 : i32
      scf.if %cond3A_144 {
        %add3A_145 = arith.constant 3 : i32
        %add3A_146 = arith.addi %add3A_131, %add3A_145 : i32
        %dma_start3A_147 = arith.constant 0 : i32
        %dma_start3A_148 = tpu.memref_slice %arg6[%add3A_146, %dma_start3A_147] : memref<80x64xi32, #tpu.memory_space<vmem>> -> memref<1x64xi32, #tpu.memory_space<vmem>>
        %dma_start3A_149 = tpu.memref_squeeze %dma_start3A_148 : memref<1x64xi32, #tpu.memory_space<vmem>> -> memref<64xi32, #tpu.memory_space<vmem>>
        %dma_start3A_150 = arith.constant 0 : i32
        %dma_start3A_151 = arith.constant 0 : i32
        %dma_start3A_152 = tpu.memref_slice %arg2[%dma_start3A_150, %dma_start3A_151] : memref<10000x128xf32, #tpu.memory_space<hbm>> -> memref<10000x128xf32, #tpu.memory_space<hbm>>
        tpu.enqueue_indirect_dma source(%dma_start3A_152 : memref<10000x128xf32, #tpu.memory_space<hbm>>) target(%arg10 : memref<64x128xf32, #tpu.memory_space<vmem>>) offsets(%dma_start3A_149 : memref<64xi32, #tpu.memory_space<vmem>>) semaphore(%arg15 : memref<!tpu.dma_semaphore, #tpu.memory_space<semaphore_mem>>)
      } else {
      }
    }
    %scan3A_80 = arith.constant 20 : i32
    %barrier3A_81 = arith.constant 0 : index
    tpu.barrier barrier_id(%barrier3A_81)
    %mul3A_82 = arith.constant 640 : i32
    %mul3A_83 = arith.muli %arg1, %mul3A_82 : i32
    %mul3A_84 = arith.constant 640 : i32
    %mul3A_85 = arith.muli %arg1, %mul3A_84 : i32
    "tpu.region"() ({
      %run_scoped3A = tpu.sem_alloc : memref<!tpu.dma_semaphore, #tpu.memory_space<semaphore_mem>>
      %dma_start3A_86 = arith.constant 0 : i32
      %dma_start3A_87 = tpu.memref_slice %arg5[%arg0, %mul3A_85, %dma_start3A_86] : memref<2x10240x128xf32, #tpu.memory_space<hbm>> -> memref<1x640x128xf32, #tpu.memory_space<hbm>>
      %dma_start3A_88 = tpu.memref_squeeze %dma_start3A_87 : memref<1x640x128xf32, #tpu.memory_space<hbm>> -> memref<640x128xf32, #tpu.memory_space<hbm>>
      %dma_start3A_89 = arith.constant 0 : i32
      %dma_start3A_90 = tpu.memref_slice %arg12[%mul3A_83, %dma_start3A_89] : memref<10240x128xf32, #tpu.memory_space<vmem_shared>> -> memref<640x128xf32, #tpu.memory_space<vmem_shared>>
      tpu.enqueue_dma source(%dma_start3A_90 : memref<640x128xf32, #tpu.memory_space<vmem_shared>>) target(%dma_start3A_88 : memref<640x128xf32, #tpu.memory_space<hbm>>) target_semaphore(%run_scoped3A : memref<!tpu.dma_semaphore, #tpu.memory_space<semaphore_mem>>)
      %dma_wait3A = arith.constant 0 : i32
      %dma_wait3A_91 = tpu.memref_slice %arg5[%arg0, %mul3A_85, %dma_wait3A] : memref<2x10240x128xf32, #tpu.memory_space<hbm>> -> memref<1x640x128xf32, #tpu.memory_space<hbm>>
      %dma_wait3A_92 = tpu.memref_squeeze %dma_wait3A_91 : memref<1x640x128xf32, #tpu.memory_space<hbm>> -> memref<640x128xf32, #tpu.memory_space<hbm>>
      %dma_wait3A_93 = arith.constant 0 : i32
      %dma_wait3A_94 = tpu.memref_slice %arg12[%mul3A_83, %dma_wait3A_93] : memref<10240x128xf32, #tpu.memory_space<vmem_shared>> -> memref<640x128xf32, #tpu.memory_space<vmem_shared>>
      tpu.wait_dma2 semaphore(%run_scoped3A : memref<!tpu.dma_semaphore, #tpu.memory_space<semaphore_mem>>) src(%dma_wait3A_94 : memref<640x128xf32, #tpu.memory_space<vmem_shared>>) dst(%dma_wait3A_92 : memref<640x128xf32, #tpu.memory_space<hbm>>)
      tpu.yield
    }) : () -> ()
    return
  }
}

module attributes {stable_mosaic.version = 14 : i64} {
  func.func @_scale_body(%arg0: i32, %arg1: memref<1000x128xf32, #tpu.memory_space<vmem>>, %arg2: memref<1000x128xf32, #tpu.memory_space<vmem>>, %arg3: memref<1000x1xf32, #tpu.memory_space<vmem>>, %arg4: memref<1000x128xf32, #tpu.memory_space<vmem>>) attributes {dimension_semantics = [#tpu.dimension_semantics<arbitrary>], iteration_bounds = array<i64: 10>, scalar_prefetch = 0 : i64, scratch_operands = 0 : i64, tpu.core_type = #tpu.core_type<tc>, window_params = [{transform_indices = @transform_0, window_bounds = array<i64: 1000, 128>}, {transform_indices = @transform_1, window_bounds = array<i64: 1000, 128>}, {transform_indices = @transform_2, window_bounds = array<i64: 1000, 1>}, {transform_indices = @transform_3, window_bounds = array<i64: 1000, 128>}]} {
    %get3A = arith.constant 0 : index
    %get3A_0 = arith.constant 0 : index
    %get3A_1 = vector.load %arg1[%get3A, %get3A_0] : memref<1000x128xf32, #tpu.memory_space<vmem>>, vector<1000x1xf32>
    %get3A_2 = arith.constant 0 : index
    %get3A_3 = arith.constant 16 : index
    %get3A_4 = vector.load %arg1[%get3A_2, %get3A_3] : memref<1000x128xf32, #tpu.memory_space<vmem>>, vector<1000x1xf32>
    %add3A = arith.addf %get3A_1, %get3A_4 : vector<1000x1xf32>
    %add3A_5 = arith.constant 1.000000e+00 : f32
    %add3A_6 = vector.broadcast %add3A_5 : f32 to vector<1000x1xf32>
    %add3A_7 = arith.addf %add3A, %add3A_6 : vector<1000x1xf32>
    %rsqrt3A = math.rsqrt %add3A_7 : vector<1000x1xf32>
    %swap3A = arith.constant 0 : index
    %swap3A_8 = arith.constant 0 : index
    %swap3A_9 = vector.load %arg3[%swap3A, %swap3A_8] : memref<1000x1xf32, #tpu.memory_space<vmem>>, vector<1000x1xf32>
    tpu.vector_store %arg3[%swap3A, %swap3A_8], %rsqrt3A {strides = array<i32>} : memref<1000x1xf32, #tpu.memory_space<vmem>>, vector<1000x1xf32>,
    %get3A_10 = arith.constant 0 : index
    %get3A_11 = arith.constant 0 : index
    %get3A_12 = vector.load %arg2[%get3A_10, %get3A_11] : memref<1000x128xf32, #tpu.memory_space<vmem>>, vector<1000x128xf32>
    %mul3A = vector.broadcast %rsqrt3A : vector<1000x1xf32> to vector<1000x128xf32>
    %mul3A_13 = arith.mulf %get3A_12, %mul3A : vector<1000x128xf32>
    %swap3A_14 = arith.constant 0 : index
    %swap3A_15 = arith.constant 0 : index
    %swap3A_16 = vector.load %arg4[%swap3A_14, %swap3A_15] : memref<1000x128xf32, #tpu.memory_space<vmem>>, vector<1000x128xf32>
    tpu.vector_store %arg4[%swap3A_14, %swap3A_15], %mul3A_13 {strides = array<i32>} : memref<1000x128xf32, #tpu.memory_space<vmem>>, vector<1000x128xf32>,
    return
  }
  func.func @transform_0(%arg0: i32) -> (i32, i32) {
    %c0_i32 = arith.constant 0 : i32
    %c0_i32_0 = arith.constant 0 : i32
    return %arg0, %c0_i32 : i32, i32
  }
  func.func @transform_1(%arg0: i32) -> (i32, i32) {
    %c0_i32 = arith.constant 0 : i32
    %c0_i32_0 = arith.constant 0 : i32
    return %arg0, %c0_i32 : i32, i32
  }
  func.func @transform_2(%arg0: i32) -> (i32, i32) {
    %c0_i32 = arith.constant 0 : i32
    %c0_i32_0 = arith.constant 0 : i32
    return %arg0, %c0_i32 : i32, i32
  }
  func.func @transform_3(%arg0: i32) -> (i32, i32) {
    %c0_i32 = arith.constant 0 : i32
    %c0_i32_0 = arith.constant 0 : i32
    return %arg0, %c0_i32 : i32, i32
  }
}

module attributes {stable_mosaic.version = 14 : i64} {
  func.func @_mm_body(%arg0: i32, %arg1: memref<1000x128xf32, #tpu.memory_space<vmem>>, %arg2: memref<128x128xf32, #tpu.memory_space<vmem>>, %arg3: memref<1000x128xf32, #tpu.memory_space<vmem>>) attributes {dimension_semantics = [#tpu.dimension_semantics<arbitrary>], iteration_bounds = array<i64: 10>, scalar_prefetch = 0 : i64, scratch_operands = 0 : i64, tpu.core_type = #tpu.core_type<tc>, window_params = [{transform_indices = @transform_0, window_bounds = array<i64: 1000, 128>}, {pipeline_mode = #tpu.pipeline_mode<synchronous>, transform_indices = @transform_1, window_bounds = array<i64: 128, 128>}, {transform_indices = @transform_2, window_bounds = array<i64: 1000, 128>}]} {
    %get3A = arith.constant 0 : index
    %get3A_0 = arith.constant 0 : index
    %get3A_1 = vector.load %arg1[%get3A, %get3A_0] : memref<1000x128xf32, #tpu.memory_space<vmem>>, vector<1000x128xf32>
    %get3A_2 = arith.constant 0 : index
    %get3A_3 = arith.constant 0 : index
    %get3A_4 = vector.load %arg2[%get3A_2, %get3A_3] : memref<128x128xf32, #tpu.memory_space<vmem>>, vector<128x128xf32>
    %dot_general3A = arith.constant dense<0.000000e+00> : vector<1000x128xf32>
    %dot_general3A_5 = tpu.matmul %get3A_1, %get3A_4, %dot_general3A {dimension_numbers = #tpu.dot_dimension_numbers<[1], [0], [0], [1], [0, 0, 1, 1], [], []>, transpose_lhs_hint = false} : vector<1000x128xf32>, vector<128x128xf32>, vector<1000x128xf32> -> vector<1000x128xf32>
    %swap3A = arith.constant 0 : index
    %swap3A_6 = arith.constant 0 : index
    %swap3A_7 = vector.load %arg3[%swap3A, %swap3A_6] : memref<1000x128xf32, #tpu.memory_space<vmem>>, vector<1000x128xf32>
    tpu.vector_store %arg3[%swap3A, %swap3A_6], %dot_general3A_5 {strides = array<i32>} : memref<1000x128xf32, #tpu.memory_space<vmem>>, vector<1000x128xf32>,
    return
  }
  func.func @transform_0(%arg0: i32) -> (i32, i32) {
    %c0_i32 = arith.constant 0 : i32
    %c0_i32_0 = arith.constant 0 : i32
    return %arg0, %c0_i32 : i32, i32
  }
  func.func @transform_1(%arg0: i32) -> (i32, i32) {
    %c0_i32 = arith.constant 0 : i32
    %c0_i32_0 = arith.constant 0 : i32
    %c0_i32_1 = arith.constant 0 : i32
    return %c0_i32, %c0_i32_0 : i32, i32
  }
  func.func @transform_2(%arg0: i32) -> (i32, i32) {
    %c0_i32 = arith.constant 0 : i32
    %c0_i32_0 = arith.constant 0 : i32
    return %arg0, %c0_i32 : i32, i32
  }
}

module attributes {stable_mosaic.version = 14 : i64} {
  func.func @_fin_body(%arg0: i32, %arg1: memref<2x1000x128xf32, #tpu.memory_space<vmem>>, %arg2: memref<1000x128xf32, #tpu.memory_space<vmem>>, %arg3: memref<1000x1xf32, #tpu.memory_space<vmem>>, %arg4: memref<1x128xf32, #tpu.memory_space<vmem>>, %arg5: memref<1000x128xf32, #tpu.memory_space<vmem>>) attributes {dimension_semantics = [#tpu.dimension_semantics<arbitrary>], iteration_bounds = array<i64: 10>, scalar_prefetch = 0 : i64, scratch_operands = 0 : i64, tpu.core_type = #tpu.core_type<tc>, window_params = [{transform_indices = @transform_0, window_bounds = array<i64: 2, 1000, 128>}, {transform_indices = @transform_1, window_bounds = array<i64: 1000, 128>}, {transform_indices = @transform_2, window_bounds = array<i64: 1000, 1>}, {pipeline_mode = #tpu.pipeline_mode<synchronous>, transform_indices = @transform_3, window_bounds = array<i64: 1, 128>}, {transform_indices = @transform_4, window_bounds = array<i64: 1000, 128>}]} {
    %get3A = arith.constant 0 : index
    %get3A_0 = arith.constant 0 : index
    %get3A_1 = arith.constant 0 : index
    %get3A_2 = vector.load %arg1[%get3A, %get3A_0, %get3A_1] : memref<2x1000x128xf32, #tpu.memory_space<vmem>>, vector<1x1000x128xf32>
    %get3A_3 = vector.shape_cast %get3A_2 : vector<1x1000x128xf32> to vector<1000x128xf32>
    %get3A_4 = arith.constant 1 : index
    %get3A_5 = arith.constant 0 : index
    %get3A_6 = arith.constant 0 : index
    %get3A_7 = vector.load %arg1[%get3A_4, %get3A_5, %get3A_6] : memref<2x1000x128xf32, #tpu.memory_space<vmem>>, vector<1x1000x128xf32>
    %get3A_8 = vector.shape_cast %get3A_7 : vector<1x1000x128xf32> to vector<1000x128xf32>
    %add3A = arith.addf %get3A_3, %get3A_8 : vector<1000x128xf32>
    %get3A_9 = arith.constant 0 : index
    %get3A_10 = arith.constant 0 : index
    %get3A_11 = vector.load %arg2[%get3A_9, %get3A_10] : memref<1000x128xf32, #tpu.memory_space<vmem>>, vector<1000x128xf32>
    %add3A_12 = arith.addf %add3A, %get3A_11 : vector<1000x128xf32>
    %get3A_13 = arith.constant 0 : index
    %get3A_14 = arith.constant 0 : index
    %get3A_15 = vector.load %arg3[%get3A_13, %get3A_14] : memref<1000x1xf32, #tpu.memory_space<vmem>>, vector<1000x1xf32>
    %mul3A = vector.broadcast %get3A_15 : vector<1000x1xf32> to vector<1000x128xf32>
    %mul3A_16 = arith.mulf %add3A_12, %mul3A : vector<1000x128xf32>
    %get3A_17 = arith.constant 0 : index
    %get3A_18 = arith.constant 0 : index
    %get3A_19 = vector.load %arg4[%get3A_17, %get3A_18] : memref<1x128xf32, #tpu.memory_space<vmem>>, vector<1x128xf32>
    %add3A_20 = vector.broadcast %get3A_19 : vector<1x128xf32> to vector<1000x128xf32>
    %add3A_21 = arith.addf %mul3A_16, %add3A_20 : vector<1000x128xf32>
    %max3A = arith.constant 0.000000e+00 : f32
    %max3A_22 = vector.broadcast %max3A : f32 to vector<1000x128xf32>
    %max3A_23 = arith.maximumf %add3A_21, %max3A_22 : vector<1000x128xf32>
    %swap3A = arith.constant 0 : index
    %swap3A_24 = arith.constant 0 : index
    %swap3A_25 = vector.load %arg5[%swap3A, %swap3A_24] : memref<1000x128xf32, #tpu.memory_space<vmem>>, vector<1000x128xf32>
    tpu.vector_store %arg5[%swap3A, %swap3A_24], %max3A_23 {strides = array<i32>} : memref<1000x128xf32, #tpu.memory_space<vmem>>, vector<1000x128xf32>,
    return
  }
  func.func @transform_0(%arg0: i32) -> (i32, i32, i32) {
    %c0_i32 = arith.constant 0 : i32
    %c0_i32_0 = arith.constant 0 : i32
    %c0_i32_1 = arith.constant 0 : i32
    return %c0_i32, %arg0, %c0_i32_0 : i32, i32, i32
  }
  func.func @transform_1(%arg0: i32) -> (i32, i32) {
    %c0_i32 = arith.constant 0 : i32
    %c0_i32_0 = arith.constant 0 : i32
    return %arg0, %c0_i32 : i32, i32
  }
  func.func @transform_2(%arg0: i32) -> (i32, i32) {
    %c0_i32 = arith.constant 0 : i32
    %c0_i32_0 = arith.constant 0 : i32
    return %arg0, %c0_i32 : i32, i32
  }
  func.func @transform_3(%arg0: i32) -> (i32, i32) {
    %c0_i32 = arith.constant 0 : i32
    %c0_i32_0 = arith.constant 0 : i32
    %c0_i32_1 = arith.constant 0 : i32
    return %c0_i32, %c0_i32_0 : i32, i32
  }
  func.func @transform_4(%arg0: i32) -> (i32, i32) {
    %c0_i32 = arith.constant 0 : i32
    %c0_i32_0 = arith.constant 0 : i32
    return %arg0, %c0_i32 : i32, i32
  }
}

module attributes {stable_mosaic.version = 14 : i64} {
  func.func @_mid_body(%arg0: i32, %arg1: memref<2x1000x128xf32, #tpu.memory_space<vmem>>, %arg2: memref<1000x128xf32, #tpu.memory_space<vmem>>, %arg3: memref<1000x1xf32, #tpu.memory_space<vmem>>, %arg4: memref<1x128xf32, #tpu.memory_space<vmem>>, %arg5: memref<128x128xf32, #tpu.memory_space<vmem>>, %arg6: memref<1000x128xf32, #tpu.memory_space<vmem>>) attributes {dimension_semantics = [#tpu.dimension_semantics<arbitrary>], iteration_bounds = array<i64: 10>, scalar_prefetch = 0 : i64, scratch_operands = 0 : i64, tpu.core_type = #tpu.core_type<tc>, window_params = [{transform_indices = @transform_0, window_bounds = array<i64: 2, 1000, 128>}, {transform_indices = @transform_1, window_bounds = array<i64: 1000, 128>}, {transform_indices = @transform_2, window_bounds = array<i64: 1000, 1>}, {pipeline_mode = #tpu.pipeline_mode<synchronous>, transform_indices = @transform_3, window_bounds = array<i64: 1, 128>}, {pipeline_mode = #tpu.pipeline_mode<synchronous>, transform_indices = @transform_4, window_bounds = array<i64: 128, 128>}, {transform_indices = @transform_5, window_bounds = array<i64: 1000, 128>}]} {
    %get3A = arith.constant 0 : index
    %get3A_0 = arith.constant 0 : index
    %get3A_1 = arith.constant 0 : index
    %get3A_2 = vector.load %arg1[%get3A, %get3A_0, %get3A_1] : memref<2x1000x128xf32, #tpu.memory_space<vmem>>, vector<1x1000x128xf32>
    %get3A_3 = vector.shape_cast %get3A_2 : vector<1x1000x128xf32> to vector<1000x128xf32>
    %get3A_4 = arith.constant 1 : index
    %get3A_5 = arith.constant 0 : index
    %get3A_6 = arith.constant 0 : index
    %get3A_7 = vector.load %arg1[%get3A_4, %get3A_5, %get3A_6] : memref<2x1000x128xf32, #tpu.memory_space<vmem>>, vector<1x1000x128xf32>
    %get3A_8 = vector.shape_cast %get3A_7 : vector<1x1000x128xf32> to vector<1000x128xf32>
    %add3A = arith.addf %get3A_3, %get3A_8 : vector<1000x128xf32>
    %get3A_9 = arith.constant 0 : index
    %get3A_10 = arith.constant 0 : index
    %get3A_11 = vector.load %arg3[%get3A_9, %get3A_10] : memref<1000x1xf32, #tpu.memory_space<vmem>>, vector<1000x1xf32>
    %get3A_12 = arith.constant 0 : index
    %get3A_13 = arith.constant 0 : index
    %get3A_14 = vector.load %arg2[%get3A_12, %get3A_13] : memref<1000x128xf32, #tpu.memory_space<vmem>>, vector<1000x128xf32>
    %add3A_15 = arith.addf %add3A, %get3A_14 : vector<1000x128xf32>
    %mul3A = vector.broadcast %get3A_11 : vector<1000x1xf32> to vector<1000x128xf32>
    %mul3A_16 = arith.mulf %add3A_15, %mul3A : vector<1000x128xf32>
    %get3A_17 = arith.constant 0 : index
    %get3A_18 = arith.constant 0 : index
    %get3A_19 = vector.load %arg4[%get3A_17, %get3A_18] : memref<1x128xf32, #tpu.memory_space<vmem>>, vector<1x128xf32>
    %add3A_20 = vector.broadcast %get3A_19 : vector<1x128xf32> to vector<1000x128xf32>
    %add3A_21 = arith.addf %mul3A_16, %add3A_20 : vector<1000x128xf32>
    %max3A = arith.constant 0.000000e+00 : f32
    %max3A_22 = vector.broadcast %max3A : f32 to vector<1000x128xf32>
    %max3A_23 = arith.maximumf %add3A_21, %max3A_22 : vector<1000x128xf32>
    %get3A_24 = arith.constant 0 : index
    %get3A_25 = arith.constant 0 : index
    %get3A_26 = vector.load %arg5[%get3A_24, %get3A_25] : memref<128x128xf32, #tpu.memory_space<vmem>>, vector<128x128xf32>
    %dot_general3A = arith.constant dense<0.000000e+00> : vector<1000x128xf32>
    %dot_general3A_27 = tpu.matmul %max3A_23, %get3A_26, %dot_general3A {dimension_numbers = #tpu.dot_dimension_numbers<[1], [0], [0], [1], [0, 0, 1, 1], [], []>, transpose_lhs_hint = false} : vector<1000x128xf32>, vector<128x128xf32>, vector<1000x128xf32> -> vector<1000x128xf32>
    %mul3A_28 = vector.broadcast %get3A_11 : vector<1000x1xf32> to vector<1000x128xf32>
    %mul3A_29 = arith.mulf %dot_general3A_27, %mul3A_28 : vector<1000x128xf32>
    %swap3A = arith.constant 0 : index
    %swap3A_30 = arith.constant 0 : index
    %swap3A_31 = vector.load %arg6[%swap3A, %swap3A_30] : memref<1000x128xf32, #tpu.memory_space<vmem>>, vector<1000x128xf32>
    tpu.vector_store %arg6[%swap3A, %swap3A_30], %mul3A_29 {strides = array<i32>} : memref<1000x128xf32, #tpu.memory_space<vmem>>, vector<1000x128xf32>,
    return
  }
  func.func @transform_0(%arg0: i32) -> (i32, i32, i32) {
    %c0_i32 = arith.constant 0 : i32
    %c0_i32_0 = arith.constant 0 : i32
    %c0_i32_1 = arith.constant 0 : i32
    return %c0_i32, %arg0, %c0_i32_0 : i32, i32, i32
  }
  func.func @transform_1(%arg0: i32) -> (i32, i32) {
    %c0_i32 = arith.constant 0 : i32
    %c0_i32_0 = arith.constant 0 : i32
    return %arg0, %c0_i32 : i32, i32
  }
  func.func @transform_2(%arg0: i32) -> (i32, i32) {
    %c0_i32 = arith.constant 0 : i32
    %c0_i32_0 = arith.constant 0 : i32
    return %arg0, %c0_i32 : i32, i32
  }
  func.func @transform_3(%arg0: i32) -> (i32, i32) {
    %c0_i32 = arith.constant 0 : i32
    %c0_i32_0 = arith.constant 0 : i32
    %c0_i32_1 = arith.constant 0 : i32
    return %c0_i32, %c0_i32_0 : i32, i32
  }
  func.func @transform_4(%arg0: i32) -> (i32, i32) {
    %c0_i32 = arith.constant 0 : i32
    %c0_i32_0 = arith.constant 0 : i32
    %c0_i32_1 = arith.constant 0 : i32
    return %c0_i32, %c0_i32_0 : i32, i32
  }
  func.func @transform_5(%arg0: i32) -> (i32, i32) {
    %c0_i32 = arith.constant 0 : i32
    %c0_i32_0 = arith.constant 0 : i32
    return %arg0, %c0_i32 : i32, i32
  }
}

</mosaic_0001>

<sc_bundles>
// kernel: kernel.12.cloned.1.call-start
scs
__scs_entry_jumppad:
0x0: {  	(pc) =	sbr.rel $0x88, $3  }
0x1: {  	(tag) =	ssettag $0x0;
	lr =	simm.s32 $0x1  }
0x2: {  	[smem:$0x3F9B] =	sst lr;
	_ =	strace $0xD0000000  }
0x3: {  	_ = 	snop  }
0x4: {  	_ = 	snop  }
0x5: {  	_ = 	snop  }
0x6: {  	_ = 	snop  }
0x7: {  	_ = 	snop  }
__scs_overlays_trampoline_lowered:
0x8: {  	[smem:$0x3FAA] =	sst s0  }
0x9: {  	[smem:$0x3FAB] =	sst s1  }
0xa: {  	[smem:$0x3FAC] =	sst s2  }
0xb: {  	[smem:$0x3FAD] =	sst s3  }
0xc: {  	[smem:$0x3FAE] =	sst s4  }
0xd: {  	[smem:$0x3FAF] =	sst s5  }
0xe: {  	[smem:$0x3FB0] =	sst s6  }
0xf: {  	[smem:$0x3FB1] =	sst s7  }
0x10: {  	[smem:$0x3FB2] =	sst s8  }
0x11: {  	[smem:$0x3FB3] =	sst s9;
	s0 =	simm.s32 @!p0 $0x0  }
0x12: {  	s1 =	sld [smem:$0x3F99];
	s0 =	simm.s32 @p0 $0x1  }
0x13: {  	[smem:$0x3FB4] =	sst s0;
	s0 =	simm.s32 @!p1 $0x0  }
0x14: {  	s2 =	sld [smem:$0x3F98];
	s0 =	simm.s32 @p1 $0x1  }
0x15: {  	[smem:$0x3FB5] =	sst s0;
	s0 =	simm.s32 @!p2 $0x0  }
0x16: {  	s3 =	sld [smem:$0x3FDB];
	s0 =	simm.s32 @p2 $0x1  }
0x17: {  	s4 =	simm.s32 $0x1BF5;
	[smem:$0x3FB7] =	sst s0  }
0x18: {  	s0 =	sld [smem:$0x3F9A];
	_ =	swait.ge [sflag:s4], $0x0  }
0x19: {  	s7 =	sld [smem:$0x3F9B]  }
0x1a: {  	s8 =	sadd.s32 $0xFFFFE003, lr  }
0x1b: {  	s9 =	sadd.s32 $0xFFFFFEF7, lr;
	s5 =	simm.s32 $0xFFFFFFFF;
	p2 =	slt.u32 s8, $0xFFFFF086  }
0x1c: {  	p1 =	slt.u32 s9, $0xF7A;
	s5 =	simm.s32 @!p2 $0x0  }
0x1d: {  	s5 =	simm.s32 @p1 $0x1;
	p0 =	seq.s32 s7, s2  }
0x1e: {  	s7 =	smul.u32 @!p0 $0xF7A, s2;
	p2 =	seq.s32 @!p0 s5, $0x0  }
0x1f: {  	s9 =	smul.u32 $0xF7A, s1;
	s8 =	simm.s32 @!p0 $0x1BF5;
	p2 =	por !p2, p0  }
0x20: {  	[sflag:s8] =	ssyncset.s32 @!p0 $0xFFFFF086;
	s6 =	sadd.s32 @!p0 s3, s7;
	s7 =	simm.s32 @!p0 $0x108  }
0x21: {  	s3 =	sadd.s32 s3, s9;
	s6 =	sadd.s32 @!p0 $0x88, s6;
	s7 =	simm.s32 @p2 $0x1082  }
0x22: {  	[simem:s7], [sflag:s8] =	dma.local @!p0 [hbm:s6], $0xF7A  }
0x23: {  	s9 =	sor.u32 $0xD0000000, s2;
	s6 =	simm.s32 $0x108;
	_ =	swait.ge @!p0 [sflag:s8], $0x0  }
0x24: {  	s3 =	sadd.s32 $0x88, s3;
	s6 =	simm.s32 @!p1 $0x1082;
	[sflag:s4] =	ssyncset.s32 $0xFFFFF086  }
0x25: {  	[simem:s6], [sflag:s4] =	dma.local [hbm:s3], $0xF7A  }
0x26: {  	[smem:$0x3F9B] =	sst s1;
	(tag) =	ssettag s2;
	_ =	strace s9  }
0x27: {  	s1 =	sld [smem:$0x3FAB]  }
0x28: {  	s2 =	sld [smem:$0x3FAC]  }
0x29: {  	s4 =	sld [smem:$0x3FAE]  }
0x2a: {  	p0 =	seq.s32 s5, $0x0;
	s5 =	sld [smem:$0x3FAF]  }
0x2b: {  	s6 =	sld [smem:$0x3FB0]  }
0x2c: {  	s7 =	sld [smem:$0x3FB1]  }
0x2d: {  	s3 =	simm.s32 $0x108;
	s8 =	sld [smem:$0x3FB2]  }
0x2e: {  	s3 =	simm.s32 @!p0 $0x1082;
	s9 =	sld [smem:$0x3FB3]  }
0x2f: {  	lr =	sadd.s32 s0, s3;
	s0 =	sld [smem:$0x3FAA]  }
0x30: {  	s3 =	sld [smem:$0x3FAD]  }
0x31: {  	[smem:$0x3FB6] =	sst s10  }
0x32: {  	s10 =	sld [smem:$0x3FB4];
	_ =	sdelay $0x3  }
0x33: {  	p0 =	seq.s32 s10, $0x1;
	s10 =	sld [smem:$0x3FB6];
	_ =	sdelay $0x3  }
0x34: {  	[smem:$0x3FB6] =	sst s10  }
0x35: {  	s10 =	sld [smem:$0x3FB5];
	_ =	sdelay $0x3  }
0x36: {  	p1 =	seq.s32 s10, $0x1;
	s10 =	sld [smem:$0x3FB6];
	_ =	sdelay $0x3  }
0x37: {  	[smem:$0x3FB6] =	sst s10  }
0x38: {  	s10 =	sld [smem:$0x3FB7]  }
0x39: {  	_ = 	snop;
	(pc) =	sbr.ind lr, $3  }
0x3a: {  	_ = 	snop  }
0x3b: {  	_ = 	snop  }
0x3c: {  	p2 =	seq.s32 s10, $0x1;
	s10 =	sld [smem:$0x3FB6]  }
0x3d: {  	_ =	shalt  }
0x3e: {  	_ =	shalt  }
0x3f: {  	_ =	shalt  }
0x40: {  	_ =	shalt  }
0x41: {  	_ =	shalt  }
0x42: {  	_ =	shalt  }
0x43: {  	_ =	shalt  }
0x44: {  	_ =	shalt  }
0x45: {  	_ =	shalt  }
0x46: {  	_ =	shalt  }
0x47: {  	_ =	shalt  }
0x48: {  	_ =	shalt  }
0x49: {  	_ =	shalt  }
0x4a: {  	_ =	shalt  }
0x4b: {  	_ =	shalt  }
0x4c: {  	_ =	shalt  }
0x4d: {  	_ =	shalt  }
0x4e: {  	_ =	shalt  }
0x4f: {  	_ =	shalt  }
0x50: {  	_ =	shalt  }
0x51: {  	_ =	shalt  }
0x52: {  	_ =	shalt  }
0x53: {  	_ =	shalt  }
0x54: {  	_ =	shalt  }
0x55: {  	_ =	shalt  }
0x56: {  	_ =	shalt  }
0x57: {  	_ =	shalt  }
0x58: {  	_ =	shalt  }
0x59: {  	_ =	shalt  }
0x5a: {  	_ =	shalt  }
0x5b: {  	_ =	shalt  }
0x5c: {  	_ =	shalt  }
0x5d: {  	_ =	shalt  }
0x5e: {  	_ =	shalt  }
0x5f: {  	_ =	shalt  }
0x60: {  	_ =	shalt  }
0x61: {  	_ =	shalt  }
0x62: {  	_ =	shalt  }
0x63: {  	_ =	shalt  }
0x64: {  	_ =	shalt  }
0x65: {  	_ =	shalt  }
0x66: {  	_ =	shalt  }
0x67: {  	_ =	shalt  }
0x68: {  	_ =	shalt  }
0x69: {  	_ =	shalt  }
0x6a: {  	_ =	shalt  }
0x6b: {  	_ =	shalt  }
0x6c: {  	_ =	shalt  }
0x6d: {  	_ =	shalt  }
0x6e: {  	_ =	shalt  }
0x6f: {  	_ =	shalt  }
0x70: {  	_ =	shalt  }
0x71: {  	_ =	shalt  }
0x72: {  	_ =	shalt  }
0x73: {  	_ =	shalt  }
0x74: {  	_ =	shalt  }
0x75: {  	_ =	shalt  }
0x76: {  	_ =	shalt  }
0x77: {  	_ =	shalt  }
0x78: {  	_ =	shalt  }
0x79: {  	_ =	shalt  }
0x7a: {  	_ =	shalt  }
0x7b: {  	_ =	shalt  }
0x7c: {  	_ =	shalt  }
0x7d: {  	_ =	shalt  }
0x7e: {  	_ =	shalt  }
0x7f: {  	_ =	shalt  }
0x80: {  	_ =	shalt  }
0x81: {  	_ =	shalt  }
0x82: {  	_ =	shalt  }
0x83: {  	_ =	shalt  }
0x84: {  	_ =	shalt  }
0x85: {  	_ =	shalt  }
0x86: {  	_ =	shalt  }
0x87: {  	_ =	shalt  }
.Lfunc_end0:
.L_simem_size_0:
called_computation.1_lowered:
.L_overlay_start_0:
0x88: {  	s2 =	sld [smem:$0x3FD9]  }
0x89: {  	s3 =	sld [smem:$0x3FFE];
	_ =	sdelay $0x1  }
0x8a: {  	s1 =	srdreg.scid  }
0x8b: {  	s0 =	sand.u32 $0x1, s1  }
0x8c: {  	s17 =	sshll.u32 s0, $0xA;
	s2 =	sadd.s32 s3, s2  }
0x8d: {  	s2 =	sadd.s32 s2, s17  }
0x8e: {  	[smem:$0x3FC2] =	sst s2  }
0x8f: {  	_ = 	snop  }
0x90: {  	s2 =	sld [smem:$0x3FD0];
	(tm) =	ssettm $0x1  }
0x91: {  	s18 =	sld [smem:$0x3FFB];
	_ =	sdelay $0x3  }
0x92: {  	_ =	strace s18  }
0x93: {  	s3 =	sld [smem:$0x3FFC];
	_ =	sdelay $0x3  }
0x94: {  	_ =	strace s3  }
0x95: {  	s3 =	sld [smem:$0x3FFD];
	_ =	sdelay $0x3  }
0x96: {  	_ =	strace s3  }
0x97: {  	_ =	strace $0x8FFFFFFF  }
0x98: {  	s19 =	sld [smem:$0x3FDB];
	_ =	sdelay $0x1  }
0x99: {  	s4 =	simm.s32 $_scs_section_size  }
0x9a: {  	s5 =	simm.s32 $_size__tile_overlayer_lowered;
	s6 =	simm.s32 $_tile_overlayer_lowered  }
0x9b: {  	s22 =	simm.s32 $0x1BFF;
	s21 =	sshll.u32 s6, $0x1;
	s3 =	sadd.s32 s4, s19  }
0x9c: {  	s7 =	simm.s32 $0x0;
	s20 =	sshll.u32 s5, $0x1;
	s5 =	sadd.s32 s21, s3  }
0x9d: {  	[timem:s7], [sflag:s22] =	dma.local [hbm:s5], s20  }
0x9e: {  	_ =	swait.ge [sflag:s22], s20  }
0x9f: {  	s4 =	ssub.s32 $0x0, s20;
	[sflag:s22] =	ssyncset.done $0x0  }
0xa0: {  	[sflag:s22] =	ssyncadd.s32 s4;
	_ =	sdelay $0x1  }
0xa1: {  	s23 =	simm.s32 $0x1B8B  }
0xa2: {  	_ =	swait.ge [sflag:s23], $0x1  }
0xa3: {  	[sflag:s23] =	ssyncset.done $0x0  }
0xa4: {  	s25 =	simm.s32 $0x1B8E;
	s24 =	sld [smem:$0x3FFE];
	[sflag:s23] =	ssyncadd.s32 $0xFFFFFFFF  }
0xa5: {  	s26 =	simm.s32 $execute0_lowered;
	[smem:$0x3FD2] =	sst s25  }
0xa6: {  	s5 =	sshll.u32 s26, $0x1;
	_ =	strace $0x80000049;
	[dreg:$0x1] =	wrdreg $0xFFFFFFFF  }
0xa7: {  	s28 =	simm.s32 $_size_execute0_lowered;
	s3 =	sadd.s32 s3, s5;
	[dreg:$0x0] =	wrdreg $0x0  }
0xa8: {  	s5 =	sshll.u32 s28, $0x1;
	[dreg:$0x2] =	wrdreg s3  }
0xa9: {  	[dreg:$0x3] =	wrdreg s5  }
0xaa: {  	[dreg:$0x4] =	wrdreg $0xC0  }
0xab: {  	_ =	task [dreg:s7], $0x5FFFF  }
0xac: {  	[dreg:$0x1] =	wrdreg $0xFFFFFFFF  }
0xad: {  	[dreg:$0x0] =	wrdreg $0x60  }
0xae: {  	[dreg:$0x2] =	wrdreg s2  }
0xaf: {  	[dreg:$0x3] =	wrdreg s24  }
0xb0: {  	[dreg:$0x4] =	wrdreg $0xA8000  }
0xb1: {  	[dreg:$0x5] =	wrdreg $0x9  }
0xb2: {  	_ =	task.clear_ibuf [dreg:s7], $0x6FFFF;
	_ =	strace $0x90000049  }
0xb3: {  	s29 =	simm.s32 $0x9;
	_ =	strace $0x8000004B  }
0xb4: {  	_ =	swait.ge [sflag:s29], $0x1  }
0xb5: {  	[sflag:s29] =	ssyncadd.s32 $0xFFFFFFFF  }
0xb6: {  	_ =	strace $0x9000004B  }
0xb7: {  	_ =	sfence  }
0xb8: {  	s30 =	sld [smem:$0x0];
	_ =	sdelay $0x2  }
0xb9: {  	s31 =	sshll.u32 s1, $0xD;
	s1 =	sshrl.u32 s1, $0x2  }
0xba: {  	s3 =	sand.u32 $0x4000, s31;
	s1 =	sadd.s32 s1, s30  }
0xbb: {  	s0 =	sor.u32 s3, s0;
	s1 =	sshll.u32 s1, $0x11  }
0xbc: {  	s0 =	sor.u32 s1, s0  }
0xbd: {  	s0 =	sadd.s32 $0x8F2B, s0  }
0xbe: {  	[sflag:s0] =	ssyncadd.remote.s32 $0x1  }
0xbf: {  	_ =	sfence.sel $0xFFFF  }
0xc0: {  	[dreg:$0x0] =	wrdreg $0xFFFFFFFF;
	(pc) =	sbr.abs _section_cstart, $3  }
0xc1: {  	[dreg:$0x1] =	wrdreg $0xFFFFFFFF  }
0xc2: {  	_ =	task.clear_ibuf [dreg:s7], $0x2FFFF;
	_ =	strace $0x9FFFFFFF  }
0xc3: {  	(tm) =	ssettm $0x7FFFFFFF  }
tec
execute0_lowered:
.L_overlay_start_1:
0x0: {  	(tag) =	ssettag $0x1  }
0x1: {  	s1 =	rddreg [dreg:$0x0]  }
0x2: {  	s0 =	rddreg [dreg:$0x1]  }
0x3: {  	s2 =	rddreg [dreg:$0x2];
	s4 =	simm.s32 $0x0;
	s3 =	srdreg.scid  }
0x4: {  	s10 =	stileid.u32;
	s21 =	simm.s32 $0x2800;
	s22 =	simm.s32 $0x5  }
0x5: {  	s23 =	simm.s32 $0x1400;
	s28 =	simm.s32 $0x80;
	s29 =	simm.s32 $0x6800  }
0x6: {  	s30 =	simm.s32 $0x1;
	s31 =	simm.s32 $0x8800;
	[smem:$0x7FF] =	sst s4  }
0x7: {  	s3 =	sand.u32 $0x1, s3;
	s6 =	smul.u32 $0x14000, s10;
	s7 =	sadd.s32 $0xD000, s0  }
0x8: {  	s8 =	sadd.s32 $0x3000, s0;
	s5 =	smul.u32 $0x140000, s3;
	s9 =	sshll.u32 s3, $0x4  }
0x9: {  	s3 =	ssub.s32 $0x2, s3;
	s9 =	sor.u32 s10, s9;
	s10 =	smul.u32 $0x50000, s10  }
0xa: {  	_ =	strace $0x8000004A;
	s24 =	sshrl.u32 s3, $0x1;
	s11 =	smul.u32 $0x2800, s9  }
0xb: {  	s14 =	sadd.s32 s6, s2;
	s5 =	sadd.s32 s6, s5;
	s9 =	smul.u32 $0x500, s9  }
0xc: {  	s3 =	ssub.s32 s3, s24;
	s6 =	simm.s32 $0x4;
	s5 =	sshrl.u32 s5, $0x3  }
0xd: {  	s25 =	sshrl.u32 s10, $0x2;
	s3 =	smax.u32 s3, $0x1;
	s0 =	sadd.s32 s5, s0  }
0xe: {  	s26 =	sshrl.u32 s11, $0x3;
	s5 =	sadd.s32 s25, s2;
	s12 =	sadd.s32 s7, s9  }
0xf: {  	s9 =	sadd.s32 s8, s9;
	[dreg:$0x9] =	wrdreg s3;
	s3 =	simm.s32 $0x3  }
0x10: {  	s11 =	simm.s32 $0x27C0;
	[dreg:$0x4] =	wrdreg s12;
	s10 =	sadd.s32 $0x280, s26  }
0x11: {  	[dreg:$0x5] =	wrdreg s9;
	s0 =	sadd.s32 $0x17000, s0;
	s24 =	sadd.s32 $0x2000, s5  }
0x12: {  	s25 =	sadd.s32 $0x4000, s5;
	s26 =	sadd.s32 $0x6000, s5;
	s15 =	sadd.s32 $0x8000, s5  }
0x13: {  	s16 =	sadd.s32 $0xA000, s5;
	s17 =	sadd.s32 $0xC000, s5;
	[dreg:$0x8] =	wrdreg s0  }
0x14: {  	s18 =	sadd.s32 $0xE000, s5;
	s19 =	sadd.s32 $0x10000, s5;
	[dreg:$0xa] =	wrdreg s24  }
0x15: {  	s20 =	sadd.s32 $0x12000, s5;
	s9 =	simm.s32 $0x2740;
	[dreg:$0xb] =	wrdreg s25  }
0x16: {  	s7 =	sadd.s32 s7, s10;
	s13 =	sadd.s32 s8, s10;
	[dreg:$0xc] =	wrdreg s26  }
0x17: {  	s24 =	simm.s32 $0x40;
	s25 =	sshrl.u32 s14, $0x3;
	s26 =	simm.s32 $0x4800  }
0x18: {  	s0 =	simm.s32 $0x2;
	s8 =	simm.s32 $0x13C0;
	[dreg:$0x6] =	wrdreg s7  }
0x19: {  	v0 =	vimm.f32 $0.0e+00;
	s10 =	simm.s32 $0x2780;
	[dreg:$0x7] =	wrdreg s13;
	s7 =	simm.s32 $0x2700  }
.LBB2_1:
0x1a: {  	s12 =	simm.s32 $0x0;
	s13 =	simm.s32 $0x200  }
.LBB2_2:
0x1b: {  	p0 =	sne.s32 s13, $0x7E00;
	[tilespmem:s12+$0x2870] =	vst v0  }
0x1c: {  	[tilespmem:s12+$0x2800] =	vst v0  }
0x1d: {  	[tilespmem:s12+$0x2810] =	vst v0  }
.Ltmp0:
0x1e: {  	[tilespmem:s12+$0x2820] =	vst v0;
	(pc) =	sbr.rel @p0 .LBB2_2-.Ltmp0, $4  }
0x1f: {  	[tilespmem:s12+$0x2830] =	vst v0  }
0x20: {  	[tilespmem:s12+$0x2840] =	vst v0  }
0x21: {  	[tilespmem:s12+$0x2850] =	vst v0  }
0x22: {  	[tilespmem:s12+$0x2860] =	vst v0;
	s12 =	sshra.s32 s13, $0x2;
	s13 =	sadd.s32 $0x200, s13  }
0x23: {  	[tilespmem:s12+$0x2870] =	vst v0  }
0x24: {  	[tilespmem:s12+$0x2800] =	vst v0  }
0x25: {  	[tilespmem:s12+$0x2810] =	vst v0  }
0x26: {  	[tilespmem:s12+$0x2820] =	vst v0  }
0x27: {  	[tilespmem:s12+$0x2830] =	vst v0  }
0x28: {  	[tilespmem:s12+$0x2840] =	vst v0  }
0x29: {  	[tilespmem:s12+$0x2850] =	vst v0  }
0x2a: {  	[tilespmem:s12+$0x2860] =	vst v0  }
0x2b: {  	[spmem:s5] =	stream.linear.scatter [tilespmem:s21], [sflag:$0x5], $0x2000, $0x38;
	[tilespmem:$0x1E800] =	vst v63  }
0x2c: {  	_ =	swait.ge [sflag:s22], $0x2000  }
0x2d: {  	[sflag:s22] =	ssyncset.done $0x0  }
0x2e: {  	s13 =	rddreg [dreg:$0xa];
	[sflag:s22] =	ssyncadd.s32 $0xFFFFE000  }
0x2f: {  	[spmem:s13] =	stream.linear.scatter [tilespmem:s21], [sflag:$0x5], $0x2000, $0x38;
	[tilespmem:$0x1E800] =	vst v63  }
0x30: {  	_ =	swait.ge [sflag:s22], $0x2000  }
0x31: {  	[sflag:s22] =	ssyncset.done $0x0  }
0x32: {  	s14 =	rddreg [dreg:$0xb];
	[sflag:s22] =	ssyncadd.s32 $0xFFFFE000  }
0x33: {  	[spmem:s14] =	stream.linear.scatter [tilespmem:s21], [sflag:$0x5], $0x2000, $0x38;
	[tilespmem:$0x1E800] =	vst v63  }
0x34: {  	_ =	swait.ge [sflag:s22], $0x2000  }
0x35: {  	[sflag:s22] =	ssyncset.done $0x0  }
0x36: {  	s13 =	rddreg [dreg:$0xc];
	[sflag:s22] =	ssyncadd.s32 $0xFFFFE000  }
0x37: {  	[spmem:s13] =	stream.linear.scatter [tilespmem:s21], [sflag:$0x5], $0x2000, $0x38;
	[tilespmem:$0x1E800] =	vst v63  }
0x38: {  	_ =	swait.ge [sflag:s22], $0x2000  }
0x39: {  	[sflag:s22] =	ssyncset.done $0x0  }
0x3a: {  	[sflag:s22] =	ssyncadd.s32 $0xFFFFE000  }
0x3b: {  	[spmem:s15] =	stream.linear.scatter [tilespmem:s21], [sflag:$0x5], $0x2000, $0x38;
	[tilespmem:$0x1E800] =	vst v63  }
0x3c: {  	_ =	swait.ge [sflag:s22], $0x2000  }
0x3d: {  	[sflag:s22] =	ssyncset.done $0x0  }
0x3e: {  	[sflag:s22] =	ssyncadd.s32 $0xFFFFE000  }
0x3f: {  	[spmem:s16] =	stream.linear.scatter [tilespmem:s21], [sflag:$0x5], $0x2000, $0x38;
	[tilespmem:$0x1E800] =	vst v63  }
0x40: {  	_ =	swait.ge [sflag:s22], $0x2000  }
0x41: {  	[sflag:s22] =	ssyncset.done $0x0  }
0x42: {  	[sflag:s22] =	ssyncadd.s32 $0xFFFFE000  }
0x43: {  	[spmem:s17] =	stream.linear.scatter [tilespmem:s21], [sflag:$0x5], $0x2000, $0x38;
	[tilespmem:$0x1E800] =	vst v63  }
0x44: {  	_ =	swait.ge [sflag:s22], $0x2000  }
0x45: {  	[sflag:s22] =	ssyncset.done $0x0  }
0x46: {  	[sflag:s22] =	ssyncadd.s32 $0xFFFFE000  }
0x47: {  	[spmem:s18] =	stream.linear.scatter [tilespmem:s21], [sflag:$0x5], $0x2000, $0x38;
	[tilespmem:$0x1E800] =	vst v63  }
0x48: {  	_ =	swait.ge [sflag:s22], $0x2000  }
0x49: {  	[sflag:s22] =	ssyncset.done $0x0  }
0x4a: {  	[sflag:s22] =	ssyncadd.s32 $0xFFFFE000  }
0x4b: {  	[spmem:s19] =	stream.linear.scatter [tilespmem:s21], [sflag:$0x5], $0x2000, $0x38;
	[tilespmem:$0x1E800] =	vst v63  }
0x4c: {  	_ =	swait.ge [sflag:s22], $0x2000  }
0x4d: {  	[sflag:s22] =	ssyncset.done $0x0  }
0x4e: {  	[sflag:s22] =	ssyncadd.s32 $0xFFFFE000  }
0x4f: {  	[spmem:s20] =	stream.linear.scatter [tilespmem:s21], [sflag:$0x5], $0x2000, $0x38;
	[tilespmem:$0x1E800] =	vst v63  }
0x50: {  	_ =	swait.ge [sflag:s22], $0x2000  }
0x51: {  	[sflag:s22] =	ssyncset.done $0x0  }
0x52: {  	[sflag:s22] =	ssyncadd.s32 $0xFFFFE000  }
0x53: {  	[bflag:$0x0] =	sbarrier.arrive $0xFFFF  }
0x54: {  	s12 =	simm.s32 $0x0;
	s13 =	rddreg [dreg:$0x4]  }
0x55: {  	[tilespmem:s12], [sflag:$0x5] =	stream.linear.gather [hbm4b:s13+s12], $0x1400, $0x38;
	[tilespmem:$0x1E800] =	vst v63  }
0x56: {  	_ =	swait.ge [sflag:s22], $0x1400  }
0x57: {  	[sflag:s22] =	ssyncset.done $0x0  }
0x58: {  	s14 =	rddreg [dreg:$0x5];
	[sflag:s22] =	ssyncadd.s32 $0xFFFFEC00  }
0x59: {  	[tilespmem:s23], [sflag:$0x5] =	stream.linear.gather [hbm4b:s14+s12], $0x1400, $0x38;
	[tilespmem:$0x1E800] =	vst v63  }
0x5a: {  	_ =	swait.ge [sflag:s22], $0x1400  }
0x5b: {  	[sflag:s22] =	ssyncset.done $0x0  }
0x5c: {  	[sflag:s22] =	ssyncadd.s32 $0xFFFFEC00  }
0x5d: {  	[tilespmem:s21], [sflag:$0x1] =	stream.indirect.gather [hbm4b:s1+s24], $0x80, s12, s24, $0xb8;
	[tilespmem:$0x1E800] =	vst v63  }
0x5e: {  	_ = 	snop  }
0x5f: {  	[tilespmem:s26], [sflag:$0x2] =	stream.indirect.gather [hbm4b:s1+s24], $0x80, s24, s24, $0xb8;
	[tilespmem:$0x1E800] =	vst v63  }
0x60: {  	_ = 	snop  }
0x61: {  	[tilespmem:s29], [sflag:$0x3] =	stream.indirect.gather [hbm4b:s1+s24], $0x80, s28, s24, $0xb8;
	[tilespmem:$0x1E800] =	vst v63  }
0x62: {  	_ =	swait.ge [sflag:s30], $0x2000  }
0x63: {  	[sflag:s30] =	ssyncset.done $0x0  }
0x64: {  	s14 =	simm.s32 $0x1400;
	[sflag:s30] =	ssyncadd.s32 $0xFFFFE000  }
0x65: {  	[spmem:s2] =	stream.indirect.scatter.add.f32 [tilespmem:s21], [sflag:$0x5], $0x80, s14, s24, $0xb8;
	[tilespmem:$0x1E800] =	vst v63  }
0x66: {  	_ =	swait.ge [sflag:s22], $0x2000  }
0x67: {  	[sflag:s22] =	ssyncset.done $0x0  }
0x68: {  	s13 =	simm.s32 $0xC0;
	[sflag:s22] =	ssyncadd.s32 $0xFFFFE000  }
0x69: {  	[tilespmem:s31], [sflag:$0x4] =	stream.indirect.gather [hbm4b:s1+s24], $0x80, s13, s24, $0xb8;
	[tilespmem:$0x1E800] =	vst v63  }
0x6a: {  	_ =	swait.ge [sflag:s0], $0x2000  }
0x6b: {  	[sflag:s0] =	ssyncset.done $0x0  }
0x6c: {  	s14 =	simm.s32 $0x1440;
	[sflag:s0] =	ssyncadd.s32 $0xFFFFE000  }
0x6d: {  	[spmem:s2] =	stream.indirect.scatter.add.f32 [tilespmem:s26], [sflag:$0x5], $0x80, s14, s24, $0xb8;
	[tilespmem:$0x1E800] =	vst v63  }
0x6e: {  	_ =	swait.ge [sflag:s22], $0x2000  }
0x6f: {  	[sflag:s22] =	ssyncset.done $0x0  }
0x70: {  	s13 =	simm.s32 $0x100;
	[sflag:s22] =	ssyncadd.s32 $0xFFFFE000  }
0x71: {  	[tilespmem:s21], [sflag:$0x1] =	stream.indirect.gather [hbm4b:s1+s24], $0x80, s13, s24, $0xb8;
	[tilespmem:$0x1E800] =	vst v63  }
0x72: {  	_ =	swait.ge [sflag:s3], $0x2000  }
0x73: {  	[sflag:s3] =	ssyncset.done $0x0  }
0x74: {  	s14 =	simm.s32 $0x1480;
	[sflag:s3] =	ssyncadd.s32 $0xFFFFE000  }
0x75: {  	[spmem:s2] =	stream.indirect.scatter.add.f32 [tilespmem:s29], [sflag:$0x5], $0x80, s14, s24, $0xb8;
	[tilespmem:$0x1E800] =	vst v63  }
0x76: {  	_ =	swait.ge [sflag:s22], $0x2000  }
0x77: {  	[sflag:s22] =	ssyncset.done $0x0  }
0x78: {  	s13 =	simm.s32 $0x140;
	[sflag:s22] =	ssyncadd.s32 $0xFFFFE000  }
0x79: {  	[tilespmem:s26], [sflag:$0x2] =	stream.indirect.gather [hbm4b:s1+s24], $0x80, s13, s24, $0xb8;
	[tilespmem:$0x1E800] =	vst v63  }
0x7a: {  	_ =	swait.ge [sflag:s6], $0x2000  }
0x7b: {  	[sflag:s6] =	ssyncset.done $0x0  }
0x7c: {  	s14 =	simm.s32 $0x14C0;
	[sflag:s6] =	ssyncadd.s32 $0xFFFFE000  }
0x7d: {  	[spmem:s2] =	stream.indirect.scatter.add.f32 [tilespmem:s31], [sflag:$0x5], $0x80, s14, s24, $0xb8;
	[tilespmem:$0x1E800] =	vst v63  }
0x7e: {  	_ =	swait.ge [sflag:s22], $0x2000  }
0x7f: {  	[sflag:s22] =	ssyncset.done $0x0  }
0x80: {  	s12 =	simm.s32 $0x400;
	s13 =	simm.s32 $0x180;
	[sflag:s22] =	ssyncadd.s32 $0xFFFFE000  }
.LBB2_4:
0x81: {  	[tilespmem:s29], [sflag:$0x3] =	stream.indirect.gather [hbm4b:s1+s24], $0x80, s13, s24, $0xb8;
	[tilespmem:$0x1E800] =	vst v63  }
0x82: {  	s13 =	smov.u32 s12  }
0x83: {  	p0 =	sne.s32 s12, $0x4800;
	s12 =	sadd.s32 $0x400, s12;
	_ =	swait.ge [sflag:s30], $0x2000  }
0x84: {  	s13 =	sshra.s32 s13, $0x2;
	[sflag:s30] =	ssyncset.done $0x0  }
0x85: {  	s14 =	sadd.s32 $0x1400, s13;
	[sflag:s30] =	ssyncadd.s32 $0xFFFFE000  }
0x86: {  	[spmem:s2] =	stream.indirect.scatter.add.f32 [tilespmem:s21], [sflag:$0x5], $0x80, s14, s24, $0xb8;
	[tilespmem:$0x1E800] =	vst v63  }
0x87: {  	_ =	swait.ge [sflag:s22], $0x2000  }
0x88: {  	[sflag:s22] =	ssyncset.done $0x0  }
0x89: {  	s14 =	sadd.s32 $0xC0, s13;
	[sflag:s22] =	ssyncadd.s32 $0xFFFFE000  }
0x8a: {  	[tilespmem:s31], [sflag:$0x4] =	stream.indirect.gather [hbm4b:s1+s24], $0x80, s14, s24, $0xb8;
	[tilespmem:$0x1E800] =	vst v63  }
0x8b: {  	_ =	swait.ge [sflag:s0], $0x2000  }
0x8c: {  	[sflag:s0] =	ssyncset.done $0x0  }
0x8d: {  	s14 =	sadd.s32 $0x1440, s13;
	[sflag:s0] =	ssyncadd.s32 $0xFFFFE000  }
0x8e: {  	[spmem:s2] =	stream.indirect.scatter.add.f32 [tilespmem:s26], [sflag:$0x5], $0x80, s14, s24, $0xb8;
	[tilespmem:$0x1E800] =	vst v63  }
0x8f: {  	_ =	swait.ge [sflag:s22], $0x2000  }
0x90: {  	[sflag:s22] =	ssyncset.done $0x0  }
0x91: {  	s14 =	sadd.s32 $0x100, s13;
	[sflag:s22] =	ssyncadd.s32 $0xFFFFE000  }
0x92: {  	[tilespmem:s21], [sflag:$0x1] =	stream.indirect.gather [hbm4b:s1+s24], $0x80, s14, s24, $0xb8;
	[tilespmem:$0x1E800] =	vst v63  }
0x93: {  	_ =	swait.ge [sflag:s3], $0x2000  }
0x94: {  	[sflag:s3] =	ssyncset.done $0x0  }
0x95: {  	s14 =	sadd.s32 $0x1480, s13;
	[sflag:s3] =	ssyncadd.s32 $0xFFFFE000  }
0x96: {  	[spmem:s2] =	stream.indirect.scatter.add.f32 [tilespmem:s29], [sflag:$0x5], $0x80, s14, s24, $0xb8;
	[tilespmem:$0x1E800] =	vst v63  }
0x97: {  	_ =	swait.ge [sflag:s22], $0x2000  }
0x98: {  	[sflag:s22] =	ssyncset.done $0x0  }
0x99: {  	s14 =	sadd.s32 $0x140, s13;
	[sflag:s22] =	ssyncadd.s32 $0xFFFFE000  }
0x9a: {  	[tilespmem:s26], [sflag:$0x2] =	stream.indirect.gather [hbm4b:s1+s24], $0x80, s14, s24, $0xb8;
	[tilespmem:$0x1E800] =	vst v63  }
0x9b: {  	_ =	swait.ge [sflag:s6], $0x2000  }
0x9c: {  	[sflag:s6] =	ssyncset.done $0x0  }
.Ltmp1:
0x9d: {  	s14 =	sadd.s32 $0x14C0, s13;
	[sflag:s6] =	ssyncadd.s32 $0xFFFFE000;
	(pc) =	sbr.rel @p0 .LBB2_4-.Ltmp1, $4  }
0x9e: {  	[spmem:s2] =	stream.indirect.scatter.add.f32 [tilespmem:s31], [sflag:$0x5], $0x80, s14, s24, $0xb8;
	[tilespmem:$0x1E800] =	vst v63  }
0x9f: {  	_ =	swait.ge [sflag:s22], $0x2000  }
0xa0: {  	[sflag:s22] =	ssyncset.done $0x0  }
0xa1: {  	s13 =	sadd.s32 $0x180, s13;
	[sflag:s22] =	ssyncadd.s32 $0xFFFFE000  }
0xa2: {  	[tilespmem:s29], [sflag:$0x3] =	stream.indirect.gather [hbm4b:s1+s24], $0x80, s13, s24, $0xb8;
	[tilespmem:$0x1E800] =	vst v63  }
0xa3: {  	_ =	swait.ge [sflag:s30], $0x2000  }
0xa4: {  	[sflag:s30] =	ssyncset.done $0x0  }
0xa5: {  	[sflag:s30] =	ssyncadd.s32 $0xFFFFE000  }
0xa6: {  	[spmem:s2] =	stream.indirect.scatter.add.f32 [tilespmem:s21], [sflag:$0x5], $0x80, s7, s24, $0xb8;
	[tilespmem:$0x1E800] =	vst v63  }
0xa7: {  	_ =	swait.ge [sflag:s22], $0x2000  }
0xa8: {  	[sflag:s22] =	ssyncset.done $0x0  }
0xa9: {  	[sflag:s22] =	ssyncadd.s32 $0xFFFFE000  }
0xaa: {  	[tilespmem:s31], [sflag:$0x4] =	stream.indirect.gather [hbm4b:s1+s24], $0x80, s8, s24, $0xb8;
	[tilespmem:$0x1E800] =	vst v63  }
0xab: {  	_ =	swait.ge [sflag:s0], $0x2000  }
0xac: {  	[sflag:s0] =	ssyncset.done $0x0  }
0xad: {  	[sflag:s0] =	ssyncadd.s32 $0xFFFFE000  }
0xae: {  	[spmem:s2] =	stream.indirect.scatter.add.f32 [tilespmem:s26], [sflag:$0x5], $0x80, s9, s24, $0xb8;
	[tilespmem:$0x1E800] =	vst v63  }
0xaf: {  	_ =	swait.ge [sflag:s22], $0x2000  }
0xb0: {  	[sflag:s22] =	ssyncset.done $0x0  }
0xb1: {  	[sflag:s22] =	ssyncadd.s32 $0xFFFFE000  }
0xb2: {  	_ =	swait.ge [sflag:s3], $0x2000  }
0xb3: {  	[sflag:s3] =	ssyncset.done $0x0  }
0xb4: {  	[sflag:s3] =	ssyncadd.s32 $0xFFFFE000  }
0xb5: {  	[spmem:s2] =	stream.indirect.scatter.add.f32 [tilespmem:s29], [sflag:$0x5], $0x80, s10, s24, $0xb8;
	[tilespmem:$0x1E800] =	vst v63  }
0xb6: {  	_ =	swait.ge [sflag:s22], $0x2000  }
0xb7: {  	[sflag:s22] =	ssyncset.done $0x0  }
0xb8: {  	[sflag:s22] =	ssyncadd.s32 $0xFFFFE000  }
0xb9: {  	_ =	swait.ge [sflag:s6], $0x2000  }
0xba: {  	[sflag:s6] =	ssyncset.done $0x0  }
0xbb: {  	[sflag:s6] =	ssyncadd.s32 $0xFFFFE000  }
0xbc: {  	[spmem:s2] =	stream.indirect.scatter.add.f32 [tilespmem:s31], [sflag:$0x5], $0x80, s11, s24, $0xb8;
	[tilespmem:$0x1E800] =	vst v63  }
0xbd: {  	_ =	swait.ge [sflag:s22], $0x2000  }
0xbe: {  	[sflag:s22] =	ssyncset.done $0x0  }
0xbf: {  	s12 =	simm.s32 $0x0;
	s14 =	rddreg [dreg:$0x6];
	[sflag:s22] =	ssyncadd.s32 $0xFFFFE000  }
0xc0: {  	[tilespmem:s12], [sflag:$0x5] =	stream.linear.gather [hbm4b:s14+s12], $0x1400, $0x38;
	[tilespmem:$0x1E800] =	vst v63  }
0xc1: {  	_ =	swait.ge [sflag:s22], $0x1400  }
0xc2: {  	[sflag:s22] =	ssyncset.done $0x0  }
0xc3: {  	s14 =	rddreg [dreg:$0x7];
	[sflag:s22] =	ssyncadd.s32 $0xFFFFEC00  }
0xc4: {  	[tilespmem:s23], [sflag:$0x5] =	stream.linear.gather [hbm4b:s14+s12], $0x1400, $0x38;
	[tilespmem:$0x1E800] =	vst v63  }
0xc5: {  	_ =	swait.ge [sflag:s22], $0x1400  }
0xc6: {  	[sflag:s22] =	ssyncset.done $0x0  }
0xc7: {  	[sflag:s22] =	ssyncadd.s32 $0xFFFFEC00  }
0xc8: {  	[tilespmem:s21], [sflag:$0x1] =	stream.indirect.gather [hbm4b:s1+s24], $0x80, s12, s24, $0xb8;
	[tilespmem:$0x1E800] =	vst v63  }
0xc9: {  	_ = 	snop  }
0xca: {  	[tilespmem:s26], [sflag:$0x2] =	stream.indirect.gather [hbm4b:s1+s24], $0x80, s24, s24, $0xb8;
	[tilespmem:$0x1E800] =	vst v63  }
0xcb: {  	_ = 	snop  }
0xcc: {  	[tilespmem:s29], [sflag:$0x3] =	stream.indirect.gather [hbm4b:s1+s24], $0x80, s28, s24, $0xb8;
	[tilespmem:$0x1E800] =	vst v63  }
0xcd: {  	_ =	swait.ge [sflag:s30], $0x2000  }
0xce: {  	[sflag:s30] =	ssyncset.done $0x0  }
0xcf: {  	s14 =	simm.s32 $0x1400;
	[sflag:s30] =	ssyncadd.s32 $0xFFFFE000  }
0xd0: {  	[spmem:s2] =	stream.indirect.scatter.add.f32 [tilespmem:s21], [sflag:$0x5], $0x80, s14, s24, $0xb8;
	[tilespmem:$0x1E800] =	vst v63  }
0xd1: {  	_ =	swait.ge [sflag:s22], $0x2000  }
0xd2: {  	[sflag:s22] =	ssyncset.done $0x0  }
0xd3: {  	s13 =	simm.s32 $0xC0;
	[sflag:s22] =	ssyncadd.s32 $0xFFFFE000  }
0xd4: {  	[tilespmem:s31], [sflag:$0x4] =	stream.indirect.gather [hbm4b:s1+s24], $0x80, s13, s24, $0xb8;
	[tilespmem:$0x1E800] =	vst v63  }
0xd5: {  	_ =	swait.ge [sflag:s0], $0x2000  }
0xd6: {  	[sflag:s0] =	ssyncset.done $0x0  }
0xd7: {  	s14 =	simm.s32 $0x1440;
	[sflag:s0] =	ssyncadd.s32 $0xFFFFE000  }
0xd8: {  	[spmem:s2] =	stream.indirect.scatter.add.f32 [tilespmem:s26], [sflag:$0x5], $0x80, s14, s24, $0xb8;
	[tilespmem:$0x1E800] =	vst v63  }
0xd9: {  	_ =	swait.ge [sflag:s22], $0x2000  }
0xda: {  	[sflag:s22] =	ssyncset.done $0x0  }
0xdb: {  	s13 =	simm.s32 $0x100;
	[sflag:s22] =	ssyncadd.s32 $0xFFFFE000  }
0xdc: {  	[tilespmem:s21], [sflag:$0x1] =	stream.indirect.gather [hbm4b:s1+s24], $0x80, s13, s24, $0xb8;
	[tilespmem:$0x1E800] =	vst v63  }
0xdd: {  	_ =	swait.ge [sflag:s3], $0x2000  }
0xde: {  	[sflag:s3] =	ssyncset.done $0x0  }
0xdf: {  	s14 =	simm.s32 $0x1480;
	[sflag:s3] =	ssyncadd.s32 $0xFFFFE000  }
0xe0: {  	[spmem:s2] =	stream.indirect.scatter.add.f32 [tilespmem:s29], [sflag:$0x5], $0x80, s14, s24, $0xb8;
	[tilespmem:$0x1E800] =	vst v63  }
0xe1: {  	_ =	swait.ge [sflag:s22], $0x2000  }
0xe2: {  	[sflag:s22] =	ssyncset.done $0x0  }
0xe3: {  	s13 =	simm.s32 $0x140;
	[sflag:s22] =	ssyncadd.s32 $0xFFFFE000  }
0xe4: {  	[tilespmem:s26], [sflag:$0x2] =	stream.indirect.gather [hbm4b:s1+s24], $0x80, s13, s24, $0xb8;
	[tilespmem:$0x1E800] =	vst v63  }
0xe5: {  	_ =	swait.ge [sflag:s6], $0x2000  }
0xe6: {  	[sflag:s6] =	ssyncset.done $0x0  }
0xe7: {  	s14 =	simm.s32 $0x14C0;
	[sflag:s6] =	ssyncadd.s32 $0xFFFFE000  }
0xe8: {  	[spmem:s2] =	stream.indirect.scatter.add.f32 [tilespmem:s31], [sflag:$0x5], $0x80, s14, s24, $0xb8;
	[tilespmem:$0x1E800] =	vst v63  }
0xe9: {  	_ =	swait.ge [sflag:s22], $0x2000  }
0xea: {  	[sflag:s22] =	ssyncset.done $0x0  }
0xeb: {  	s12 =	simm.s32 $0x400;
	s13 =	simm.s32 $0x180;
	[sflag:s22] =	ssyncadd.s32 $0xFFFFE000  }
.LBB2_6:
0xec: {  	[tilespmem:s29], [sflag:$0x3] =	stream.indirect.gather [hbm4b:s1+s24], $0x80, s13, s24, $0xb8;
	[tilespmem:$0x1E800] =	vst v63  }
0xed: {  	s13 =	smov.u32 s12  }
0xee: {  	p0 =	sne.s32 s12, $0x4800;
	s12 =	sadd.s32 $0x400, s12;
	_ =	swait.ge [sflag:s30], $0x2000  }
0xef: {  	s13 =	sshra.s32 s13, $0x2;
	[sflag:s30] =	ssyncset.done $0x0  }
0xf0: {  	s14 =	sadd.s32 $0x1400, s13;
	[sflag:s30] =	ssyncadd.s32 $0xFFFFE000  }
0xf1: {  	[spmem:s2] =	stream.indirect.scatter.add.f32 [tilespmem:s21], [sflag:$0x5], $0x80, s14, s24, $0xb8;
	[tilespmem:$0x1E800] =	vst v63  }
0xf2: {  	_ =	swait.ge [sflag:s22], $0x2000  }
0xf3: {  	[sflag:s22] =	ssyncset.done $0x0  }
0xf4: {  	s14 =	sadd.s32 $0xC0, s13;
	[sflag:s22] =	ssyncadd.s32 $0xFFFFE000  }
0xf5: {  	[tilespmem:s31], [sflag:$0x4] =	stream.indirect.gather [hbm4b:s1+s24], $0x80, s14, s24, $0xb8;
	[tilespmem:$0x1E800] =	vst v63  }
0xf6: {  	_ =	swait.ge [sflag:s0], $0x2000  }
0xf7: {  	[sflag:s0] =	ssyncset.done $0x0  }
0xf8: {  	s14 =	sadd.s32 $0x1440, s13;
	[sflag:s0] =	ssyncadd.s32 $0xFFFFE000  }
0xf9: {  	[spmem:s2] =	stream.indirect.scatter.add.f32 [tilespmem:s26], [sflag:$0x5], $0x80, s14, s24, $0xb8;
	[tilespmem:$0x1E800] =	vst v63  }
0xfa: {  	_ =	swait.ge [sflag:s22], $0x2000  }
0xfb: {  	[sflag:s22] =	ssyncset.done $0x0  }
0xfc: {  	s14 =	sadd.s32 $0x100, s13;
	[sflag:s22] =	ssyncadd.s32 $0xFFFFE000  }
0xfd: {  	[tilespmem:s21], [sflag:$0x1] =	stream.indirect.gather [hbm4b:s1+s24], $0x80, s14, s24, $0xb8;
	[tilespmem:$0x1E800] =	vst v63  }
0xfe: {  	_ =	swait.ge [sflag:s3], $0x2000  }
0xff: {  	[sflag:s3] =	ssyncset.done $0x0  }
0x100: {  	s14 =	sadd.s32 $0x1480, s13;
	[sflag:s3] =	ssyncadd.s32 $0xFFFFE000  }
0x101: {  	[spmem:s2] =	stream.indirect.scatter.add.f32 [tilespmem:s29], [sflag:$0x5], $0x80, s14, s24, $0xb8;
	[tilespmem:$0x1E800] =	vst v63  }
0x102: {  	_ =	swait.ge [sflag:s22], $0x2000  }
0x103: {  	[sflag:s22] =	ssyncset.done $0x0  }
0x104: {  	s14 =	sadd.s32 $0x140, s13;
	[sflag:s22] =	ssyncadd.s32 $0xFFFFE000  }
0x105: {  	[tilespmem:s26], [sflag:$0x2] =	stream.indirect.gather [hbm4b:s1+s24], $0x80, s14, s24, $0xb8;
	[tilespmem:$0x1E800] =	vst v63  }
0x106: {  	_ =	swait.ge [sflag:s6], $0x2000  }
0x107: {  	[sflag:s6] =	ssyncset.done $0x0  }
.Ltmp2:
0x108: {  	s14 =	sadd.s32 $0x14C0, s13;
	[sflag:s6] =	ssyncadd.s32 $0xFFFFE000;
	(pc) =	sbr.rel @p0 .LBB2_6-.Ltmp2, $4  }
0x109: {  	[spmem:s2] =	stream.indirect.scatter.add.f32 [tilespmem:s31], [sflag:$0x5], $0x80, s14, s24, $0xb8;
	[tilespmem:$0x1E800] =	vst v63  }
0x10a: {  	_ =	swait.ge [sflag:s22], $0x2000  }
0x10b: {  	[sflag:s22] =	ssyncset.done $0x0  }
0x10c: {  	s13 =	sadd.s32 $0x180, s13;
	[sflag:s22] =	ssyncadd.s32 $0xFFFFE000  }
0x10d: {  	[tilespmem:s29], [sflag:$0x3] =	stream.indirect.gather [hbm4b:s1+s24], $0x80, s13, s24, $0xb8;
	[tilespmem:$0x1E800] =	vst v63  }
0x10e: {  	_ =	swait.ge [sflag:s30], $0x2000  }
0x10f: {  	[sflag:s30] =	ssyncset.done $0x0  }
0x110: {  	[sflag:s30] =	ssyncadd.s32 $0xFFFFE000  }
0x111: {  	[spmem:s2] =	stream.indirect.scatter.add.f32 [tilespmem:s21], [sflag:$0x5], $0x80, s7, s24, $0xb8;
	[tilespmem:$0x1E800] =	vst v63  }
0x112: {  	_ =	swait.ge [sflag:s22], $0x2000  }
0x113: {  	[sflag:s22] =	ssyncset.done $0x0  }
0x114: {  	[sflag:s22] =	ssyncadd.s32 $0xFFFFE000  }
0x115: {  	[tilespmem:s31], [sflag:$0x4] =	stream.indirect.gather [hbm4b:s1+s24], $0x80, s8, s24, $0xb8;
	[tilespmem:$0x1E800] =	vst v63  }
0x116: {  	_ =	swait.ge [sflag:s0], $0x2000  }
0x117: {  	[sflag:s0] =	ssyncset.done $0x0  }
0x118: {  	[sflag:s0] =	ssyncadd.s32 $0xFFFFE000  }
0x119: {  	[spmem:s2] =	stream.indirect.scatter.add.f32 [tilespmem:s26], [sflag:$0x5], $0x80, s9, s24, $0xb8;
	[tilespmem:$0x1E800] =	vst v63  }
0x11a: {  	_ =	swait.ge [sflag:s22], $0x2000  }
0x11b: {  	[sflag:s22] =	ssyncset.done $0x0  }
0x11c: {  	[sflag:s22] =	ssyncadd.s32 $0xFFFFE000  }
0x11d: {  	_ =	swait.ge [sflag:s3], $0x2000  }
0x11e: {  	[sflag:s3] =	ssyncset.done $0x0  }
0x11f: {  	[sflag:s3] =	ssyncadd.s32 $0xFFFFE000  }
0x120: {  	[spmem:s2] =	stream.indirect.scatter.add.f32 [tilespmem:s29], [sflag:$0x5], $0x80, s10, s24, $0xb8;
	[tilespmem:$0x1E800] =	vst v63  }
0x121: {  	_ =	swait.ge [sflag:s22], $0x2000  }
0x122: {  	[sflag:s22] =	ssyncset.done $0x0  }
0x123: {  	[sflag:s22] =	ssyncadd.s32 $0xFFFFE000  }
0x124: {  	_ =	swait.ge [sflag:s6], $0x2000  }
0x125: {  	[sflag:s6] =	ssyncset.done $0x0  }
0x126: {  	[sflag:s6] =	ssyncadd.s32 $0xFFFFE000  }
0x127: {  	[spmem:s2] =	stream.indirect.scatter.add.f32 [tilespmem:s31], [sflag:$0x5], $0x80, s11, s24, $0xb8;
	[tilespmem:$0x1E800] =	vst v63  }
0x128: {  	_ =	swait.ge [sflag:s22], $0x2000  }
0x129: {  	[sflag:s22] =	ssyncset.done $0x0  }
0x12a: {  	s12 =	stileid.u32;
	[sflag:s22] =	ssyncadd.s32 $0xFFFFE000  }
0x12b: {  	s12 =	sshll.u32 s12, $0x6;
	[bflag:$0x0] =	sbarrier.arrive $0xFFFF  }
0x12c: {  	s12 =	sor.u32 $0x1C05, s12;
	s14 =	rddreg [dreg:$0x8]  }
0x12d: {  	[hbm:s14], [sflag:s12] =	dma.local [spmem:s25], $0x2800  }
0x12e: {  	_ =	swait.ge [sflag:s22], $0x2800  }
0x12f: {  	s4 =	sadd.s32 $0x1, s4;
	s14 =	rddreg [dreg:$0x9]  }
0x130: {  	p0 =	sne.s32 s4, s14  }
.Ltmp3:
0x131: {  	_ = 	snop;
	(pc) =	sbr.rel @p0 .LBB2_1-.Ltmp3, $3  }
0x132: {  	_ =	sdelay $0x1  }
0x133: {  	[sflag:s22] =	ssyncset.done $0x0  }
0x134: {  	[sflag:s22] =	ssyncadd.s32 $0xFFFFD800  }
0x135: {  	_ =	sfence.sel $0x180000  }
0x136: {  	[bflag:$0x0] =	sbarrier.arrive $0xFFFF  }
0x137: {  	_ =	strace $0x9000004A  }
0x138: {  	s0 =	stileid.u32;
	[bflag:$0x2] =	sbarrier.arrive $0xFFFF  }
0x139: {  	p0 =	sne.s32 s0, $0x0;
	s0 =	rddreg [dreg:$0x3]  }
0x13a: {  	s0 =	sadd.s32 @!p0 $0x100000, s0  }
0x13b: {  	[sflag:s0] =	ssyncadd.tile.s32 @!p0 $0x1;
	_ =	shalt  }
.Lfunc_end2:
_tile_overlayer_lowered:
.L_overlay_start_2:
0x13c: {  	(tag) =	ssettag $0x2  }
0x13d: {  	s0 =	rddreg [dreg:$0x0];
	s2 =	stileid.u32  }
0x13e: {  	s1 =	rddreg [dreg:$0x1];
	p0 =	sne.s32 s2, $0x0  }
0x13f: {  	s3 =	rddreg [dreg:$0x2];
	[bflag:$0x3] =	sbarrier.arrive $0xFFFF;
	s2 =	simm.s32 @!p0 $0x1C05  }
0x140: {  	[timem:s3], [sflag:s2] =	dma.local @!p0 [hbm:s0], s1  }
0x141: {  	s0 =	simm.s32 @!p0 $0x5  }
0x142: {  	_ =	swait.ge @!p0 [sflag:s0], s1  }
0x143: {  	s1 =	ssub.s32 @!p0 $0x0, s1;
	[sflag:s0] =	ssyncset.done @!p0 $0x0  }
0x144: {  	[sflag:s0] =	ssyncadd.s32 @!p0 s1  }
0x145: {  	[bflag:$0x3] =	sbarrier.arrive $0xFFFF  }
0x146: {  	_ =	shalt  }

// kernel: kernel.15.cloned.1.call-start
scs
__scs_entry_jumppad:
0x0: {  	(pc) =	sbr.rel $0x88, $3  }
0x1: {  	(tag) =	ssettag $0x0;
	lr =	simm.s32 $0x1  }
0x2: {  	[smem:$0x3F9B] =	sst lr;
	_ =	strace $0xD0000000  }
0x3: {  	_ = 	snop  }
0x4: {  	_ = 	snop  }
0x5: {  	_ = 	snop  }
0x6: {  	_ = 	snop  }
0x7: {  	_ = 	snop  }
__scs_overlays_trampoline_lowered:
0x8: {  	[smem:$0x3FAA] =	sst s0  }
0x9: {  	[smem:$0x3FAB] =	sst s1  }
0xa: {  	[smem:$0x3FAC] =	sst s2  }
0xb: {  	[smem:$0x3FAD] =	sst s3  }
0xc: {  	[smem:$0x3FAE] =	sst s4  }
0xd: {  	[smem:$0x3FAF] =	sst s5  }
0xe: {  	[smem:$0x3FB0] =	sst s6  }
0xf: {  	[smem:$0x3FB1] =	sst s7  }
0x10: {  	[smem:$0x3FB2] =	sst s8  }
0x11: {  	[smem:$0x3FB3] =	sst s9;
	s0 =	simm.s32 @!p0 $0x0  }
0x12: {  	s1 =	sld [smem:$0x3F99];
	s0 =	simm.s32 @p0 $0x1  }
0x13: {  	[smem:$0x3FB4] =	sst s0;
	s0 =	simm.s32 @!p1 $0x0  }
0x14: {  	s2 =	sld [smem:$0x3F98];
	s0 =	simm.s32 @p1 $0x1  }
0x15: {  	[smem:$0x3FB5] =	sst s0;
	s0 =	simm.s32 @!p2 $0x0  }
0x16: {  	s3 =	sld [smem:$0x3FDB];
	s0 =	simm.s32 @p2 $0x1  }
0x17: {  	s4 =	simm.s32 $0x1BF5;
	[smem:$0x3FB7] =	sst s0  }
0x18: {  	s0 =	sld [smem:$0x3F9A];
	_ =	swait.ge [sflag:s4], $0x0  }
0x19: {  	s7 =	sld [smem:$0x3F9B]  }
0x1a: {  	s8 =	sadd.s32 $0xFFFFE003, lr  }
0x1b: {  	s9 =	sadd.s32 $0xFFFFFEF7, lr;
	s5 =	simm.s32 $0xFFFFFFFF;
	p2 =	slt.u32 s8, $0xFFFFF086  }
0x1c: {  	p1 =	slt.u32 s9, $0xF7A;
	s5 =	simm.s32 @!p2 $0x0  }
0x1d: {  	s5 =	simm.s32 @p1 $0x1;
	p0 =	seq.s32 s7, s2  }
0x1e: {  	s7 =	smul.u32 @!p0 $0xF7A, s2;
	p2 =	seq.s32 @!p0 s5, $0x0  }
0x1f: {  	s9 =	smul.u32 $0xF7A, s1;
	s8 =	simm.s32 @!p0 $0x1BF5;
	p2 =	por !p2, p0  }
0x20: {  	[sflag:s8] =	ssyncset.s32 @!p0 $0xFFFFF086;
	s6 =	sadd.s32 @!p0 s3, s7;
	s7 =	simm.s32 @!p0 $0x108  }
0x21: {  	s3 =	sadd.s32 s3, s9;
	s6 =	sadd.s32 @!p0 $0x88, s6;
	s7 =	simm.s32 @p2 $0x1082  }
0x22: {  	[simem:s7], [sflag:s8] =	dma.local @!p0 [hbm:s6], $0xF7A  }
0x23: {  	s9 =	sor.u32 $0xD0000000, s2;
	s6 =	simm.s32 $0x108;
	_ =	swait.ge @!p0 [sflag:s8], $0x0  }
0x24: {  	s3 =	sadd.s32 $0x88, s3;
	s6 =	simm.s32 @!p1 $0x1082;
	[sflag:s4] =	ssyncset.s32 $0xFFFFF086  }
0x25: {  	[simem:s6], [sflag:s4] =	dma.local [hbm:s3], $0xF7A  }
0x26: {  	[smem:$0x3F9B] =	sst s1;
	(tag) =	ssettag s2;
	_ =	strace s9  }
0x27: {  	s1 =	sld [smem:$0x3FAB]  }
0x28: {  	s2 =	sld [smem:$0x3FAC]  }
0x29: {  	s4 =	sld [smem:$0x3FAE]  }
0x2a: {  	p0 =	seq.s32 s5, $0x0;
	s5 =	sld [smem:$0x3FAF]  }
0x2b: {  	s6 =	sld [smem:$0x3FB0]  }
0x2c: {  	s7 =	sld [smem:$0x3FB1]  }
0x2d: {  	s3 =	simm.s32 $0x108;
	s8 =	sld [smem:$0x3FB2]  }
0x2e: {  	s3 =	simm.s32 @!p0 $0x1082;
	s9 =	sld [smem:$0x3FB3]  }
0x2f: {  	lr =	sadd.s32 s0, s3;
	s0 =	sld [smem:$0x3FAA]  }
0x30: {  	s3 =	sld [smem:$0x3FAD]  }
0x31: {  	[smem:$0x3FB6] =	sst s10  }
0x32: {  	s10 =	sld [smem:$0x3FB4];
	_ =	sdelay $0x3  }
0x33: {  	p0 =	seq.s32 s10, $0x1;
	s10 =	sld [smem:$0x3FB6];
	_ =	sdelay $0x3  }
0x34: {  	[smem:$0x3FB6] =	sst s10  }
0x35: {  	s10 =	sld [smem:$0x3FB5];
	_ =	sdelay $0x3  }
0x36: {  	p1 =	seq.s32 s10, $0x1;
	s10 =	sld [smem:$0x3FB6];
	_ =	sdelay $0x3  }
0x37: {  	[smem:$0x3FB6] =	sst s10  }
0x38: {  	s10 =	sld [smem:$0x3FB7]  }
0x39: {  	_ = 	snop;
	(pc) =	sbr.ind lr, $3  }
0x3a: {  	_ = 	snop  }
0x3b: {  	_ = 	snop  }
0x3c: {  	p2 =	seq.s32 s10, $0x1;
	s10 =	sld [smem:$0x3FB6]  }
0x3d: {  	_ =	shalt  }
0x3e: {  	_ =	shalt  }
0x3f: {  	_ =	shalt  }
0x40: {  	_ =	shalt  }
0x41: {  	_ =	shalt  }
0x42: {  	_ =	shalt  }
0x43: {  	_ =	shalt  }
0x44: {  	_ =	shalt  }
0x45: {  	_ =	shalt  }
0x46: {  	_ =	shalt  }
0x47: {  	_ =	shalt  }
0x48: {  	_ =	shalt  }
0x49: {  	_ =	shalt  }
0x4a: {  	_ =	shalt  }
0x4b: {  	_ =	shalt  }
0x4c: {  	_ =	shalt  }
0x4d: {  	_ =	shalt  }
0x4e: {  	_ =	shalt  }
0x4f: {  	_ =	shalt  }
0x50: {  	_ =	shalt  }
0x51: {  	_ =	shalt  }
0x52: {  	_ =	shalt  }
0x53: {  	_ =	shalt  }
0x54: {  	_ =	shalt  }
0x55: {  	_ =	shalt  }
0x56: {  	_ =	shalt  }
0x57: {  	_ =	shalt  }
0x58: {  	_ =	shalt  }
0x59: {  	_ =	shalt  }
0x5a: {  	_ =	shalt  }
0x5b: {  	_ =	shalt  }
0x5c: {  	_ =	shalt  }
0x5d: {  	_ =	shalt  }
0x5e: {  	_ =	shalt  }
0x5f: {  	_ =	shalt  }
0x60: {  	_ =	shalt  }
0x61: {  	_ =	shalt  }
0x62: {  	_ =	shalt  }
0x63: {  	_ =	shalt  }
0x64: {  	_ =	shalt  }
0x65: {  	_ =	shalt  }
0x66: {  	_ =	shalt  }
0x67: {  	_ =	shalt  }
0x68: {  	_ =	shalt  }
0x69: {  	_ =	shalt  }
0x6a: {  	_ =	shalt  }
0x6b: {  	_ =	shalt  }
0x6c: {  	_ =	shalt  }
0x6d: {  	_ =	shalt  }
0x6e: {  	_ =	shalt  }
0x6f: {  	_ =	shalt  }
0x70: {  	_ =	shalt  }
0x71: {  	_ =	shalt  }
0x72: {  	_ =	shalt  }
0x73: {  	_ =	shalt  }
0x74: {  	_ =	shalt  }
0x75: {  	_ =	shalt  }
0x76: {  	_ =	shalt  }
0x77: {  	_ =	shalt  }
0x78: {  	_ =	shalt  }
0x79: {  	_ =	shalt  }
0x7a: {  	_ =	shalt  }
0x7b: {  	_ =	shalt  }
0x7c: {  	_ =	shalt  }
0x7d: {  	_ =	shalt  }
0x7e: {  	_ =	shalt  }
0x7f: {  	_ =	shalt  }
0x80: {  	_ =	shalt  }
0x81: {  	_ =	shalt  }
0x82: {  	_ =	shalt  }
0x83: {  	_ =	shalt  }
0x84: {  	_ =	shalt  }
0x85: {  	_ =	shalt  }
0x86: {  	_ =	shalt  }
0x87: {  	_ =	shalt  }
.Lfunc_end0:
.L_simem_size_0:
called_computation.2_lowered:
.L_overlay_start_0:
0x88: {  	s2 =	sld [smem:$0x3FD9]  }
0x89: {  	s3 =	sld [smem:$0x3FFE];
	_ =	sdelay $0x1  }
0x8a: {  	s1 =	srdreg.scid  }
0x8b: {  	s0 =	sand.u32 $0x1, s1  }
0x8c: {  	s17 =	sshll.u32 s0, $0xA;
	s2 =	sadd.s32 s3, s2  }
0x8d: {  	s2 =	sadd.s32 s2, s17  }
0x8e: {  	[smem:$0x3FC2] =	sst s2  }
0x8f: {  	_ = 	snop  }
0x90: {  	s2 =	sld [smem:$0x3FD0];
	(tm) =	ssettm $0x1  }
0x91: {  	s18 =	sld [smem:$0x3FFB];
	_ =	sdelay $0x3  }
0x92: {  	_ =	strace s18  }
0x93: {  	s3 =	sld [smem:$0x3FFC];
	_ =	sdelay $0x3  }
0x94: {  	_ =	strace s3  }
0x95: {  	s3 =	sld [smem:$0x3FFD];
	_ =	sdelay $0x3  }
0x96: {  	_ =	strace s3  }
0x97: {  	_ =	strace $0x8FFFFFFF  }
0x98: {  	s19 =	sld [smem:$0x3FDB];
	_ =	sdelay $0x1  }
0x99: {  	s4 =	simm.s32 $_scs_section_size  }
0x9a: {  	s5 =	simm.s32 $_size__tile_overlayer_lowered;
	s6 =	simm.s32 $_tile_overlayer_lowered  }
0x9b: {  	s22 =	simm.s32 $0x1BFF;
	s21 =	sshll.u32 s6, $0x1;
	s3 =	sadd.s32 s4, s19  }
0x9c: {  	s7 =	simm.s32 $0x0;
	s20 =	sshll.u32 s5, $0x1;
	s5 =	sadd.s32 s21, s3  }
0x9d: {  	[timem:s7], [sflag:s22] =	dma.local [hbm:s5], s20  }
0x9e: {  	_ =	swait.ge [sflag:s22], s20  }
0x9f: {  	s4 =	ssub.s32 $0x0, s20;
	[sflag:s22] =	ssyncset.done $0x0  }
0xa0: {  	[sflag:s22] =	ssyncadd.s32 s4;
	_ =	sdelay $0x1  }
0xa1: {  	s23 =	simm.s32 $0x1B8B  }
0xa2: {  	_ =	swait.ge [sflag:s23], $0x1  }
0xa3: {  	[sflag:s23] =	ssyncset.done $0x0  }
0xa4: {  	s25 =	simm.s32 $0x1B8E;
	s24 =	sld [smem:$0x3FFE];
	[sflag:s23] =	ssyncadd.s32 $0xFFFFFFFF  }
0xa5: {  	s26 =	simm.s32 $execute0_lowered;
	[smem:$0x3FD2] =	sst s25  }
0xa6: {  	s5 =	sshll.u32 s26, $0x1;
	_ =	strace $0x8000004C;
	[dreg:$0x1] =	wrdreg $0xFFFFFFFF  }
0xa7: {  	s28 =	simm.s32 $_size_execute0_lowered;
	s3 =	sadd.s32 s3, s5;
	[dreg:$0x0] =	wrdreg $0x0  }
0xa8: {  	s5 =	sshll.u32 s28, $0x1;
	[dreg:$0x2] =	wrdreg s3  }
0xa9: {  	[dreg:$0x3] =	wrdreg s5  }
0xaa: {  	[dreg:$0x4] =	wrdreg $0xC0  }
0xab: {  	_ =	task [dreg:s7], $0x5FFFF  }
0xac: {  	[dreg:$0x1] =	wrdreg $0xFFFFFFFF  }
0xad: {  	[dreg:$0x0] =	wrdreg $0x60  }
0xae: {  	[dreg:$0x2] =	wrdreg s2  }
0xaf: {  	[dreg:$0x3] =	wrdreg s24  }
0xb0: {  	[dreg:$0x4] =	wrdreg $0xA8000  }
0xb1: {  	[dreg:$0x5] =	wrdreg $0x9  }
0xb2: {  	_ =	task.clear_ibuf [dreg:s7], $0x6FFFF;
	_ =	strace $0x9000004C  }
0xb3: {  	s29 =	simm.s32 $0x9;
	_ =	strace $0x8000004E  }
0xb4: {  	_ =	swait.ge [sflag:s29], $0x1  }
0xb5: {  	[sflag:s29] =	ssyncadd.s32 $0xFFFFFFFF  }
0xb6: {  	_ =	strace $0x9000004E  }
0xb7: {  	_ =	sfence  }
0xb8: {  	s30 =	sld [smem:$0x0];
	_ =	sdelay $0x2  }
0xb9: {  	s31 =	sshll.u32 s1, $0xD;
	s1 =	sshrl.u32 s1, $0x2  }
0xba: {  	s3 =	sand.u32 $0x4000, s31;
	s1 =	sadd.s32 s1, s30  }
0xbb: {  	s0 =	sor.u32 s3, s0;
	s1 =	sshll.u32 s1, $0x11  }
0xbc: {  	s0 =	sor.u32 s1, s0  }
0xbd: {  	s0 =	sadd.s32 $0x8F2B, s0  }
0xbe: {  	[sflag:s0] =	ssyncadd.remote.s32 $0x1  }
0xbf: {  	_ =	sfence.sel $0xFFFF  }
0xc0: {  	[dreg:$0x0] =	wrdreg $0xFFFFFFFF;
	(pc) =	sbr.abs _section_cstart, $3  }
0xc1: {  	[dreg:$0x1] =	wrdreg $0xFFFFFFFF  }
0xc2: {  	_ =	task.clear_ibuf [dreg:s7], $0x2FFFF;
	_ =	strace $0x9FFFFFFF  }
0xc3: {  	(tm) =	ssettm $0x7FFFFFFF  }
tec
execute0_lowered:
.L_overlay_start_1:
0x0: {  	(tag) =	ssettag $0x1  }
0x1: {  	s1 =	rddreg [dreg:$0x0]  }
0x2: {  	s0 =	rddreg [dreg:$0x1]  }
0x3: {  	s2 =	rddreg [dreg:$0x2];
	s4 =	simm.s32 $0x0;
	s3 =	srdreg.scid  }
0x4: {  	s10 =	stileid.u32;
	s21 =	simm.s32 $0x2800;
	s22 =	simm.s32 $0x5  }
0x5: {  	s23 =	simm.s32 $0x1400;
	s28 =	simm.s32 $0x80;
	s29 =	simm.s32 $0x6800  }
0x6: {  	s30 =	simm.s32 $0x1;
	s31 =	simm.s32 $0x8800;
	[smem:$0x7FF] =	sst s4  }
0x7: {  	s3 =	sand.u32 $0x1, s3;
	s6 =	smul.u32 $0x14000, s10;
	s7 =	sadd.s32 $0xD000, s0  }
0x8: {  	s8 =	sadd.s32 $0x3000, s0;
	s5 =	smul.u32 $0x140000, s3;
	s9 =	sshll.u32 s3, $0x4  }
0x9: {  	s3 =	ssub.s32 $0x2, s3;
	s9 =	sor.u32 s10, s9;
	s10 =	smul.u32 $0x50000, s10  }
0xa: {  	_ =	strace $0x8000004D;
	s24 =	sshrl.u32 s3, $0x1;
	s11 =	smul.u32 $0x2800, s9  }
0xb: {  	s14 =	sadd.s32 s6, s2;
	s5 =	sadd.s32 s6, s5;
	s9 =	smul.u32 $0x500, s9  }
0xc: {  	s3 =	ssub.s32 s3, s24;
	s6 =	simm.s32 $0x4;
	s5 =	sshrl.u32 s5, $0x3  }
0xd: {  	s25 =	sshrl.u32 s10, $0x2;
	s3 =	smax.u32 s3, $0x1;
	s0 =	sadd.s32 s5, s0  }
0xe: {  	s26 =	sshrl.u32 s11, $0x3;
	s5 =	sadd.s32 s25, s2;
	s12 =	sadd.s32 s7, s9  }
0xf: {  	s9 =	sadd.s32 s8, s9;
	[dreg:$0x9] =	wrdreg s3;
	s3 =	simm.s32 $0x3  }
0x10: {  	s11 =	simm.s32 $0x27C0;
	[dreg:$0x4] =	wrdreg s12;
	s10 =	sadd.s32 $0x280, s26  }
0x11: {  	[dreg:$0x5] =	wrdreg s9;
	s0 =	sadd.s32 $0x17000, s0;
	s24 =	sadd.s32 $0x2000, s5  }
0x12: {  	s25 =	sadd.s32 $0x4000, s5;
	s26 =	sadd.s32 $0x6000, s5;
	s15 =	sadd.s32 $0x8000, s5  }
0x13: {  	s16 =	sadd.s32 $0xA000, s5;
	s17 =	sadd.s32 $0xC000, s5;
	[dreg:$0x8] =	wrdreg s0  }
0x14: {  	s18 =	sadd.s32 $0xE000, s5;
	s19 =	sadd.s32 $0x10000, s5;
	[dreg:$0xa] =	wrdreg s24  }
0x15: {  	s20 =	sadd.s32 $0x12000, s5;
	s9 =	simm.s32 $0x2740;
	[dreg:$0xb] =	wrdreg s25  }
0x16: {  	s7 =	sadd.s32 s7, s10;
	s13 =	sadd.s32 s8, s10;
	[dreg:$0xc] =	wrdreg s26  }
0x17: {  	s24 =	simm.s32 $0x40;
	s25 =	sshrl.u32 s14, $0x3;
	s26 =	simm.s32 $0x4800  }
0x18: {  	s0 =	simm.s32 $0x2;
	s8 =	simm.s32 $0x13C0;
	[dreg:$0x6] =	wrdreg s7  }
0x19: {  	v0 =	vimm.f32 $0.0e+00;
	s10 =	simm.s32 $0x2780;
	[dreg:$0x7] =	wrdreg s13;
	s7 =	simm.s32 $0x2700  }
.LBB2_1:
0x1a: {  	s12 =	simm.s32 $0x0;
	s13 =	simm.s32 $0x200  }
.LBB2_2:
0x1b: {  	p0 =	sne.s32 s13, $0x7E00;
	[tilespmem:s12+$0x2870] =	vst v0  }
0x1c: {  	[tilespmem:s12+$0x2800] =	vst v0  }
0x1d: {  	[tilespmem:s12+$0x2810] =	vst v0  }
.Ltmp0:
0x1e: {  	[tilespmem:s12+$0x2820] =	vst v0;
	(pc) =	sbr.rel @p0 .LBB2_2-.Ltmp0, $4  }
0x1f: {  	[tilespmem:s12+$0x2830] =	vst v0  }
0x20: {  	[tilespmem:s12+$0x2840] =	vst v0  }
0x21: {  	[tilespmem:s12+$0x2850] =	vst v0  }
0x22: {  	[tilespmem:s12+$0x2860] =	vst v0;
	s12 =	sshra.s32 s13, $0x2;
	s13 =	sadd.s32 $0x200, s13  }
0x23: {  	[tilespmem:s12+$0x2870] =	vst v0  }
0x24: {  	[tilespmem:s12+$0x2800] =	vst v0  }
0x25: {  	[tilespmem:s12+$0x2810] =	vst v0  }
0x26: {  	[tilespmem:s12+$0x2820] =	vst v0  }
0x27: {  	[tilespmem:s12+$0x2830] =	vst v0  }
0x28: {  	[tilespmem:s12+$0x2840] =	vst v0  }
0x29: {  	[tilespmem:s12+$0x2850] =	vst v0  }
0x2a: {  	[tilespmem:s12+$0x2860] =	vst v0  }
0x2b: {  	[spmem:s5] =	stream.linear.scatter [tilespmem:s21], [sflag:$0x5], $0x2000, $0x38;
	[tilespmem:$0x1E800] =	vst v63  }
0x2c: {  	_ =	swait.ge [sflag:s22], $0x2000  }
0x2d: {  	[sflag:s22] =	ssyncset.done $0x0  }
0x2e: {  	s13 =	rddreg [dreg:$0xa];
	[sflag:s22] =	ssyncadd.s32 $0xFFFFE000  }
0x2f: {  	[spmem:s13] =	stream.linear.scatter [tilespmem:s21], [sflag:$0x5], $0x2000, $0x38;
	[tilespmem:$0x1E800] =	vst v63  }
0x30: {  	_ =	swait.ge [sflag:s22], $0x2000  }
0x31: {  	[sflag:s22] =	ssyncset.done $0x0  }
0x32: {  	s14 =	rddreg [dreg:$0xb];
	[sflag:s22] =	ssyncadd.s32 $0xFFFFE000  }
0x33: {  	[spmem:s14] =	stream.linear.scatter [tilespmem:s21], [sflag:$0x5], $0x2000, $0x38;
	[tilespmem:$0x1E800] =	vst v63  }
0x34: {  	_ =	swait.ge [sflag:s22], $0x2000  }
0x35: {  	[sflag:s22] =	ssyncset.done $0x0  }
0x36: {  	s13 =	rddreg [dreg:$0xc];
	[sflag:s22] =	ssyncadd.s32 $0xFFFFE000  }
0x37: {  	[spmem:s13] =	stream.linear.scatter [tilespmem:s21], [sflag:$0x5], $0x2000, $0x38;
	[tilespmem:$0x1E800] =	vst v63  }
0x38: {  	_ =	swait.ge [sflag:s22], $0x2000  }
0x39: {  	[sflag:s22] =	ssyncset.done $0x0  }
0x3a: {  	[sflag:s22] =	ssyncadd.s32 $0xFFFFE000  }
0x3b: {  	[spmem:s15] =	stream.linear.scatter [tilespmem:s21], [sflag:$0x5], $0x2000, $0x38;
	[tilespmem:$0x1E800] =	vst v63  }
0x3c: {  	_ =	swait.ge [sflag:s22], $0x2000  }
0x3d: {  	[sflag:s22] =	ssyncset.done $0x0  }
0x3e: {  	[sflag:s22] =	ssyncadd.s32 $0xFFFFE000  }
0x3f: {  	[spmem:s16] =	stream.linear.scatter [tilespmem:s21], [sflag:$0x5], $0x2000, $0x38;
	[tilespmem:$0x1E800] =	vst v63  }
0x40: {  	_ =	swait.ge [sflag:s22], $0x2000  }
0x41: {  	[sflag:s22] =	ssyncset.done $0x0  }
0x42: {  	[sflag:s22] =	ssyncadd.s32 $0xFFFFE000  }
0x43: {  	[spmem:s17] =	stream.linear.scatter [tilespmem:s21], [sflag:$0x5], $0x2000, $0x38;
	[tilespmem:$0x1E800] =	vst v63  }
0x44: {  	_ =	swait.ge [sflag:s22], $0x2000  }
0x45: {  	[sflag:s22] =	ssyncset.done $0x0  }
0x46: {  	[sflag:s22] =	ssyncadd.s32 $0xFFFFE000  }
0x47: {  	[spmem:s18] =	stream.linear.scatter [tilespmem:s21], [sflag:$0x5], $0x2000, $0x38;
	[tilespmem:$0x1E800] =	vst v63  }
0x48: {  	_ =	swait.ge [sflag:s22], $0x2000  }
0x49: {  	[sflag:s22] =	ssyncset.done $0x0  }
0x4a: {  	[sflag:s22] =	ssyncadd.s32 $0xFFFFE000  }
0x4b: {  	[spmem:s19] =	stream.linear.scatter [tilespmem:s21], [sflag:$0x5], $0x2000, $0x38;
	[tilespmem:$0x1E800] =	vst v63  }
0x4c: {  	_ =	swait.ge [sflag:s22], $0x2000  }
0x4d: {  	[sflag:s22] =	ssyncset.done $0x0  }
0x4e: {  	[sflag:s22] =	ssyncadd.s32 $0xFFFFE000  }
0x4f: {  	[spmem:s20] =	stream.linear.scatter [tilespmem:s21], [sflag:$0x5], $0x2000, $0x38;
	[tilespmem:$0x1E800] =	vst v63  }
0x50: {  	_ =	swait.ge [sflag:s22], $0x2000  }
0x51: {  	[sflag:s22] =	ssyncset.done $0x0  }
0x52: {  	[sflag:s22] =	ssyncadd.s32 $0xFFFFE000  }
0x53: {  	[bflag:$0x0] =	sbarrier.arrive $0xFFFF  }
0x54: {  	s12 =	simm.s32 $0x0;
	s13 =	rddreg [dreg:$0x4]  }
0x55: {  	[tilespmem:s12], [sflag:$0x5] =	stream.linear.gather [hbm4b:s13+s12], $0x1400, $0x38;
	[tilespmem:$0x1E800] =	vst v63  }
0x56: {  	_ =	swait.ge [sflag:s22], $0x1400  }
0x57: {  	[sflag:s22] =	ssyncset.done $0x0  }
0x58: {  	s14 =	rddreg [dreg:$0x5];
	[sflag:s22] =	ssyncadd.s32 $0xFFFFEC00  }
0x59: {  	[tilespmem:s23], [sflag:$0x5] =	stream.linear.gather [hbm4b:s14+s12], $0x1400, $0x38;
	[tilespmem:$0x1E800] =	vst v63  }
0x5a: {  	_ =	swait.ge [sflag:s22], $0x1400  }
0x5b: {  	[sflag:s22] =	ssyncset.done $0x0  }
0x5c: {  	[sflag:s22] =	ssyncadd.s32 $0xFFFFEC00  }
0x5d: {  	[tilespmem:s21], [sflag:$0x1] =	stream.indirect.gather [hbm4b:s1+s24], $0x80, s12, s24, $0xb8;
	[tilespmem:$0x1E800] =	vst v63  }
0x5e: {  	_ = 	snop  }
0x5f: {  	[tilespmem:s26], [sflag:$0x2] =	stream.indirect.gather [hbm4b:s1+s24], $0x80, s24, s24, $0xb8;
	[tilespmem:$0x1E800] =	vst v63  }
0x60: {  	_ = 	snop  }
0x61: {  	[tilespmem:s29], [sflag:$0x3] =	stream.indirect.gather [hbm4b:s1+s24], $0x80, s28, s24, $0xb8;
	[tilespmem:$0x1E800] =	vst v63  }
0x62: {  	_ =	swait.ge [sflag:s30], $0x2000  }
0x63: {  	[sflag:s30] =	ssyncset.done $0x0  }
0x64: {  	s14 =	simm.s32 $0x1400;
	[sflag:s30] =	ssyncadd.s32 $0xFFFFE000  }
0x65: {  	[spmem:s2] =	stream.indirect.scatter.add.f32 [tilespmem:s21], [sflag:$0x5], $0x80, s14, s24, $0xb8;
	[tilespmem:$0x1E800] =	vst v63  }
0x66: {  	_ =	swait.ge [sflag:s22], $0x2000  }
0x67: {  	[sflag:s22] =	ssyncset.done $0x0  }
0x68: {  	s13 =	simm.s32 $0xC0;
	[sflag:s22] =	ssyncadd.s32 $0xFFFFE000  }
0x69: {  	[tilespmem:s31], [sflag:$0x4] =	stream.indirect.gather [hbm4b:s1+s24], $0x80, s13, s24, $0xb8;
	[tilespmem:$0x1E800] =	vst v63  }
0x6a: {  	_ =	swait.ge [sflag:s0], $0x2000  }
0x6b: {  	[sflag:s0] =	ssyncset.done $0x0  }
0x6c: {  	s14 =	simm.s32 $0x1440;
	[sflag:s0] =	ssyncadd.s32 $0xFFFFE000  }
0x6d: {  	[spmem:s2] =	stream.indirect.scatter.add.f32 [tilespmem:s26], [sflag:$0x5], $0x80, s14, s24, $0xb8;
	[tilespmem:$0x1E800] =	vst v63  }
0x6e: {  	_ =	swait.ge [sflag:s22], $0x2000  }
0x6f: {  	[sflag:s22] =	ssyncset.done $0x0  }
0x70: {  	s13 =	simm.s32 $0x100;
	[sflag:s22] =	ssyncadd.s32 $0xFFFFE000  }
0x71: {  	[tilespmem:s21], [sflag:$0x1] =	stream.indirect.gather [hbm4b:s1+s24], $0x80, s13, s24, $0xb8;
	[tilespmem:$0x1E800] =	vst v63  }
0x72: {  	_ =	swait.ge [sflag:s3], $0x2000  }
0x73: {  	[sflag:s3] =	ssyncset.done $0x0  }
0x74: {  	s14 =	simm.s32 $0x1480;
	[sflag:s3] =	ssyncadd.s32 $0xFFFFE000  }
0x75: {  	[spmem:s2] =	stream.indirect.scatter.add.f32 [tilespmem:s29], [sflag:$0x5], $0x80, s14, s24, $0xb8;
	[tilespmem:$0x1E800] =	vst v63  }
0x76: {  	_ =	swait.ge [sflag:s22], $0x2000  }
0x77: {  	[sflag:s22] =	ssyncset.done $0x0  }
0x78: {  	s13 =	simm.s32 $0x140;
	[sflag:s22] =	ssyncadd.s32 $0xFFFFE000  }
0x79: {  	[tilespmem:s26], [sflag:$0x2] =	stream.indirect.gather [hbm4b:s1+s24], $0x80, s13, s24, $0xb8;
	[tilespmem:$0x1E800] =	vst v63  }
0x7a: {  	_ =	swait.ge [sflag:s6], $0x2000  }
0x7b: {  	[sflag:s6] =	ssyncset.done $0x0  }
0x7c: {  	s14 =	simm.s32 $0x14C0;
	[sflag:s6] =	ssyncadd.s32 $0xFFFFE000  }
0x7d: {  	[spmem:s2] =	stream.indirect.scatter.add.f32 [tilespmem:s31], [sflag:$0x5], $0x80, s14, s24, $0xb8;
	[tilespmem:$0x1E800] =	vst v63  }
0x7e: {  	_ =	swait.ge [sflag:s22], $0x2000  }
0x7f: {  	[sflag:s22] =	ssyncset.done $0x0  }
0x80: {  	s12 =	simm.s32 $0x400;
	s13 =	simm.s32 $0x180;
	[sflag:s22] =	ssyncadd.s32 $0xFFFFE000  }
.LBB2_4:
0x81: {  	[tilespmem:s29], [sflag:$0x3] =	stream.indirect.gather [hbm4b:s1+s24], $0x80, s13, s24, $0xb8;
	[tilespmem:$0x1E800] =	vst v63  }
0x82: {  	s13 =	smov.u32 s12  }
0x83: {  	p0 =	sne.s32 s12, $0x4800;
	s12 =	sadd.s32 $0x400, s12;
	_ =	swait.ge [sflag:s30], $0x2000  }
0x84: {  	s13 =	sshra.s32 s13, $0x2;
	[sflag:s30] =	ssyncset.done $0x0  }
0x85: {  	s14 =	sadd.s32 $0x1400, s13;
	[sflag:s30] =	ssyncadd.s32 $0xFFFFE000  }
0x86: {  	[spmem:s2] =	stream.indirect.scatter.add.f32 [tilespmem:s21], [sflag:$0x5], $0x80, s14, s24, $0xb8;
	[tilespmem:$0x1E800] =	vst v63  }
0x87: {  	_ =	swait.ge [sflag:s22], $0x2000  }
0x88: {  	[sflag:s22] =	ssyncset.done $0x0  }
0x89: {  	s14 =	sadd.s32 $0xC0, s13;
	[sflag:s22] =	ssyncadd.s32 $0xFFFFE000  }
0x8a: {  	[tilespmem:s31], [sflag:$0x4] =	stream.indirect.gather [hbm4b:s1+s24], $0x80, s14, s24, $0xb8;
	[tilespmem:$0x1E800] =	vst v63  }
0x8b: {  	_ =	swait.ge [sflag:s0], $0x2000  }
0x8c: {  	[sflag:s0] =	ssyncset.done $0x0  }
0x8d: {  	s14 =	sadd.s32 $0x1440, s13;
	[sflag:s0] =	ssyncadd.s32 $0xFFFFE000  }
0x8e: {  	[spmem:s2] =	stream.indirect.scatter.add.f32 [tilespmem:s26], [sflag:$0x5], $0x80, s14, s24, $0xb8;
	[tilespmem:$0x1E800] =	vst v63  }
0x8f: {  	_ =	swait.ge [sflag:s22], $0x2000  }
0x90: {  	[sflag:s22] =	ssyncset.done $0x0  }
0x91: {  	s14 =	sadd.s32 $0x100, s13;
	[sflag:s22] =	ssyncadd.s32 $0xFFFFE000  }
0x92: {  	[tilespmem:s21], [sflag:$0x1] =	stream.indirect.gather [hbm4b:s1+s24], $0x80, s14, s24, $0xb8;
	[tilespmem:$0x1E800] =	vst v63  }
0x93: {  	_ =	swait.ge [sflag:s3], $0x2000  }
0x94: {  	[sflag:s3] =	ssyncset.done $0x0  }
0x95: {  	s14 =	sadd.s32 $0x1480, s13;
	[sflag:s3] =	ssyncadd.s32 $0xFFFFE000  }
0x96: {  	[spmem:s2] =	stream.indirect.scatter.add.f32 [tilespmem:s29], [sflag:$0x5], $0x80, s14, s24, $0xb8;
	[tilespmem:$0x1E800] =	vst v63  }
0x97: {  	_ =	swait.ge [sflag:s22], $0x2000  }
0x98: {  	[sflag:s22] =	ssyncset.done $0x0  }
0x99: {  	s14 =	sadd.s32 $0x140, s13;
	[sflag:s22] =	ssyncadd.s32 $0xFFFFE000  }
0x9a: {  	[tilespmem:s26], [sflag:$0x2] =	stream.indirect.gather [hbm4b:s1+s24], $0x80, s14, s24, $0xb8;
	[tilespmem:$0x1E800] =	vst v63  }
0x9b: {  	_ =	swait.ge [sflag:s6], $0x2000  }
0x9c: {  	[sflag:s6] =	ssyncset.done $0x0  }
.Ltmp1:
0x9d: {  	s14 =	sadd.s32 $0x14C0, s13;
	[sflag:s6] =	ssyncadd.s32 $0xFFFFE000;
	(pc) =	sbr.rel @p0 .LBB2_4-.Ltmp1, $4  }
0x9e: {  	[spmem:s2] =	stream.indirect.scatter.add.f32 [tilespmem:s31], [sflag:$0x5], $0x80, s14, s24, $0xb8;
	[tilespmem:$0x1E800] =	vst v63  }
0x9f: {  	_ =	swait.ge [sflag:s22], $0x2000  }
0xa0: {  	[sflag:s22] =	ssyncset.done $0x0  }
0xa1: {  	s13 =	sadd.s32 $0x180, s13;
	[sflag:s22] =	ssyncadd.s32 $0xFFFFE000  }
0xa2: {  	[tilespmem:s29], [sflag:$0x3] =	stream.indirect.gather [hbm4b:s1+s24], $0x80, s13, s24, $0xb8;
	[tilespmem:$0x1E800] =	vst v63  }
0xa3: {  	_ =	swait.ge [sflag:s30], $0x2000  }
0xa4: {  	[sflag:s30] =	ssyncset.done $0x0  }
0xa5: {  	[sflag:s30] =	ssyncadd.s32 $0xFFFFE000  }
0xa6: {  	[spmem:s2] =	stream.indirect.scatter.add.f32 [tilespmem:s21], [sflag:$0x5], $0x80, s7, s24, $0xb8;
	[tilespmem:$0x1E800] =	vst v63  }
0xa7: {  	_ =	swait.ge [sflag:s22], $0x2000  }
0xa8: {  	[sflag:s22] =	ssyncset.done $0x0  }
0xa9: {  	[sflag:s22] =	ssyncadd.s32 $0xFFFFE000  }
0xaa: {  	[tilespmem:s31], [sflag:$0x4] =	stream.indirect.gather [hbm4b:s1+s24], $0x80, s8, s24, $0xb8;
	[tilespmem:$0x1E800] =	vst v63  }
0xab: {  	_ =	swait.ge [sflag:s0], $0x2000  }
0xac: {  	[sflag:s0] =	ssyncset.done $0x0  }
0xad: {  	[sflag:s0] =	ssyncadd.s32 $0xFFFFE000  }
0xae: {  	[spmem:s2] =	stream.indirect.scatter.add.f32 [tilespmem:s26], [sflag:$0x5], $0x80, s9, s24, $0xb8;
	[tilespmem:$0x1E800] =	vst v63  }
0xaf: {  	_ =	swait.ge [sflag:s22], $0x2000  }
0xb0: {  	[sflag:s22] =	ssyncset.done $0x0  }
0xb1: {  	[sflag:s22] =	ssyncadd.s32 $0xFFFFE000  }
0xb2: {  	_ =	swait.ge [sflag:s3], $0x2000  }
0xb3: {  	[sflag:s3] =	ssyncset.done $0x0  }
0xb4: {  	[sflag:s3] =	ssyncadd.s32 $0xFFFFE000  }
0xb5: {  	[spmem:s2] =	stream.indirect.scatter.add.f32 [tilespmem:s29], [sflag:$0x5], $0x80, s10, s24, $0xb8;
	[tilespmem:$0x1E800] =	vst v63  }
0xb6: {  	_ =	swait.ge [sflag:s22], $0x2000  }
0xb7: {  	[sflag:s22] =	ssyncset.done $0x0  }
0xb8: {  	[sflag:s22] =	ssyncadd.s32 $0xFFFFE000  }
0xb9: {  	_ =	swait.ge [sflag:s6], $0x2000  }
0xba: {  	[sflag:s6] =	ssyncset.done $0x0  }
0xbb: {  	[sflag:s6] =	ssyncadd.s32 $0xFFFFE000  }
0xbc: {  	[spmem:s2] =	stream.indirect.scatter.add.f32 [tilespmem:s31], [sflag:$0x5], $0x80, s11, s24, $0xb8;
	[tilespmem:$0x1E800] =	vst v63  }
0xbd: {  	_ =	swait.ge [sflag:s22], $0x2000  }
0xbe: {  	[sflag:s22] =	ssyncset.done $0x0  }
0xbf: {  	s12 =	simm.s32 $0x0;
	s14 =	rddreg [dreg:$0x6];
	[sflag:s22] =	ssyncadd.s32 $0xFFFFE000  }
0xc0: {  	[tilespmem:s12], [sflag:$0x5] =	stream.linear.gather [hbm4b:s14+s12], $0x1400, $0x38;
	[tilespmem:$0x1E800] =	vst v63  }
0xc1: {  	_ =	swait.ge [sflag:s22], $0x1400  }
0xc2: {  	[sflag:s22] =	ssyncset.done $0x0  }
0xc3: {  	s14 =	rddreg [dreg:$0x7];
	[sflag:s22] =	ssyncadd.s32 $0xFFFFEC00  }
0xc4: {  	[tilespmem:s23], [sflag:$0x5] =	stream.linear.gather [hbm4b:s14+s12], $0x1400, $0x38;
	[tilespmem:$0x1E800] =	vst v63  }
0xc5: {  	_ =	swait.ge [sflag:s22], $0x1400  }
0xc6: {  	[sflag:s22] =	ssyncset.done $0x0  }
0xc7: {  	[sflag:s22] =	ssyncadd.s32 $0xFFFFEC00  }
0xc8: {  	[tilespmem:s21], [sflag:$0x1] =	stream.indirect.gather [hbm4b:s1+s24], $0x80, s12, s24, $0xb8;
	[tilespmem:$0x1E800] =	vst v63  }
0xc9: {  	_ = 	snop  }
0xca: {  	[tilespmem:s26], [sflag:$0x2] =	stream.indirect.gather [hbm4b:s1+s24], $0x80, s24, s24, $0xb8;
	[tilespmem:$0x1E800] =	vst v63  }
0xcb: {  	_ = 	snop  }
0xcc: {  	[tilespmem:s29], [sflag:$0x3] =	stream.indirect.gather [hbm4b:s1+s24], $0x80, s28, s24, $0xb8;
	[tilespmem:$0x1E800] =	vst v63  }
0xcd: {  	_ =	swait.ge [sflag:s30], $0x2000  }
0xce: {  	[sflag:s30] =	ssyncset.done $0x0  }
0xcf: {  	s14 =	simm.s32 $0x1400;
	[sflag:s30] =	ssyncadd.s32 $0xFFFFE000  }
0xd0: {  	[spmem:s2] =	stream.indirect.scatter.add.f32 [tilespmem:s21], [sflag:$0x5], $0x80, s14, s24, $0xb8;
	[tilespmem:$0x1E800] =	vst v63  }
0xd1: {  	_ =	swait.ge [sflag:s22], $0x2000  }
0xd2: {  	[sflag:s22] =	ssyncset.done $0x0  }
0xd3: {  	s13 =	simm.s32 $0xC0;
	[sflag:s22] =	ssyncadd.s32 $0xFFFFE000  }
0xd4: {  	[tilespmem:s31], [sflag:$0x4] =	stream.indirect.gather [hbm4b:s1+s24], $0x80, s13, s24, $0xb8;
	[tilespmem:$0x1E800] =	vst v63  }
0xd5: {  	_ =	swait.ge [sflag:s0], $0x2000  }
0xd6: {  	[sflag:s0] =	ssyncset.done $0x0  }
0xd7: {  	s14 =	simm.s32 $0x1440;
	[sflag:s0] =	ssyncadd.s32 $0xFFFFE000  }
0xd8: {  	[spmem:s2] =	stream.indirect.scatter.add.f32 [tilespmem:s26], [sflag:$0x5], $0x80, s14, s24, $0xb8;
	[tilespmem:$0x1E800] =	vst v63  }
0xd9: {  	_ =	swait.ge [sflag:s22], $0x2000  }
0xda: {  	[sflag:s22] =	ssyncset.done $0x0  }
0xdb: {  	s13 =	simm.s32 $0x100;
	[sflag:s22] =	ssyncadd.s32 $0xFFFFE000  }
0xdc: {  	[tilespmem:s21], [sflag:$0x1] =	stream.indirect.gather [hbm4b:s1+s24], $0x80, s13, s24, $0xb8;
	[tilespmem:$0x1E800] =	vst v63  }
0xdd: {  	_ =	swait.ge [sflag:s3], $0x2000  }
0xde: {  	[sflag:s3] =	ssyncset.done $0x0  }
0xdf: {  	s14 =	simm.s32 $0x1480;
	[sflag:s3] =	ssyncadd.s32 $0xFFFFE000  }
0xe0: {  	[spmem:s2] =	stream.indirect.scatter.add.f32 [tilespmem:s29], [sflag:$0x5], $0x80, s14, s24, $0xb8;
	[tilespmem:$0x1E800] =	vst v63  }
0xe1: {  	_ =	swait.ge [sflag:s22], $0x2000  }
0xe2: {  	[sflag:s22] =	ssyncset.done $0x0  }
0xe3: {  	s13 =	simm.s32 $0x140;
	[sflag:s22] =	ssyncadd.s32 $0xFFFFE000  }
0xe4: {  	[tilespmem:s26], [sflag:$0x2] =	stream.indirect.gather [hbm4b:s1+s24], $0x80, s13, s24, $0xb8;
	[tilespmem:$0x1E800] =	vst v63  }
0xe5: {  	_ =	swait.ge [sflag:s6], $0x2000  }
0xe6: {  	[sflag:s6] =	ssyncset.done $0x0  }
0xe7: {  	s14 =	simm.s32 $0x14C0;
	[sflag:s6] =	ssyncadd.s32 $0xFFFFE000  }
0xe8: {  	[spmem:s2] =	stream.indirect.scatter.add.f32 [tilespmem:s31], [sflag:$0x5], $0x80, s14, s24, $0xb8;
	[tilespmem:$0x1E800] =	vst v63  }
0xe9: {  	_ =	swait.ge [sflag:s22], $0x2000  }
0xea: {  	[sflag:s22] =	ssyncset.done $0x0  }
0xeb: {  	s12 =	simm.s32 $0x400;
	s13 =	simm.s32 $0x180;
	[sflag:s22] =	ssyncadd.s32 $0xFFFFE000  }
.LBB2_6:
0xec: {  	[tilespmem:s29], [sflag:$0x3] =	stream.indirect.gather [hbm4b:s1+s24], $0x80, s13, s24, $0xb8;
	[tilespmem:$0x1E800] =	vst v63  }
0xed: {  	s13 =	smov.u32 s12  }
0xee: {  	p0 =	sne.s32 s12, $0x4800;
	s12 =	sadd.s32 $0x400, s12;
	_ =	swait.ge [sflag:s30], $0x2000  }
0xef: {  	s13 =	sshra.s32 s13, $0x2;
	[sflag:s30] =	ssyncset.done $0x0  }
0xf0: {  	s14 =	sadd.s32 $0x1400, s13;
	[sflag:s30] =	ssyncadd.s32 $0xFFFFE000  }
0xf1: {  	[spmem:s2] =	stream.indirect.scatter.add.f32 [tilespmem:s21], [sflag:$0x5], $0x80, s14, s24, $0xb8;
	[tilespmem:$0x1E800] =	vst v63  }
0xf2: {  	_ =	swait.ge [sflag:s22], $0x2000  }
0xf3: {  	[sflag:s22] =	ssyncset.done $0x0  }
0xf4: {  	s14 =	sadd.s32 $0xC0, s13;
	[sflag:s22] =	ssyncadd.s32 $0xFFFFE000  }
0xf5: {  	[tilespmem:s31], [sflag:$0x4] =	stream.indirect.gather [hbm4b:s1+s24], $0x80, s14, s24, $0xb8;
	[tilespmem:$0x1E800] =	vst v63  }
0xf6: {  	_ =	swait.ge [sflag:s0], $0x2000  }
0xf7: {  	[sflag:s0] =	ssyncset.done $0x0  }
0xf8: {  	s14 =	sadd.s32 $0x1440, s13;
	[sflag:s0] =	ssyncadd.s32 $0xFFFFE000  }
0xf9: {  	[spmem:s2] =	stream.indirect.scatter.add.f32 [tilespmem:s26], [sflag:$0x5], $0x80, s14, s24, $0xb8;
	[tilespmem:$0x1E800] =	vst v63  }
0xfa: {  	_ =	swait.ge [sflag:s22], $0x2000  }
0xfb: {  	[sflag:s22] =	ssyncset.done $0x0  }
0xfc: {  	s14 =	sadd.s32 $0x100, s13;
	[sflag:s22] =	ssyncadd.s32 $0xFFFFE000  }
0xfd: {  	[tilespmem:s21], [sflag:$0x1] =	stream.indirect.gather [hbm4b:s1+s24], $0x80, s14, s24, $0xb8;
	[tilespmem:$0x1E800] =	vst v63  }
0xfe: {  	_ =	swait.ge [sflag:s3], $0x2000  }
0xff: {  	[sflag:s3] =	ssyncset.done $0x0  }
0x100: {  	s14 =	sadd.s32 $0x1480, s13;
	[sflag:s3] =	ssyncadd.s32 $0xFFFFE000  }
0x101: {  	[spmem:s2] =	stream.indirect.scatter.add.f32 [tilespmem:s29], [sflag:$0x5], $0x80, s14, s24, $0xb8;
	[tilespmem:$0x1E800] =	vst v63  }
0x102: {  	_ =	swait.ge [sflag:s22], $0x2000  }
0x103: {  	[sflag:s22] =	ssyncset.done $0x0  }
0x104: {  	s14 =	sadd.s32 $0x140, s13;
	[sflag:s22] =	ssyncadd.s32 $0xFFFFE000  }
0x105: {  	[tilespmem:s26], [sflag:$0x2] =	stream.indirect.gather [hbm4b:s1+s24], $0x80, s14, s24, $0xb8;
	[tilespmem:$0x1E800] =	vst v63  }
0x106: {  	_ =	swait.ge [sflag:s6], $0x2000  }
0x107: {  	[sflag:s6] =	ssyncset.done $0x0  }
.Ltmp2:
0x108: {  	s14 =	sadd.s32 $0x14C0, s13;
	[sflag:s6] =	ssyncadd.s32 $0xFFFFE000;
	(pc) =	sbr.rel @p0 .LBB2_6-.Ltmp2, $4  }
0x109: {  	[spmem:s2] =	stream.indirect.scatter.add.f32 [tilespmem:s31], [sflag:$0x5], $0x80, s14, s24, $0xb8;
	[tilespmem:$0x1E800] =	vst v63  }
0x10a: {  	_ =	swait.ge [sflag:s22], $0x2000  }
0x10b: {  	[sflag:s22] =	ssyncset.done $0x0  }
0x10c: {  	s13 =	sadd.s32 $0x180, s13;
	[sflag:s22] =	ssyncadd.s32 $0xFFFFE000  }
0x10d: {  	[tilespmem:s29], [sflag:$0x3] =	stream.indirect.gather [hbm4b:s1+s24], $0x80, s13, s24, $0xb8;
	[tilespmem:$0x1E800] =	vst v63  }
0x10e: {  	_ =	swait.ge [sflag:s30], $0x2000  }
0x10f: {  	[sflag:s30] =	ssyncset.done $0x0  }
0x110: {  	[sflag:s30] =	ssyncadd.s32 $0xFFFFE000  }
0x111: {  	[spmem:s2] =	stream.indirect.scatter.add.f32 [tilespmem:s21], [sflag:$0x5], $0x80, s7, s24, $0xb8;
	[tilespmem:$0x1E800] =	vst v63  }
0x112: {  	_ =	swait.ge [sflag:s22], $0x2000  }
0x113: {  	[sflag:s22] =	ssyncset.done $0x0  }
0x114: {  	[sflag:s22] =	ssyncadd.s32 $0xFFFFE000  }
0x115: {  	[tilespmem:s31], [sflag:$0x4] =	stream.indirect.gather [hbm4b:s1+s24], $0x80, s8, s24, $0xb8;
	[tilespmem:$0x1E800] =	vst v63  }
0x116: {  	_ =	swait.ge [sflag:s0], $0x2000  }
0x117: {  	[sflag:s0] =	ssyncset.done $0x0  }
0x118: {  	[sflag:s0] =	ssyncadd.s32 $0xFFFFE000  }
0x119: {  	[spmem:s2] =	stream.indirect.scatter.add.f32 [tilespmem:s26], [sflag:$0x5], $0x80, s9, s24, $0xb8;
	[tilespmem:$0x1E800] =	vst v63  }
0x11a: {  	_ =	swait.ge [sflag:s22], $0x2000  }
0x11b: {  	[sflag:s22] =	ssyncset.done $0x0  }
0x11c: {  	[sflag:s22] =	ssyncadd.s32 $0xFFFFE000  }
0x11d: {  	_ =	swait.ge [sflag:s3], $0x2000  }
0x11e: {  	[sflag:s3] =	ssyncset.done $0x0  }
0x11f: {  	[sflag:s3] =	ssyncadd.s32 $0xFFFFE000  }
0x120: {  	[spmem:s2] =	stream.indirect.scatter.add.f32 [tilespmem:s29], [sflag:$0x5], $0x80, s10, s24, $0xb8;
	[tilespmem:$0x1E800] =	vst v63  }
0x121: {  	_ =	swait.ge [sflag:s22], $0x2000  }
0x122: {  	[sflag:s22] =	ssyncset.done $0x0  }
0x123: {  	[sflag:s22] =	ssyncadd.s32 $0xFFFFE000  }
0x124: {  	_ =	swait.ge [sflag:s6], $0x2000  }
0x125: {  	[sflag:s6] =	ssyncset.done $0x0  }
0x126: {  	[sflag:s6] =	ssyncadd.s32 $0xFFFFE000  }
0x127: {  	[spmem:s2] =	stream.indirect.scatter.add.f32 [tilespmem:s31], [sflag:$0x5], $0x80, s11, s24, $0xb8;
	[tilespmem:$0x1E800] =	vst v63  }
0x128: {  	_ =	swait.ge [sflag:s22], $0x2000  }
0x129: {  	[sflag:s22] =	ssyncset.done $0x0  }
0x12a: {  	s12 =	stileid.u32;
	[sflag:s22] =	ssyncadd.s32 $0xFFFFE000  }
0x12b: {  	s12 =	sshll.u32 s12, $0x6;
	[bflag:$0x0] =	sbarrier.arrive $0xFFFF  }
0x12c: {  	s12 =	sor.u32 $0x1C05, s12;
	s14 =	rddreg [dreg:$0x8]  }
0x12d: {  	[hbm:s14], [sflag:s12] =	dma.local [spmem:s25], $0x2800  }
0x12e: {  	_ =	swait.ge [sflag:s22], $0x2800  }
0x12f: {  	s4 =	sadd.s32 $0x1, s4;
	s14 =	rddreg [dreg:$0x9]  }
0x130: {  	p0 =	sne.s32 s4, s14  }
.Ltmp3:
0x131: {  	_ = 	snop;
	(pc) =	sbr.rel @p0 .LBB2_1-.Ltmp3, $3  }
0x132: {  	_ =	sdelay $0x1  }
0x133: {  	[sflag:s22] =	ssyncset.done $0x0  }
0x134: {  	[sflag:s22] =	ssyncadd.s32 $0xFFFFD800  }
0x135: {  	_ =	sfence.sel $0x180000  }
0x136: {  	[bflag:$0x0] =	sbarrier.arrive $0xFFFF  }
0x137: {  	_ =	strace $0x9000004D  }
0x138: {  	s0 =	stileid.u32;
	[bflag:$0x2] =	sbarrier.arrive $0xFFFF  }
0x139: {  	p0 =	sne.s32 s0, $0x0;
	s0 =	rddreg [dreg:$0x3]  }
0x13a: {  	s0 =	sadd.s32 @!p0 $0x100000, s0  }
0x13b: {  	[sflag:s0] =	ssyncadd.tile.s32 @!p0 $0x1;
	_ =	shalt  }
.Lfunc_end2:
_tile_overlayer_lowered:
.L_overlay_start_2:
0x13c: {  	(tag) =	ssettag $0x2  }
0x13d: {  	s0 =	rddreg [dreg:$0x0];
	s2 =	stileid.u32  }
0x13e: {  	s1 =	rddreg [dreg:$0x1];
	p0 =	sne.s32 s2, $0x0  }
0x13f: {  	s3 =	rddreg [dreg:$0x2];
	[bflag:$0x3] =	sbarrier.arrive $0xFFFF;
	s2 =	simm.s32 @!p0 $0x1C05  }
0x140: {  	[timem:s3], [sflag:s2] =	dma.local @!p0 [hbm:s0], s1  }
0x141: {  	s0 =	simm.s32 @!p0 $0x5  }
0x142: {  	_ =	swait.ge @!p0 [sflag:s0], s1  }
0x143: {  	s1 =	ssub.s32 @!p0 $0x0, s1;
	[sflag:s0] =	ssyncset.done @!p0 $0x0  }
0x144: {  	[sflag:s0] =	ssyncadd.s32 @!p0 s1  }
0x145: {  	[bflag:$0x3] =	sbarrier.arrive $0xFFFF  }
0x146: {  	_ =	shalt  }

// kernel: kernel.9.cloned.1.call-start
scs
__scs_entry_jumppad:
0x0: {  	(pc) =	sbr.rel $0x88, $3  }
0x1: {  	(tag) =	ssettag $0x0;
	lr =	simm.s32 $0x1  }
0x2: {  	[smem:$0x3F9B] =	sst lr;
	_ =	strace $0xD0000000  }
0x3: {  	_ = 	snop  }
0x4: {  	_ = 	snop  }
0x5: {  	_ = 	snop  }
0x6: {  	_ = 	snop  }
0x7: {  	_ = 	snop  }
__scs_overlays_trampoline_lowered:
0x8: {  	[smem:$0x3FAA] =	sst s0  }
0x9: {  	[smem:$0x3FAB] =	sst s1  }
0xa: {  	[smem:$0x3FAC] =	sst s2  }
0xb: {  	[smem:$0x3FAD] =	sst s3  }
0xc: {  	[smem:$0x3FAE] =	sst s4  }
0xd: {  	[smem:$0x3FAF] =	sst s5  }
0xe: {  	[smem:$0x3FB0] =	sst s6  }
0xf: {  	[smem:$0x3FB1] =	sst s7  }
0x10: {  	[smem:$0x3FB2] =	sst s8  }
0x11: {  	[smem:$0x3FB3] =	sst s9;
	s0 =	simm.s32 @!p0 $0x0  }
0x12: {  	s1 =	sld [smem:$0x3F99];
	s0 =	simm.s32 @p0 $0x1  }
0x13: {  	[smem:$0x3FB4] =	sst s0;
	s0 =	simm.s32 @!p1 $0x0  }
0x14: {  	s2 =	sld [smem:$0x3F98];
	s0 =	simm.s32 @p1 $0x1  }
0x15: {  	[smem:$0x3FB5] =	sst s0;
	s0 =	simm.s32 @!p2 $0x0  }
0x16: {  	s3 =	sld [smem:$0x3FDB];
	s0 =	simm.s32 @p2 $0x1  }
0x17: {  	s4 =	simm.s32 $0x1BF5;
	[smem:$0x3FB7] =	sst s0  }
0x18: {  	s0 =	sld [smem:$0x3F9A];
	_ =	swait.ge [sflag:s4], $0x0  }
0x19: {  	s7 =	sld [smem:$0x3F9B]  }
0x1a: {  	s8 =	sadd.s32 $0xFFFFE003, lr  }
0x1b: {  	s9 =	sadd.s32 $0xFFFFFEF7, lr;
	s5 =	simm.s32 $0xFFFFFFFF;
	p2 =	slt.u32 s8, $0xFFFFF086  }
0x1c: {  	p1 =	slt.u32 s9, $0xF7A;
	s5 =	simm.s32 @!p2 $0x0  }
0x1d: {  	s5 =	simm.s32 @p1 $0x1;
	p0 =	seq.s32 s7, s2  }
0x1e: {  	s7 =	smul.u32 @!p0 $0xF7A, s2;
	p2 =	seq.s32 @!p0 s5, $0x0  }
0x1f: {  	s9 =	smul.u32 $0xF7A, s1;
	s8 =	simm.s32 @!p0 $0x1BF5;
	p2 =	por !p2, p0  }
0x20: {  	[sflag:s8] =	ssyncset.s32 @!p0 $0xFFFFF086;
	s6 =	sadd.s32 @!p0 s3, s7;
	s7 =	simm.s32 @!p0 $0x108  }
0x21: {  	s3 =	sadd.s32 s3, s9;
	s6 =	sadd.s32 @!p0 $0x88, s6;
	s7 =	simm.s32 @p2 $0x1082  }
0x22: {  	[simem:s7], [sflag:s8] =	dma.local @!p0 [hbm:s6], $0xF7A  }
0x23: {  	s9 =	sor.u32 $0xD0000000, s2;
	s6 =	simm.s32 $0x108;
	_ =	swait.ge @!p0 [sflag:s8], $0x0  }
0x24: {  	s3 =	sadd.s32 $0x88, s3;
	s6 =	simm.s32 @!p1 $0x1082;
	[sflag:s4] =	ssyncset.s32 $0xFFFFF086  }
0x25: {  	[simem:s6], [sflag:s4] =	dma.local [hbm:s3], $0xF7A  }
0x26: {  	[smem:$0x3F9B] =	sst s1;
	(tag) =	ssettag s2;
	_ =	strace s9  }
0x27: {  	s1 =	sld [smem:$0x3FAB]  }
0x28: {  	s2 =	sld [smem:$0x3FAC]  }
0x29: {  	s4 =	sld [smem:$0x3FAE]  }
0x2a: {  	p0 =	seq.s32 s5, $0x0;
	s5 =	sld [smem:$0x3FAF]  }
0x2b: {  	s6 =	sld [smem:$0x3FB0]  }
0x2c: {  	s7 =	sld [smem:$0x3FB1]  }
0x2d: {  	s3 =	simm.s32 $0x108;
	s8 =	sld [smem:$0x3FB2]  }
0x2e: {  	s3 =	simm.s32 @!p0 $0x1082;
	s9 =	sld [smem:$0x3FB3]  }
0x2f: {  	lr =	sadd.s32 s0, s3;
	s0 =	sld [smem:$0x3FAA]  }
0x30: {  	s3 =	sld [smem:$0x3FAD]  }
0x31: {  	[smem:$0x3FB6] =	sst s10  }
0x32: {  	s10 =	sld [smem:$0x3FB4];
	_ =	sdelay $0x3  }
0x33: {  	p0 =	seq.s32 s10, $0x1;
	s10 =	sld [smem:$0x3FB6];
	_ =	sdelay $0x3  }
0x34: {  	[smem:$0x3FB6] =	sst s10  }
0x35: {  	s10 =	sld [smem:$0x3FB5];
	_ =	sdelay $0x3  }
0x36: {  	p1 =	seq.s32 s10, $0x1;
	s10 =	sld [smem:$0x3FB6];
	_ =	sdelay $0x3  }
0x37: {  	[smem:$0x3FB6] =	sst s10  }
0x38: {  	s10 =	sld [smem:$0x3FB7]  }
0x39: {  	_ = 	snop;
	(pc) =	sbr.ind lr, $3  }
0x3a: {  	_ = 	snop  }
0x3b: {  	_ = 	snop  }
0x3c: {  	p2 =	seq.s32 s10, $0x1;
	s10 =	sld [smem:$0x3FB6]  }
0x3d: {  	_ =	shalt  }
0x3e: {  	_ =	shalt  }
0x3f: {  	_ =	shalt  }
0x40: {  	_ =	shalt  }
0x41: {  	_ =	shalt  }
0x42: {  	_ =	shalt  }
0x43: {  	_ =	shalt  }
0x44: {  	_ =	shalt  }
0x45: {  	_ =	shalt  }
0x46: {  	_ =	shalt  }
0x47: {  	_ =	shalt  }
0x48: {  	_ =	shalt  }
0x49: {  	_ =	shalt  }
0x4a: {  	_ =	shalt  }
0x4b: {  	_ =	shalt  }
0x4c: {  	_ =	shalt  }
0x4d: {  	_ =	shalt  }
0x4e: {  	_ =	shalt  }
0x4f: {  	_ =	shalt  }
0x50: {  	_ =	shalt  }
0x51: {  	_ =	shalt  }
0x52: {  	_ =	shalt  }
0x53: {  	_ =	shalt  }
0x54: {  	_ =	shalt  }
0x55: {  	_ =	shalt  }
0x56: {  	_ =	shalt  }
0x57: {  	_ =	shalt  }
0x58: {  	_ =	shalt  }
0x59: {  	_ =	shalt  }
0x5a: {  	_ =	shalt  }
0x5b: {  	_ =	shalt  }
0x5c: {  	_ =	shalt  }
0x5d: {  	_ =	shalt  }
0x5e: {  	_ =	shalt  }
0x5f: {  	_ =	shalt  }
0x60: {  	_ =	shalt  }
0x61: {  	_ =	shalt  }
0x62: {  	_ =	shalt  }
0x63: {  	_ =	shalt  }
0x64: {  	_ =	shalt  }
0x65: {  	_ =	shalt  }
0x66: {  	_ =	shalt  }
0x67: {  	_ =	shalt  }
0x68: {  	_ =	shalt  }
0x69: {  	_ =	shalt  }
0x6a: {  	_ =	shalt  }
0x6b: {  	_ =	shalt  }
0x6c: {  	_ =	shalt  }
0x6d: {  	_ =	shalt  }
0x6e: {  	_ =	shalt  }
0x6f: {  	_ =	shalt  }
0x70: {  	_ =	shalt  }
0x71: {  	_ =	shalt  }
0x72: {  	_ =	shalt  }
0x73: {  	_ =	shalt  }
0x74: {  	_ =	shalt  }
0x75: {  	_ =	shalt  }
0x76: {  	_ =	shalt  }
0x77: {  	_ =	shalt  }
0x78: {  	_ =	shalt  }
0x79: {  	_ =	shalt  }
0x7a: {  	_ =	shalt  }
0x7b: {  	_ =	shalt  }
0x7c: {  	_ =	shalt  }
0x7d: {  	_ =	shalt  }
0x7e: {  	_ =	shalt  }
0x7f: {  	_ =	shalt  }
0x80: {  	_ =	shalt  }
0x81: {  	_ =	shalt  }
0x82: {  	_ =	shalt  }
0x83: {  	_ =	shalt  }
0x84: {  	_ =	shalt  }
0x85: {  	_ =	shalt  }
0x86: {  	_ =	shalt  }
0x87: {  	_ =	shalt  }
.Lfunc_end0:
.L_simem_size_0:
called_computation_lowered:
.L_overlay_start_0:
0x88: {  	s2 =	sld [smem:$0x3FD9]  }
0x89: {  	s3 =	sld [smem:$0x3FFE];
	_ =	sdelay $0x1  }
0x8a: {  	s1 =	srdreg.scid  }
0x8b: {  	s0 =	sand.u32 $0x1, s1  }
0x8c: {  	s16 =	sshll.u32 s0, $0xA;
	s2 =	sadd.s32 s3, s2  }
0x8d: {  	s2 =	sadd.s32 s2, s16  }
0x8e: {  	[smem:$0x3FC2] =	sst s2  }
0x8f: {  	_ = 	snop  }
0x90: {  	(tm) =	ssettm $0x1  }
0x91: {  	s17 =	sld [smem:$0x3FFB];
	_ =	sdelay $0x3  }
0x92: {  	_ =	strace s17  }
0x93: {  	s2 =	sld [smem:$0x3FFC];
	_ =	sdelay $0x3  }
0x94: {  	_ =	strace s2  }
0x95: {  	s2 =	sld [smem:$0x3FFD];
	_ =	sdelay $0x3  }
0x96: {  	_ =	strace s2  }
0x97: {  	_ =	strace $0x8FFFFFFF  }
0x98: {  	s18 =	sld [smem:$0x3FDB];
	_ =	sdelay $0x1  }
0x99: {  	s19 =	simm.s32 $_scs_section_size  }
0x9a: {  	s4 =	simm.s32 $_size__tile_overlayer_lowered;
	s5 =	simm.s32 $_tile_overlayer_lowered  }
0x9b: {  	s22 =	simm.s32 $0x1BFF;
	s21 =	sshll.u32 s5, $0x1;
	s2 =	sadd.s32 s19, s18  }
0x9c: {  	s6 =	simm.s32 $0x0;
	s20 =	sshll.u32 s4, $0x1;
	s4 =	sadd.s32 s21, s2  }
0x9d: {  	[timem:s6], [sflag:s22] =	dma.local [hbm:s4], s20  }
0x9e: {  	_ =	swait.ge [sflag:s22], s20  }
0x9f: {  	s3 =	ssub.s32 $0x0, s20;
	[sflag:s22] =	ssyncset.done $0x0  }
0xa0: {  	[sflag:s22] =	ssyncadd.s32 s3;
	_ =	sdelay $0x1  }
0xa1: {  	s23 =	simm.s32 $0x1B8B  }
0xa2: {  	_ =	swait.ge [sflag:s23], $0x1  }
0xa3: {  	[sflag:s23] =	ssyncset.done $0x0  }
0xa4: {  	s25 =	simm.s32 $0x1B8E;
	s24 =	sld [smem:$0x3FFE];
	[sflag:s23] =	ssyncadd.s32 $0xFFFFFFFF  }
0xa5: {  	s26 =	simm.s32 $execute0_lowered;
	[smem:$0x3FD2] =	sst s25  }
0xa6: {  	s4 =	sshll.u32 s26, $0x1;
	_ =	strace $0x80000046;
	[dreg:$0x1] =	wrdreg $0xFFFFFFFF  }
0xa7: {  	s28 =	simm.s32 $_size_execute0_lowered;
	s2 =	sadd.s32 s2, s4;
	[dreg:$0x0] =	wrdreg $0x0  }
0xa8: {  	s4 =	sshll.u32 s28, $0x1;
	[dreg:$0x2] =	wrdreg s2  }
0xa9: {  	[dreg:$0x3] =	wrdreg s4  }
0xaa: {  	[dreg:$0x4] =	wrdreg $0xC0  }
0xab: {  	_ =	task [dreg:s6], $0x5FFFF  }
0xac: {  	[dreg:$0x1] =	wrdreg $0xFFFFFFFF  }
0xad: {  	[dreg:$0x0] =	wrdreg $0x60  }
0xae: {  	[dreg:$0x2] =	wrdreg s24  }
0xaf: {  	[dreg:$0x3] =	wrdreg $0x78000  }
0xb0: {  	[dreg:$0x4] =	wrdreg $0x9  }
0xb1: {  	_ =	task.clear_ibuf [dreg:s6], $0x5FFFF;
	_ =	strace $0x90000046  }
0xb2: {  	s29 =	simm.s32 $0x9;
	_ =	strace $0x80000048  }
0xb3: {  	_ =	swait.ge [sflag:s29], $0x1  }
0xb4: {  	[sflag:s29] =	ssyncadd.s32 $0xFFFFFFFF  }
0xb5: {  	_ =	strace $0x90000048  }
0xb6: {  	_ =	sfence  }
0xb7: {  	s30 =	sld [smem:$0x0];
	_ =	sdelay $0x2  }
0xb8: {  	s31 =	sshll.u32 s1, $0xD;
	s1 =	sshrl.u32 s1, $0x2  }
0xb9: {  	s3 =	sand.u32 $0x4000, s31;
	s1 =	sadd.s32 s1, s30  }
0xba: {  	s0 =	sor.u32 s3, s0;
	s1 =	sshll.u32 s1, $0x11  }
0xbb: {  	s0 =	sor.u32 s1, s0  }
0xbc: {  	s0 =	sadd.s32 $0x8F2B, s0  }
0xbd: {  	[sflag:s0] =	ssyncadd.remote.s32 $0x1  }
0xbe: {  	_ =	sfence.sel $0xFFFF  }
0xbf: {  	[dreg:$0x0] =	wrdreg $0xFFFFFFFF;
	(pc) =	sbr.abs _section_cstart, $3  }
0xc0: {  	[dreg:$0x1] =	wrdreg $0xFFFFFFFF  }
0xc1: {  	_ =	task.clear_ibuf [dreg:s6], $0x2FFFF;
	_ =	strace $0x9FFFFFFF  }
0xc2: {  	(tm) =	ssettm $0x7FFFFFFF  }
0xc3: {  	_ =	shalt  }
tec
execute0_lowered:
.L_overlay_start_1:
0x0: {  	(tag) =	ssettag $0x1  }
0x1: {  	s4 =	rddreg [dreg:$0x0]  }
0x2: {  	s0 =	srdreg.scid;
	s2 =	rddreg [dreg:$0x1]  }
0x3: {  	s1 =	stileid.u32;
	s3 =	simm.s32 $0x0;
	s10 =	simm.s32 $0x40  }
0x4: {  	s11 =	simm.s32 $0x2800;
	s14 =	simm.s32 $0x10;
	s15 =	simm.s32 $0x2  }
0x5: {  	s5 =	sand.u32 $0x1, s0;
	s0 =	rddreg [dreg:$0x2];
	s8 =	smul.u32 $0x14000, s1  }
0x6: {  	s16 =	simm.s32 $0x0;
	[smem:$0x7FF] =	sst s3;
	s30 =	smul.u32 $0xA000, s1  }
0x7: {  	s12 =	sshll.u32 s1, $0x6;
	s6 =	sshll.u32 s5, $0x4;
	_ =	strace $0x80000047  }
0x8: {  	s5 =	ssub.s32 $0x2, s5;
	s12 =	sor.u32 $0x1C01, s12;
	s7 =	sor.u32 s1, s6  }
0x9: {  	s6 =	sor.u32 s6, s8;
	s31 =	sshrl.u32 s5, $0x1;
	s8 =	sshrl.u32 s30, $0x2  }
0xa: {  	s7 =	smul.u32 $0x500, s7;
	s6 =	sshrl.u32 s6, $0x3;
	s9 =	ssub.s32 s5, s31  }
0xb: {  	s5 =	sadd.s32 s8, s2;
	s8 =	simm.s32 $0x1;
	s6 =	sadd.s32 s6, s4  }
0xc: {  	s13 =	sshrl.u32 s5, $0x3;
	s7 =	sadd.s32 s7, s4;
	s6 =	sadd.s32 $0x17000, s6  }
0xd: {  	v0 =	vimm.f32 $1.000000000e+00;
	v1 =	vimm.f32 $0.0e+00;
	s4 =	sadd.s32 $0x3000, s7;
	s7 =	smax.u32 s9, $0x1;
	s9 =	simm.s32 $0x5000  }
.LBB2_1:
0xe: {  	[tilespmem:s3], [sflag:$0x1] =	stream.linear.gather [hbm4b:s4+s3], $0x2800, $0x38;
	[tilespmem:$0xA000] =	vst v63  }
0xf: {  	_ =	swait.ge [sflag:s8], $0x2800  }
0x10: {  	[sflag:s8] =	ssyncset.done $0x0  }
0x11: {  	s17 =	simm.s32 $0x40;
	s18 =	simm.s32 $0x0;
	[sflag:s8] =	ssyncadd.s32 $0xFFFFD800  }
.LBB2_2:
0x12: {  	p0 =	sne.s32 s17, $0x9FC0;
	[tilespmem:s18+$0x2800] =	vst v0;
	s19 =	smov.u32 s17;
	s17 =	sadd.s32 $0x40, s17  }
.Ltmp0:
0x13: {  	[tilespmem:s18+$0x5000] =	vst v1;
	(pc) =	sbr.rel @p0 .LBB2_2-.Ltmp0, $2  }
0x14: {  	_ =	sdelay $0x2  }
0x15: {  	s18 =	sshra.s32 s19, $0x2  }
0x16: {  	[tilespmem:s18+$0x2800] =	vst v0  }
0x17: {  	[tilespmem:s18+$0x5000] =	vst v1  }
0x18: {  	[spmem:s5] =	stream.linear.scatter [tilespmem:s9], [sflag:$0x1], $0x2800, $0x38;
	[tilespmem:$0xA000] =	vst v63  }
0x19: {  	_ =	swait.ge [sflag:s8], $0x2800  }
0x1a: {  	[sflag:s8] =	ssyncset.done $0x0  }
0x1b: {  	[sflag:s8] =	ssyncadd.s32 $0xFFFFD800  }
0x1c: {  	s17 =	simm.s32 $0x0;
	[bflag:$0x0] =	sbarrier.arrive $0xFFFF  }
0x1d: {  	[spmem:s2] =	stream.indirect.scatter.add.f32 [tilespmem:s11], [sflag:$0x1], $0x10, s17, s10, $0xb8;
	[tilespmem:$0xA000] =	vst v63  }
0x1e: {  	_ =	swait.ge [sflag:s8], $0x400  }
0x1f: {  	s17 =	simm.s32 $0x100;
	[sflag:s8] =	ssyncset.done $0x0  }
.LBB2_4:
0x20: {  	s18 =	sshra.s32 s17, $0x2;
	[sflag:s8] =	ssyncadd.s32 $0xFFFFFC00;
	p0 =	sne.s32 s17, $0x9F00  }
0x21: {  	[spmem:s2] =	stream.indirect.scatter.add.f32 [tilespmem:s11], [sflag:$0x1], $0x10, s18, s10, $0xb8;
	[tilespmem:$0xA000] =	vst v63  }
.Ltmp1:
0x22: {  	_ = 	snop;
	(pc) =	sbr.rel @p0 .LBB2_4-.Ltmp1, $4  }
0x23: {  	_ = 	snop  }
0x24: {  	s17 =	sadd.s32 $0x100, s17  }
0x25: {  	_ =	swait.ge [sflag:s8], $0x400  }
0x26: {  	[sflag:s8] =	ssyncset.done $0x0  }
0x27: {  	s16 =	sadd.s32 $0x1, s16  }
0x28: {  	[sflag:s8] =	ssyncadd.s32 $0xFFFFFC00;
	p0 =	sne.s32 s16, s7  }
.Ltmp2:
0x29: {  	[bflag:$0x0] =	sbarrier.arrive $0xFFFF;
	(pc) =	sbr.rel @p0 .LBB2_1-.Ltmp2, $4  }
0x2a: {  	[hbm:s6@s14], [sflag:s12] =	dma.strided [spmem:s13@s15], $0x500, s8, $0x2   }
0x2b: {  	_ =	swait.ge [sflag:s8], $0x500  }
0x2c: {  	[sflag:s8] =	ssyncset.done $0x0  }
0x2d: {  	[sflag:s8] =	ssyncadd.s32 $0xFFFFFB00  }
0x2e: {  	_ =	sfence.sel $0x180000  }
0x2f: {  	[bflag:$0x0] =	sbarrier.arrive $0xFFFF  }
0x30: {  	p0 =	sne.s32 s1, $0x0;
	_ =	strace $0x90000047  }
0x31: {  	s0 =	sadd.s32 @!p0 $0x100000, s0;
	[bflag:$0x2] =	sbarrier.arrive $0xFFFF  }
0x32: {  	[sflag:s0] =	ssyncadd.tile.s32 @!p0 $0x1;
	_ =	shalt  }
.Lfunc_end2:
_tile_overlayer_lowered:
.L_overlay_start_2:
0x33: {  	(tag) =	ssettag $0x2  }
0x34: {  	s0 =	rddreg [dreg:$0x0];
	s2 =	stileid.u32  }
0x35: {  	s1 =	rddreg [dreg:$0x1];
	p0 =	sne.s32 s2, $0x0  }
0x36: {  	s3 =	rddreg [dreg:$0x2];
	[bflag:$0x3] =	sbarrier.arrive $0xFFFF;
	s2 =	simm.s32 @!p0 $0x1C01  }
0x37: {  	[timem:s3], [sflag:s2] =	dma.local @!p0 [hbm:s0], s1  }
0x38: {  	s0 =	simm.s32 @!p0 $0x1  }
0x39: {  	_ =	swait.ge @!p0 [sflag:s0], s1  }
0x3a: {  	s1 =	ssub.s32 @!p0 $0x0, s1;
	[sflag:s0] =	ssyncset.done @!p0 $0x0  }
0x3b: {  	[sflag:s0] =	ssyncadd.s32 @!p0 s1  }
0x3c: {  	[bflag:$0x3] =	sbarrier.arrive $0xFFFF  }
0x3d: {  	_ =	shalt  }

</sc_bundles>
